<compile_context>
chip_gen: v7x
topology: tpu7x:2x2x1
jax: 0.10.2.dev20260603
libtpu: 0.0.44.dev20260713+nightly
codegen_flags: <defaults>
</compile_context>

<pallas_src>
import functools

import jax
import jax.numpy as jnp
import numpy as np
from jax import lax
from jax.experimental import pallas as pl
from jax.experimental.pallas import tpu as pltpu
from jax.experimental.pallas import tpu_sc as plsc

_B, _N, _K = 2, 1024, 32
_D, _H, _P = 128, 128, 8
_SCALE = 10.0
_TW = 128
_CW = 240
_T1 = 512
_TN = 128
_E2 = _TN * _K


def _pass1_body(x12_ref, hv_ref, wp_ref, bp_ref, w1c_ref, wnode_ref, b1_ref,
                wv_ref, table_ref, ctra_ref, z1_ref):
    x = x12_ref[...]
    hv = hv_ref[...]
    xn, xca, xc = x[:, 0:3], x[:, 3:6], x[:, 6:9]
    v1 = xc - xca
    v2 = xn - xca
    e1 = v1 / jnp.sqrt(jnp.sum(v1 * v1, -1, keepdims=True) + 1e-8)
    u2 = v2 - e1 * jnp.sum(e1 * v2, -1, keepdims=True)
    e2 = u2 / jnp.sqrt(jnp.sum(u2 * u2, -1, keepdims=True) + 1e-8)
    a1, a2, a3 = e1[:, 0:1], e1[:, 1:2], e1[:, 2:3]
    c1, c2, c3 = e2[:, 0:1], e2[:, 1:2], e2[:, 2:3]
    e3 = jnp.concatenate([a2 * c3 - a3 * c2, a3 * c1 - a1 * c3,
                          a1 * c2 - a2 * c1], axis=1)
    t = xca / _SCALE
    frames = jnp.concatenate([e1, e2, e3, t], axis=1)
    pl_cm = jnp.dot(hv, wp_ref[...],
                    preferred_element_type=jnp.float32) + bp_ref[...]
    plno = jnp.sqrt(pl_cm[:, 0:8] ** 2 + pl_cm[:, 8:16] ** 2
                    + pl_cm[:, 16:24] ** 2 + 1e-8)
    pgs = []
    for i in range(3):
        s = (frames[:, 0 + i:1 + i] * pl_cm[:, 0:8]
             + frames[:, 3 + i:4 + i] * pl_cm[:, 8:16]
             + frames[:, 6 + i:7 + i] * pl_cm[:, 16:24]
             + frames[:, 9 + i:10 + i])
        pgs.append(s)
    r = jnp.dot(hv, w1c_ref[...], preferred_element_type=jnp.float32)
    ru = lax.bitcast_convert_type(r, jnp.uint32) + jnp.uint32(0x8000)
    hi = ru[:, 0:64] & jnp.uint32(0xFFFF0000)
    lo = (ru[:, 64:128] & jnp.uint32(0xFFFF0000)) >> 16
    rp = lax.bitcast_convert_type(hi | lo, jnp.float32)
    pad = jnp.zeros((x.shape[0], _TW - 88), jnp.float32)
    table_ref[...] = jnp.concatenate([rp] + pgs + [pad], axis=1)
    ones8 = jnp.ones((1, 8), jnp.float32)
    tb = jnp.concatenate([frames[:, 9 + j:10 + j] * ones8 for j in range(3)],
                         axis=1)
    cblk = [jnp.concatenate(
        [frames[:, 3 * i + j:3 * i + j + 1] * ones8 for j in range(3)],
        axis=1) for i in range(3)]
    onesb = jnp.ones_like(tb)
    a_arr = jnp.concatenate([onesb, cblk[0], cblk[1], cblk[2], -onesb], axis=1)
    b_arr = jnp.concatenate(
        [-tb, -tb * cblk[0], -tb * cblk[1], -tb * cblk[2],
         jnp.concatenate(pgs, axis=1)], axis=1)
    ctra_ref[...] = jnp.concatenate([a_arr, b_arr], axis=1)
    del wv_ref
    z1_ref[...] = jnp.dot(jnp.concatenate([hv, pl_cm, plno], axis=1),
                          wnode_ref[...],
                          preferred_element_type=jnp.float32) + b1_ref[...]


def _pass1(x12, hv2, wp_cm, bp_cm, w1c, wnode, b1, wv):
    m = _B * _N
    grid = (m // _T1,)
    row = lambda i: (i, 0)
    whole = lambda i: (0, 0)
    return pl.pallas_call(
        _pass1_body,
        grid=grid,
        in_specs=[
            pl.BlockSpec((_T1, 12), row),
            pl.BlockSpec((_T1, _D), row),
            pl.BlockSpec((_D, 24), whole),
            pl.BlockSpec((1, 24), whole),
            pl.BlockSpec((_D, _H), whole),
            pl.BlockSpec((_D + 32, _H), whole),
            pl.BlockSpec((1, _H), whole),
            pl.BlockSpec((120, _H), whole),
        ],
        out_specs=[
            pl.BlockSpec((_T1, _TW), row),
            pl.BlockSpec((_T1, _CW), row),
            pl.BlockSpec((_T1, _H), row),
        ],
        out_shape=[
            jax.ShapeDtypeStruct((m, _TW), jnp.float32),
            jax.ShapeDtypeStruct((m, _CW), jnp.float32),
            jax.ShapeDtypeStruct((m, _H), jnp.float32),
        ],
    )(x12, hv2, wp_cm, bp_cm, w1c, wnode, b1, wv)


def _sc_gather(table, gidx):
    info = plsc.get_sparse_core_info()
    nw = info.num_cores * info.num_subcores
    tot = gidx.shape[0]
    per_w = tot // nw
    ch = 128
    n_ch = per_w // ch
    mesh = plsc.VectorSubcoreMesh(core_axis_name="c", subcore_axis_name="s")

    @functools.partial(
        pl.kernel, mesh=mesh,
        out_type=jax.ShapeDtypeStruct((tot, _TW), jnp.float32),
        scratch_types=[
            pltpu.VMEM((per_w,), jnp.int32),
            pltpu.VMEM((2, ch, _TW), jnp.float32),
            pltpu.SemaphoreType.DMA,
            pltpu.SemaphoreType.DMA,
        ],
    )
    def k(table_hbm, idx_hbm, out_hbm, idx_v, buf_v, sem0, sem1):
        wid = lax.axis_index("s") * info.num_cores + lax.axis_index("c")
        base = wid * per_w
        pltpu.sync_copy(idx_hbm.at[pl.ds(base, per_w)], idx_v)
        sems = (sem0, sem1)
        cps = [None, None]

        def start(c):
            b = c & 1
            cps[b] = pltpu.async_copy(
                table_hbm.at[idx_v.at[pl.ds(c * ch, ch)]], buf_v.at[b],
                sems[b])

        start(0)
        for c in range(n_ch):
            b = c & 1
            if c + 1 < n_ch:
                start(c + 1)
            cps[b].wait()
            pltpu.sync_copy(buf_v.at[b], out_hbm.at[pl.ds(base + c * ch, ch)])

    return k(table, gidx)


def _ln_rows(x, g, b):
    mu = jnp.mean(x, -1, keepdims=True)
    var = jnp.mean((x - mu) ** 2, -1, keepdims=True)
    return (x - mu) / jnp.sqrt(var + 1e-5) * g + b


def _pass2_body(he_ref, g_ref, ctra_ref, z1_ref, hv_ref,
                exp_ref, trep_ref, ssum_ref,
                w1he_ref, wv_ref, w1nn_ref,
                w2_ref, b2_ref, w3_ref, b3_ref,
                ln0g_ref, ln0b_ref, wd1_ref, bd1_ref, wd2_ref, bd2_ref,
                ln1g_ref, ln1b_ref, out_ref):
    f32 = jnp.float32
    he = he_ref[...]
    g = g_ref[...]
    ctrn = jnp.concatenate([ctra_ref[...], z1_ref[...]], axis=1)
    ab = jnp.dot(exp_ref[...], ctrn.astype(jnp.bfloat16),
                 preferred_element_type=f32)
    gu = lax.bitcast_convert_type(g[:, 0:64], jnp.uint32)
    r_hi = lax.bitcast_convert_type(gu & jnp.uint32(0xFFFF0000), f32)
    r_lo = lax.bitcast_convert_type(gu << 16, f32)
    rfull = jnp.concatenate([r_hi, r_lo], axis=1)
    npg = g[:, 64:88]
    v = (jnp.dot(npg, trep_ref[...], preferred_element_type=f32)
         * ab[:, 0:120] + ab[:, 120:240])
    ns = jnp.dot(v * v, ssum_ref[...], preferred_element_type=f32)
    nn = jnp.sqrt(ns + 1e-8)
    x1 = (ab[:, 240:368] + rfull
          + jnp.dot(he.astype(jnp.bfloat16), w1he_ref[...],
                    preferred_element_type=f32)
          + jnp.dot(v.astype(jnp.bfloat16), wv_ref[...],
                    preferred_element_type=f32)
          + jnp.dot(nn, w1nn_ref[...], preferred_element_type=f32))
    h1 = jnp.maximum(x1, 0.0).astype(jnp.bfloat16)
    h2 = jnp.maximum(
        jnp.dot(h1, w2_ref[...], preferred_element_type=f32) + b2_ref[...],
        0.0).astype(jnp.bfloat16)
    h3 = jnp.dot(h2, w3_ref[...], preferred_element_type=f32) + b3_ref[...]
    m = jnp.mean(h3.reshape(_TN, _K, _H), axis=1)
    h = _ln_rows(hv_ref[...] + m, ln0g_ref[...], ln0b_ref[...])
    dm = jnp.dot(
        jnp.maximum(jnp.dot(h, wd1_ref[...],
                            preferred_element_type=f32) + bd1_ref[...], 0.0),
        wd2_ref[...], preferred_element_type=f32) + bd2_ref[...]
    out_ref[...] = _ln_rows(h + dm, ln1g_ref[...], ln1b_ref[...])


def _pass2(he_r, g, ctra, z1, hv2, expm, trep, ssum, w1he, wv, w1nn,
           w2, b2, w3, b3, ln0g, ln0b, wd1, bd1, wd2, bd2, ln1g, ln1b,
           base_node, n_nodes):
    grid = (n_nodes // _TN,)
    boff = base_node // _TN
    erow = lambda i: (i + boff, 0)
    nrow = lambda i: (i + boff, 0)
    gorow = lambda i: (i, 0)
    whole = lambda i: (0, 0)
    return pl.pallas_call(
        _pass2_body,
        grid=grid,
        in_specs=[
            pl.BlockSpec((_E2, _D), erow),
            pl.BlockSpec((_E2, _TW), gorow),
            pl.BlockSpec((_TN, _CW), nrow),
            pl.BlockSpec((_TN, _H), nrow),
            pl.BlockSpec((_TN, _D), nrow),
            pl.BlockSpec((_E2, _TN), whole),
            pl.BlockSpec((24, 120), whole),
            pl.BlockSpec((120, 16), whole),
            pl.BlockSpec((_D, _H), whole),
            pl.BlockSpec((120, _H), whole),
            pl.BlockSpec((16, _H), whole),
            pl.BlockSpec((_H, _H), whole),
            pl.BlockSpec((1, _H), whole),
            pl.BlockSpec((_H, _H), whole),
            pl.BlockSpec((1, _H), whole),
            pl.BlockSpec((1, _H), whole),
            pl.BlockSpec((1, _H), whole),
            pl.BlockSpec((_H, 4 * _H), whole),
            pl.BlockSpec((1, 4 * _H), whole),
            pl.BlockSpec((4 * _H, _H), whole),
            pl.BlockSpec((1, _H), whole),
            pl.BlockSpec((1, _H), whole),
            pl.BlockSpec((1, _H), whole),
        ],
        out_specs=pl.BlockSpec((_TN, _H), gorow),
        out_shape=jax.ShapeDtypeStruct((n_nodes, _H), jnp.float32),
    )(he_r, g, ctra, z1, hv2, expm, trep, ssum, w1he, wv, w1nn,
      w2, b2, w3, b3, ln0g, ln0b, wd1, bd1, wd2, bd2, ln1g, ln1b)


def kernel(h_V, h_E, E_idx, X, Wp, bp, W1, b1, W2, b2, W3, b3,
           ln0_g, ln0_b, Wd1, bd1, Wd2, bd2, ln1_g, ln1_b):
    f32 = jnp.float32
    cm = np.array([p * 3 + i for i in range(3) for p in range(_P)])
    wp_cm = Wp[:, cm]
    bp_cm = bp[cm].reshape(1, 24)
    w1c = W1[256:384]
    wnode = jnp.concatenate([W1[0:128], W1[384 + cm], W1[408:416]], axis=0)
    w1nbl = W1[416 + cm]
    w1q = [jnp.concatenate([w1nbl[8 * i:8 * i + 8]] * 3, axis=0)
           for i in range(3)]
    z24 = jnp.zeros((24, _H), f32)
    wv = jnp.concatenate([z24, w1q[0], w1q[1], w1q[2], z24], axis=0)
    w1nn = jnp.concatenate([W1[440:448], W1[448:456]], axis=0)
    w1he = W1[128:256]
    wv_b = wv.astype(jnp.bfloat16)
    w1he_b = w1he.astype(jnp.bfloat16)
    expm = jnp.asarray(np.kron(np.eye(_TN, dtype=np.float32),
                               np.ones((_K, 1), np.float32))
                       ).astype(jnp.bfloat16)
    trep = jnp.asarray(np.tile(np.eye(24, dtype=np.float32), (1, 5)))
    ssum_np = np.zeros((120, 16), np.float32)
    for j in range(3):
        for p in range(8):
            ssum_np[8 * j + p, p] = 1.0
            ssum_np[96 + 8 * j + p, 8 + p] = 1.0
    ssum = jnp.asarray(ssum_np)

    x12 = X.reshape(_B * _N, 12)
    hv2 = h_V.reshape(_B * _N, _D)
    table, ctra, z1 = _pass1(x12, hv2, wp_cm, bp_cm, w1c, wnode,
                             b1.reshape(1, _H), wv)

    gidx = (E_idx + (jnp.arange(_B, dtype=jnp.int32) * _N)[:, None, None]
            ).reshape(-1)
    he_r = h_E.reshape(_B * _N * _K, _D)
    n_chunks = 2
    m = _B * _N
    cn = m // n_chunks
    gs = [_sc_gather(table, lax.slice(gidx, (c * cn * _K,),
                                      ((c + 1) * cn * _K,)))
          for c in range(n_chunks)]
    outs = []
    for c in range(n_chunks):
        outs.append(_pass2(
            he_r, gs[c], ctra, z1, hv2, expm, trep, ssum, w1he_b, wv_b, w1nn,
            W2.astype(jnp.bfloat16), b2.reshape(1, _H),
            W3.astype(jnp.bfloat16), b3.reshape(1, _H),
            ln0_g.reshape(1, _H), ln0_b.reshape(1, _H),
            Wd1, bd1.reshape(1, 4 * _H), Wd2, bd2.reshape(1, _H),
            ln1_g.reshape(1, _H), ln1_b.reshape(1, _H),
            base_node=c * cn, n_nodes=cn))
    out = jnp.concatenate(outs, axis=0)
    return out.reshape(_B, _N, _H), h_E

# --- scband reference (transcript-rebuilt; emitter-appended) ---
"""Pipeline reference for scband-invariant-point-message-passing-20779051778382 (READ-ONLY COPY).

The authoritative reference and input builder live on the scoring server;
editing this copy changes nothing except your own understanding.
"""

import jax, jax.numpy as jnp
import numpy as np

B, N, K = 2, 1024, 32
D = 128
ED = 128
H = 128
P = 8
POS_SCALE = 10.0

def _linear(key, din, dout):
    W = jax.random.normal(key, (din, dout), dtype=jnp.float32) / np.sqrt(din)
    b = jnp.zeros((dout,), dtype=jnp.float32)
    return W, b

def setup_inputs(seed: int = 0):
    key = jax.random.key(seed)
    ks = jax.random.split(key, 10)
    h_V = jax.random.normal(ks[0], (B, N, D), dtype=jnp.float32)
    h_E = jax.random.normal(ks[1], (B, N, K, ED), dtype=jnp.float32)
    E_idx = jax.random.randint(ks[2], (B, N, K), 0, N, dtype=jnp.int32)
    X = jax.random.normal(ks[3], (B, N, 4, 3), dtype=jnp.float32)
    Wp, bp = _linear(ks[4], D, P * 3)
    W1, b1 = _linear(ks[5], 2 * D + ED + 9 * P, H)
    W2, b2 = _linear(ks[6], H, H)
    W3, b3 = _linear(ks[7], H, H)
    Wd1, bd1 = _linear(ks[8], H, 4 * H)
    Wd2, bd2 = _linear(ks[9], 4 * H, H)
    ln0_g = jnp.ones((H,), jnp.float32); ln0_b = jnp.zeros((H,), jnp.float32)
    ln1_g = jnp.ones((H,), jnp.float32); ln1_b = jnp.zeros((H,), jnp.float32)
    return {"h_V": h_V, "h_E": h_E, "E_idx": E_idx, "X": X, "Wp": Wp, "bp": bp, "W1": W1, "b1": b1, "W2": W2, "b2": b2, "W3": W3, "b3": b3, "ln0_g": ln0_g, "ln0_b": ln0_b, "Wd1": Wd1, "bd1": bd1, "Wd2": Wd2, "bd2": bd2, "ln1_g": ln1_g, "ln1_b": ln1_b}

def _frames(Xn, Xca, Xc):
    # Gram-Schmidt backbone frame from N, CA, C atoms (AlphaFold rigid_from_3_points convention)
    v1 = Xc - Xca
    v2 = Xn - Xca
    e1 = v1 / jnp.sqrt(jnp.sum(v1 ** 2, -1, keepdims=True) + 1e-8)
    u2 = v2 - e1 * jnp.sum(e1 * v2, -1, keepdims=True)
    e2 = u2 / jnp.sqrt(jnp.sum(u2 ** 2, -1, keepdims=True) + 1e-8)
    e3 = jnp.cross(e1, e2)
    R = jnp.stack([e1, e2, e3], axis=-1)
    return R, Xca

def _ln(x, g, b):
    mu = jnp.mean(x, -1, keepdims=True)
    var = jnp.mean((x - mu) ** 2, -1, keepdims=True)
    return (x - mu) / jnp.sqrt(var + 1e-5) * g + b

def _mlp3(x, W1, b1, W2, b2, W3, b3):
    x = jax.nn.relu(x @ W1 + b1)
    x = jax.nn.relu(x @ W2 + b2)
    return x @ W3 + b3

def _forward(h_V, h_E, E_idx, X, Wp, bp, W1, b1, W2, b2, W3, b3, ln0_g, ln0_b, Wd1, bd1, Wd2, bd2, ln1_g, ln1_b):
    R, t = _frames(X[..., 0, :], X[..., 1, :], X[..., 2, :])
    t = t / POS_SCALE
    p_local = (h_V @ Wp + bp).reshape(B, N, P, 3)
    p_global = jnp.einsum('bnij,bnpj->bnpi', R, p_local) + t[:, :, None, :]
    gather = jax.vmap(lambda a, i: a[i])
    nbr_p_global = gather(p_global, E_idx)
    p_global_exp = jnp.broadcast_to(p_global[:, :, None], (B, N, K, P, 3))
    p_local_exp = jnp.broadcast_to(p_local[:, :, None], (B, N, K, P, 3))
    p_local_norm = jnp.sqrt(jnp.sum(p_local_exp ** 2, -1) + 1e-8)
    nbr_p_local = jnp.einsum('bnji,bnkpj->bnkpi', R, nbr_p_global - t[:, :, None, None, :])
    nbr_p_local_norm = jnp.sqrt(jnp.sum(nbr_p_local ** 2, -1) + 1e-8)
    nbr_p_global_norm = jnp.sqrt(jnp.sum((p_global_exp - nbr_p_global) ** 2, -1) + 1e-8)
    node_exp = jnp.broadcast_to(h_V[:, :, None], (B, N, K, h_V.shape[-1]))
    nbr_nodes = gather(h_V, E_idx)
    neighbor_edge = jnp.concatenate([h_E, nbr_nodes], -1)
    message_in = jnp.concatenate([node_exp, neighbor_edge, p_local_exp.reshape(B, N, K, -1), p_local_norm, nbr_p_local.reshape(B, N, K, -1), nbr_p_local_norm, nbr_p_global_norm], -1)
    node_m = _mlp3(message_in, W1, b1, W2, b2, W3, b3)
    node_m = jnp.mean(node_m, -2)
    h = _ln(h_V + node_m, ln0_g, ln0_b)
    dm = jax.nn.relu(h @ Wd1 + bd1) @ Wd2 + bd2
    h = _ln(h + dm, ln1_g, ln1_b)
    return h, h_E

def reference(h_V, h_E, E_idx, X, Wp, bp, W1, b1, W2, b2, W3, b3, ln0_g, ln0_b, Wd1, bd1, Wd2, bd2, ln1_g, ln1_b):
    return _forward(h_V=h_V, h_E=h_E, E_idx=E_idx, X=X, Wp=Wp, bp=bp, W1=W1, b1=b1, W2=W2, b2=b2, W3=W3, b3=b3, ln0_g=ln0_g, ln0_b=ln0_b, Wd1=Wd1, bd1=bd1, Wd2=Wd2, bd2=bd2, ln1_g=ln1_g, ln1_b=ln1_b)

if __name__ == "__main__":
    import jax
    _d = setup_inputs()
    print(jax.jit(kernel)(*tuple(_d.values())))

</pallas_src>

<mosaic_0001>
#map = affine_map<(d0, d1) -> (0, 0)>
#map1 = affine_map<(d0, d1) -> (0)>
module attributes {stable_mosaic.version = 14 : i64} {
  func.func @k(%arg0: i32, %arg1: i32, %arg2: memref<2048x128xf32, #tpu.memory_space<hbm>>, %arg3: memref<32768xi32, #tpu.memory_space<hbm>>, %arg4: memref<32768x128xf32, #tpu.memory_space<hbm>>, %arg5: memref<1024xi32, #tpu.memory_space<vmem>>, %arg6: memref<2x128x128xf32, #tpu.memory_space<vmem>>, %arg7: memref<!tpu.dma_semaphore, #tpu.memory_space<semaphore_mem>>, %arg8: memref<!tpu.dma_semaphore, #tpu.memory_space<semaphore_mem>>) attributes {dimension_semantics = [#tpu.dimension_semantics<core_parallel>, #tpu.dimension_semantics<subcore_parallel>], iteration_bounds = array<i64: 2, 16>, scalar_prefetch = 0 : i64, scratch_operands = 4 : i64, tpu.core_type = #tpu.core_type<sc_vector_subcore>, window_params = [{transform_indices = #map}, {transform_indices = #map1}, {transform_indices = #map}]} {
    %mul3A = arith.constant 2 : i32
    %mul3A_0 = arith.muli %arg1, %mul3A : i32
    %add3A = arith.addi %mul3A_0, %arg0 : i32
    %mul3A_1 = arith.constant 1024 : i32
    %mul3A_2 = arith.muli %add3A, %mul3A_1 : i32
    "tpu.region"() ({
      %run_scoped3A_184 = tpu.sem_alloc : memref<!tpu.dma_semaphore, #tpu.memory_space<semaphore_mem>>
      %dma_start3A_185 = tpu.memref_slice %arg3[%mul3A_2] : memref<32768xi32, #tpu.memory_space<hbm>> -> memref<1024xi32, #tpu.memory_space<hbm>>
      %dma_start3A_186 = tpu.memref_slice %arg3[%mul3A_2] : memref<32768xi32, #tpu.memory_space<hbm>> -> memref<1024xi32, #tpu.memory_space<hbm>>
      tpu.enqueue_dma source(%dma_start3A_186 : memref<1024xi32, #tpu.memory_space<hbm>>) target(%arg5 : memref<1024xi32, #tpu.memory_space<vmem>>) target_semaphore(%run_scoped3A_184 : memref<!tpu.dma_semaphore, #tpu.memory_space<semaphore_mem>>)
      %dma_wait3A_187 = tpu.memref_slice %arg3[%mul3A_2] : memref<32768xi32, #tpu.memory_space<hbm>> -> memref<1024xi32, #tpu.memory_space<hbm>>
      %dma_wait3A_188 = tpu.memref_slice %arg3[%mul3A_2] : memref<32768xi32, #tpu.memory_space<hbm>> -> memref<1024xi32, #tpu.memory_space<hbm>>
      tpu.wait_dma2 semaphore(%run_scoped3A_184 : memref<!tpu.dma_semaphore, #tpu.memory_space<semaphore_mem>>) src(%dma_wait3A_188 : memref<1024xi32, #tpu.memory_space<hbm>>) dst(%arg5 : memref<1024xi32, #tpu.memory_space<vmem>>)
      tpu.yield
    }) : () -> ()
    %dma_start3A = arith.constant 0 : i32
    %dma_start3A_3 = arith.constant 0 : i32
    %dma_start3A_4 = arith.constant 0 : i32
    %dma_start3A_5 = tpu.memref_slice %arg6[%dma_start3A, %dma_start3A_3, %dma_start3A_4] : memref<2x128x128xf32, #tpu.memory_space<vmem>> -> memref<1x128x128xf32, #tpu.memory_space<vmem>>
    %dma_start3A_6 = tpu.memref_squeeze %dma_start3A_5 : memref<1x128x128xf32, #tpu.memory_space<vmem>> -> memref<128x128xf32, #tpu.memory_space<vmem>>
    %dma_start3A_7 = arith.constant 0 : i32
    %dma_start3A_8 = tpu.memref_slice %arg5[%dma_start3A_7] : memref<1024xi32, #tpu.memory_space<vmem>> -> memref<128xi32, #tpu.memory_space<vmem>>
    %dma_start3A_9 = arith.constant 0 : i32
    %dma_start3A_10 = arith.constant 0 : i32
    %dma_start3A_11 = tpu.memref_slice %arg2[%dma_start3A_9, %dma_start3A_10] : memref<2048x128xf32, #tpu.memory_space<hbm>> -> memref<2048x128xf32, #tpu.memory_space<hbm>>
    tpu.enqueue_indirect_dma source(%dma_start3A_11 : memref<2048x128xf32, #tpu.memory_space<hbm>>) target(%dma_start3A_6 : memref<128x128xf32, #tpu.memory_space<vmem>>) offsets(%dma_start3A_8 : memref<128xi32, #tpu.memory_space<vmem>>) semaphore(%arg7 : memref<!tpu.dma_semaphore, #tpu.memory_space<semaphore_mem>>)
    %dma_start3A_12 = arith.constant 1 : i32
    %dma_start3A_13 = arith.constant 0 : i32
    %dma_start3A_14 = arith.constant 0 : i32
    %dma_start3A_15 = tpu.memref_slice %arg6[%dma_start3A_12, %dma_start3A_13, %dma_start3A_14] : memref<2x128x128xf32, #tpu.memory_space<vmem>> -> memref<1x128x128xf32, #tpu.memory_space<vmem>>
    %dma_start3A_16 = tpu.memref_squeeze %dma_start3A_15 : memref<1x128x128xf32, #tpu.memory_space<vmem>> -> memref<128x128xf32, #tpu.memory_space<vmem>>
    %dma_start3A_17 = arith.constant 128 : i32
    %dma_start3A_18 = tpu.memref_slice %arg5[%dma_start3A_17] : memref<1024xi32, #tpu.memory_space<vmem>> -> memref<128xi32, #tpu.memory_space<vmem>>
    %dma_start3A_19 = arith.constant 0 : i32
    %dma_start3A_20 = arith.constant 0 : i32
    %dma_start3A_21 = tpu.memref_slice %arg2[%dma_start3A_19, %dma_start3A_20] : memref<2048x128xf32, #tpu.memory_space<hbm>> -> memref<2048x128xf32, #tpu.memory_space<hbm>>
    tpu.enqueue_indirect_dma source(%dma_start3A_21 : memref<2048x128xf32, #tpu.memory_space<hbm>>) target(%dma_start3A_16 : memref<128x128xf32, #tpu.memory_space<vmem>>) offsets(%dma_start3A_18 : memref<128xi32, #tpu.memory_space<vmem>>) semaphore(%arg8 : memref<!tpu.dma_semaphore, #tpu.memory_space<semaphore_mem>>)
    %dma_wait3A = arith.constant 0 : i32
    %dma_wait3A_22 = arith.constant 0 : i32
    %dma_wait3A_23 = arith.constant 0 : i32
    %dma_wait3A_24 = tpu.memref_slice %arg6[%dma_wait3A, %dma_wait3A_22, %dma_wait3A_23] : memref<2x128x128xf32, #tpu.memory_space<vmem>> -> memref<1x128x128xf32, #tpu.memory_space<vmem>>
    %dma_wait3A_25 = tpu.memref_squeeze %dma_wait3A_24 : memref<1x128x128xf32, #tpu.memory_space<vmem>> -> memref<128x128xf32, #tpu.memory_space<vmem>>
    %dma_wait3A_26 = arith.constant 0 : i32
    %dma_wait3A_27 = tpu.memref_slice %arg5[%dma_wait3A_26] : memref<1024xi32, #tpu.memory_space<vmem>> -> memref<128xi32, #tpu.memory_space<vmem>>
    %dma_wait3A_28 = arith.constant 0 : i32
    %dma_wait3A_29 = arith.constant 0 : i32
    %dma_wait3A_30 = tpu.memref_slice %arg2[%dma_wait3A_28, %dma_wait3A_29] : memref<2048x128xf32, #tpu.memory_space<hbm>> -> memref<2048x128xf32, #tpu.memory_space<hbm>>
    tpu.wait_indirect_dma semaphore(%arg7 : memref<!tpu.dma_semaphore, #tpu.memory_space<semaphore_mem>>) src(%dma_wait3A_30 : memref<2048x128xf32, #tpu.memory_space<hbm>>) dst(%dma_wait3A_25 : memref<128x128xf32, #tpu.memory_space<vmem>>)
    %add3A_31 = arith.constant 0 : i32
    %add3A_32 = arith.addi %mul3A_2, %add3A_31 : i32
    %run_scoped3A = arith.constant 0 : i32
    "tpu.region"() ({
      %run_scoped3A_184 = tpu.sem_alloc : memref<!tpu.dma_semaphore, #tpu.memory_space<semaphore_mem>>
      %dma_start3A_185 = arith.constant 0 : i32
      %dma_start3A_186 = arith.constant 0 : i32
      %dma_start3A_187 = tpu.memref_slice %arg6[%run_scoped3A, %dma_start3A_185, %dma_start3A_186] : memref<2x128x128xf32, #tpu.memory_space<vmem>> -> memref<1x128x128xf32, #tpu.memory_space<vmem>>
      %dma_start3A_188 = tpu.memref_squeeze %dma_start3A_187 : memref<1x128x128xf32, #tpu.memory_space<vmem>> -> memref<128x128xf32, #tpu.memory_space<vmem>>
      %dma_start3A_189 = arith.constant 0 : i32
      %dma_start3A_190 = tpu.memref_slice %arg4[%add3A_32, %dma_start3A_189] : memref<32768x128xf32, #tpu.memory_space<hbm>> -> memref<128x128xf32, #tpu.memory_space<hbm>>
      %dma_start3A_191 = arith.constant 0 : i32
      %dma_start3A_192 = tpu.memref_slice %arg4[%add3A_32, %dma_start3A_191] : memref<32768x128xf32, #tpu.memory_space<hbm>> -> memref<128x128xf32, #tpu.memory_space<hbm>>
      %dma_start3A_193 = arith.constant 0 : i32
      %dma_start3A_194 = arith.constant 0 : i32
      %dma_start3A_195 = tpu.memref_slice %arg6[%run_scoped3A, %dma_start3A_193, %dma_start3A_194] : memref<2x128x128xf32, #tpu.memory_space<vmem>> -> memref<1x128x128xf32, #tpu.memory_space<vmem>>
      %dma_start3A_196 = tpu.memref_squeeze %dma_start3A_195 : memref<1x128x128xf32, #tpu.memory_space<vmem>> -> memref<128x128xf32, #tpu.memory_space<vmem>>
      tpu.enqueue_dma source(%dma_start3A_196 : memref<128x128xf32, #tpu.memory_space<vmem>>) target(%dma_start3A_192 : memref<128x128xf32, #tpu.memory_space<hbm>>) target_semaphore(%run_scoped3A_184 : memref<!tpu.dma_semaphore, #tpu.memory_space<semaphore_mem>>)
      %dma_wait3A_197 = arith.constant 0 : i32
      %dma_wait3A_198 = arith.constant 0 : i32
      %dma_wait3A_199 = tpu.memref_slice %arg6[%run_scoped3A, %dma_wait3A_197, %dma_wait3A_198] : memref<2x128x128xf32, #tpu.memory_space<vmem>> -> memref<1x128x128xf32, #tpu.memory_space<vmem>>
      %dma_wait3A_200 = tpu.memref_squeeze %dma_wait3A_199 : memref<1x128x128xf32, #tpu.memory_space<vmem>> -> memref<128x128xf32, #tpu.memory_space<vmem>>
      %dma_wait3A_201 = arith.constant 0 : i32
      %dma_wait3A_202 = tpu.memref_slice %arg4[%add3A_32, %dma_wait3A_201] : memref<32768x128xf32, #tpu.memory_space<hbm>> -> memref<128x128xf32, #tpu.memory_space<hbm>>
      %dma_wait3A_203 = arith.constant 0 : i32
      %dma_wait3A_204 = tpu.memref_slice %arg4[%add3A_32, %dma_wait3A_203] : memref<32768x128xf32, #tpu.memory_space<hbm>> -> memref<128x128xf32, #tpu.memory_space<hbm>>
      %dma_wait3A_205 = arith.constant 0 : i32
      %dma_wait3A_206 = arith.constant 0 : i32
      %dma_wait3A_207 = tpu.memref_slice %arg6[%run_scoped3A, %dma_wait3A_205, %dma_wait3A_206] : memref<2x128x128xf32, #tpu.memory_space<vmem>> -> memref<1x128x128xf32, #tpu.memory_space<vmem>>
      %dma_wait3A_208 = tpu.memref_squeeze %dma_wait3A_207 : memref<1x128x128xf32, #tpu.memory_space<vmem>> -> memref<128x128xf32, #tpu.memory_space<vmem>>
      tpu.wait_dma2 semaphore(%run_scoped3A_184 : memref<!tpu.dma_semaphore, #tpu.memory_space<semaphore_mem>>) src(%dma_wait3A_208 : memref<128x128xf32, #tpu.memory_space<vmem>>) dst(%dma_wait3A_204 : memref<128x128xf32, #tpu.memory_space<hbm>>)
      tpu.yield
    }) : () -> ()
    %dma_start3A_33 = arith.constant 0 : i32
    %dma_start3A_34 = arith.constant 0 : i32
    %dma_start3A_35 = arith.constant 0 : i32
    %dma_start3A_36 = tpu.memref_slice %arg6[%dma_start3A_33, %dma_start3A_34, %dma_start3A_35] : memref<2x128x128xf32, #tpu.memory_space<vmem>> -> memref<1x128x128xf32, #tpu.memory_space<vmem>>
    %dma_start3A_37 = tpu.memref_squeeze %dma_start3A_36 : memref<1x128x128xf32, #tpu.memory_space<vmem>> -> memref<128x128xf32, #tpu.memory_space<vmem>>
    %dma_start3A_38 = arith.constant 256 : i32
    %dma_start3A_39 = tpu.memref_slice %arg5[%dma_start3A_38] : memref<1024xi32, #tpu.memory_space<vmem>> -> memref<128xi32, #tpu.memory_space<vmem>>
    %dma_start3A_40 = arith.constant 0 : i32
    %dma_start3A_41 = arith.constant 0 : i32
    %dma_start3A_42 = tpu.memref_slice %arg2[%dma_start3A_40, %dma_start3A_41] : memref<2048x128xf32, #tpu.memory_space<hbm>> -> memref<2048x128xf32, #tpu.memory_space<hbm>>
    tpu.enqueue_indirect_dma source(%dma_start3A_42 : memref<2048x128xf32, #tpu.memory_space<hbm>>) target(%dma_start3A_37 : memref<128x128xf32, #tpu.memory_space<vmem>>) offsets(%dma_start3A_39 : memref<128xi32, #tpu.memory_space<vmem>>) semaphore(%arg7 : memref<!tpu.dma_semaphore, #tpu.memory_space<semaphore_mem>>)
    %dma_wait3A_43 = arith.constant 1 : i32
    %dma_wait3A_44 = arith.constant 0 : i32
    %dma_wait3A_45 = arith.constant 0 : i32
    %dma_wait3A_46 = tpu.memref_slice %arg6[%dma_wait3A_43, %dma_wait3A_44, %dma_wait3A_45] : memref<2x128x128xf32, #tpu.memory_space<vmem>> -> memref<1x128x128xf32, #tpu.memory_space<vmem>>
    %dma_wait3A_47 = tpu.memref_squeeze %dma_wait3A_46 : memref<1x128x128xf32, #tpu.memory_space<vmem>> -> memref<128x128xf32, #tpu.memory_space<vmem>>
    %dma_wait3A_48 = arith.constant 128 : i32
    %dma_wait3A_49 = tpu.memref_slice %arg5[%dma_wait3A_48] : memref<1024xi32, #tpu.memory_space<vmem>> -> memref<128xi32, #tpu.memory_space<vmem>>
    %dma_wait3A_50 = arith.constant 0 : i32
    %dma_wait3A_51 = arith.constant 0 : i32
    %dma_wait3A_52 = tpu.memref_slice %arg2[%dma_wait3A_50, %dma_wait3A_51] : memref<2048x128xf32, #tpu.memory_space<hbm>> -> memref<2048x128xf32, #tpu.memory_space<hbm>>
    tpu.wait_indirect_dma semaphore(%arg8 : memref<!tpu.dma_semaphore, #tpu.memory_space<semaphore_mem>>) src(%dma_wait3A_52 : memref<2048x128xf32, #tpu.memory_space<hbm>>) dst(%dma_wait3A_47 : memref<128x128xf32, #tpu.memory_space<vmem>>)
    %add3A_53 = arith.constant 128 : i32
    %add3A_54 = arith.addi %mul3A_2, %add3A_53 : i32
    %run_scoped3A_55 = arith.constant 1 : i32
    "tpu.region"() ({
      %run_scoped3A_184 = tpu.sem_alloc : memref<!tpu.dma_semaphore, #tpu.memory_space<semaphore_mem>>
      %dma_start3A_185 = arith.constant 0 : i32
      %dma_start3A_186 = arith.constant 0 : i32
      %dma_start3A_187 = tpu.memref_slice %arg6[%run_scoped3A_55, %dma_start3A_185, %dma_start3A_186] : memref<2x128x128xf32, #tpu.memory_space<vmem>> -> memref<1x128x128xf32, #tpu.memory_space<vmem>>
      %dma_start3A_188 = tpu.memref_squeeze %dma_start3A_187 : memref<1x128x128xf32, #tpu.memory_space<vmem>> -> memref<128x128xf32, #tpu.memory_space<vmem>>
      %dma_start3A_189 = arith.constant 0 : i32
      %dma_start3A_190 = tpu.memref_slice %arg4[%add3A_54, %dma_start3A_189] : memref<32768x128xf32, #tpu.memory_space<hbm>> -> memref<128x128xf32, #tpu.memory_space<hbm>>
      %dma_start3A_191 = arith.constant 0 : i32
      %dma_start3A_192 = tpu.memref_slice %arg4[%add3A_54, %dma_start3A_191] : memref<32768x128xf32, #tpu.memory_space<hbm>> -> memref<128x128xf32, #tpu.memory_space<hbm>>
      %dma_start3A_193 = arith.constant 0 : i32
      %dma_start3A_194 = arith.constant 0 : i32
      %dma_start3A_195 = tpu.memref_slice %arg6[%run_scoped3A_55, %dma_start3A_193, %dma_start3A_194] : memref<2x128x128xf32, #tpu.memory_space<vmem>> -> memref<1x128x128xf32, #tpu.memory_space<vmem>>
      %dma_start3A_196 = tpu.memref_squeeze %dma_start3A_195 : memref<1x128x128xf32, #tpu.memory_space<vmem>> -> memref<128x128xf32, #tpu.memory_space<vmem>>
      tpu.enqueue_dma source(%dma_start3A_196 : memref<128x128xf32, #tpu.memory_space<vmem>>) target(%dma_start3A_192 : memref<128x128xf32, #tpu.memory_space<hbm>>) target_semaphore(%run_scoped3A_184 : memref<!tpu.dma_semaphore, #tpu.memory_space<semaphore_mem>>)
      %dma_wait3A_197 = arith.constant 0 : i32
      %dma_wait3A_198 = arith.constant 0 : i32
      %dma_wait3A_199 = tpu.memref_slice %arg6[%run_scoped3A_55, %dma_wait3A_197, %dma_wait3A_198] : memref<2x128x128xf32, #tpu.memory_space<vmem>> -> memref<1x128x128xf32, #tpu.memory_space<vmem>>
      %dma_wait3A_200 = tpu.memref_squeeze %dma_wait3A_199 : memref<1x128x128xf32, #tpu.memory_space<vmem>> -> memref<128x128xf32, #tpu.memory_space<vmem>>
      %dma_wait3A_201 = arith.constant 0 : i32
      %dma_wait3A_202 = tpu.memref_slice %arg4[%add3A_54, %dma_wait3A_201] : memref<32768x128xf32, #tpu.memory_space<hbm>> -> memref<128x128xf32, #tpu.memory_space<hbm>>
      %dma_wait3A_203 = arith.constant 0 : i32
      %dma_wait3A_204 = tpu.memref_slice %arg4[%add3A_54, %dma_wait3A_203] : memref<32768x128xf32, #tpu.memory_space<hbm>> -> memref<128x128xf32, #tpu.memory_space<hbm>>
      %dma_wait3A_205 = arith.constant 0 : i32
      %dma_wait3A_206 = arith.constant 0 : i32
      %dma_wait3A_207 = tpu.memref_slice %arg6[%run_scoped3A_55, %dma_wait3A_205, %dma_wait3A_206] : memref<2x128x128xf32, #tpu.memory_space<vmem>> -> memref<1x128x128xf32, #tpu.memory_space<vmem>>
      %dma_wait3A_208 = tpu.memref_squeeze %dma_wait3A_207 : memref<1x128x128xf32, #tpu.memory_space<vmem>> -> memref<128x128xf32, #tpu.memory_space<vmem>>
      tpu.wait_dma2 semaphore(%run_scoped3A_184 : memref<!tpu.dma_semaphore, #tpu.memory_space<semaphore_mem>>) src(%dma_wait3A_208 : memref<128x128xf32, #tpu.memory_space<vmem>>) dst(%dma_wait3A_204 : memref<128x128xf32, #tpu.memory_space<hbm>>)
      tpu.yield
    }) : () -> ()
    %dma_start3A_56 = arith.constant 1 : i32
    %dma_start3A_57 = arith.constant 0 : i32
    %dma_start3A_58 = arith.constant 0 : i32
    %dma_start3A_59 = tpu.memref_slice %arg6[%dma_start3A_56, %dma_start3A_57, %dma_start3A_58] : memref<2x128x128xf32, #tpu.memory_space<vmem>> -> memref<1x128x128xf32, #tpu.memory_space<vmem>>
    %dma_start3A_60 = tpu.memref_squeeze %dma_start3A_59 : memref<1x128x128xf32, #tpu.memory_space<vmem>> -> memref<128x128xf32, #tpu.memory_space<vmem>>
    %dma_start3A_61 = arith.constant 384 : i32
    %dma_start3A_62 = tpu.memref_slice %arg5[%dma_start3A_61] : memref<1024xi32, #tpu.memory_space<vmem>> -> memref<128xi32, #tpu.memory_space<vmem>>
    %dma_start3A_63 = arith.constant 0 : i32
    %dma_start3A_64 = arith.constant 0 : i32
    %dma_start3A_65 = tpu.memref_slice %arg2[%dma_start3A_63, %dma_start3A_64] : memref<2048x128xf32, #tpu.memory_space<hbm>> -> memref<2048x128xf32, #tpu.memory_space<hbm>>
    tpu.enqueue_indirect_dma source(%dma_start3A_65 : memref<2048x128xf32, #tpu.memory_space<hbm>>) target(%dma_start3A_60 : memref<128x128xf32, #tpu.memory_space<vmem>>) offsets(%dma_start3A_62 : memref<128xi32, #tpu.memory_space<vmem>>) semaphore(%arg8 : memref<!tpu.dma_semaphore, #tpu.memory_space<semaphore_mem>>)
    %dma_wait3A_66 = arith.constant 0 : i32
    %dma_wait3A_67 = arith.constant 0 : i32
    %dma_wait3A_68 = arith.constant 0 : i32
    %dma_wait3A_69 = tpu.memref_slice %arg6[%dma_wait3A_66, %dma_wait3A_67, %dma_wait3A_68] : memref<2x128x128xf32, #tpu.memory_space<vmem>> -> memref<1x128x128xf32, #tpu.memory_space<vmem>>
    %dma_wait3A_70 = tpu.memref_squeeze %dma_wait3A_69 : memref<1x128x128xf32, #tpu.memory_space<vmem>> -> memref<128x128xf32, #tpu.memory_space<vmem>>
    %dma_wait3A_71 = arith.constant 256 : i32
    %dma_wait3A_72 = tpu.memref_slice %arg5[%dma_wait3A_71] : memref<1024xi32, #tpu.memory_space<vmem>> -> memref<128xi32, #tpu.memory_space<vmem>>
    %dma_wait3A_73 = arith.constant 0 : i32
    %dma_wait3A_74 = arith.constant 0 : i32
    %dma_wait3A_75 = tpu.memref_slice %arg2[%dma_wait3A_73, %dma_wait3A_74] : memref<2048x128xf32, #tpu.memory_space<hbm>> -> memref<2048x128xf32, #tpu.memory_space<hbm>>
    tpu.wait_indirect_dma semaphore(%arg7 : memref<!tpu.dma_semaphore, #tpu.memory_space<semaphore_mem>>) src(%dma_wait3A_75 : memref<2048x128xf32, #tpu.memory_space<hbm>>) dst(%dma_wait3A_70 : memref<128x128xf32, #tpu.memory_space<vmem>>)
    %add3A_76 = arith.constant 256 : i32
    %add3A_77 = arith.addi %mul3A_2, %add3A_76 : i32
    %run_scoped3A_78 = arith.constant 0 : i32
    "tpu.region"() ({
      %run_scoped3A_184 = tpu.sem_alloc : memref<!tpu.dma_semaphore, #tpu.memory_space<semaphore_mem>>
      %dma_start3A_185 = arith.constant 0 : i32
      %dma_start3A_186 = arith.constant 0 : i32
      %dma_start3A_187 = tpu.memref_slice %arg6[%run_scoped3A_78, %dma_start3A_185, %dma_start3A_186] : memref<2x128x128xf32, #tpu.memory_space<vmem>> -> memref<1x128x128xf32, #tpu.memory_space<vmem>>
      %dma_start3A_188 = tpu.memref_squeeze %dma_start3A_187 : memref<1x128x128xf32, #tpu.memory_space<vmem>> -> memref<128x128xf32, #tpu.memory_space<vmem>>
      %dma_start3A_189 = arith.constant 0 : i32
      %dma_start3A_190 = tpu.memref_slice %arg4[%add3A_77, %dma_start3A_189] : memref<32768x128xf32, #tpu.memory_space<hbm>> -> memref<128x128xf32, #tpu.memory_space<hbm>>
      %dma_start3A_191 = arith.constant 0 : i32
      %dma_start3A_192 = tpu.memref_slice %arg4[%add3A_77, %dma_start3A_191] : memref<32768x128xf32, #tpu.memory_space<hbm>> -> memref<128x128xf32, #tpu.memory_space<hbm>>
      %dma_start3A_193 = arith.constant 0 : i32
      %dma_start3A_194 = arith.constant 0 : i32
      %dma_start3A_195 = tpu.memref_slice %arg6[%run_scoped3A_78, %dma_start3A_193, %dma_start3A_194] : memref<2x128x128xf32, #tpu.memory_space<vmem>> -> memref<1x128x128xf32, #tpu.memory_space<vmem>>
      %dma_start3A_196 = tpu.memref_squeeze %dma_start3A_195 : memref<1x128x128xf32, #tpu.memory_space<vmem>> -> memref<128x128xf32, #tpu.memory_space<vmem>>
      tpu.enqueue_dma source(%dma_start3A_196 : memref<128x128xf32, #tpu.memory_space<vmem>>) target(%dma_start3A_192 : memref<128x128xf32, #tpu.memory_space<hbm>>) target_semaphore(%run_scoped3A_184 : memref<!tpu.dma_semaphore, #tpu.memory_space<semaphore_mem>>)
      %dma_wait3A_197 = arith.constant 0 : i32
      %dma_wait3A_198 = arith.constant 0 : i32
      %dma_wait3A_199 = tpu.memref_slice %arg6[%run_scoped3A_78, %dma_wait3A_197, %dma_wait3A_198] : memref<2x128x128xf32, #tpu.memory_space<vmem>> -> memref<1x128x128xf32, #tpu.memory_space<vmem>>
      %dma_wait3A_200 = tpu.memref_squeeze %dma_wait3A_199 : memref<1x128x128xf32, #tpu.memory_space<vmem>> -> memref<128x128xf32, #tpu.memory_space<vmem>>
      %dma_wait3A_201 = arith.constant 0 : i32
      %dma_wait3A_202 = tpu.memref_slice %arg4[%add3A_77, %dma_wait3A_201] : memref<32768x128xf32, #tpu.memory_space<hbm>> -> memref<128x128xf32, #tpu.memory_space<hbm>>
      %dma_wait3A_203 = arith.constant 0 : i32
      %dma_wait3A_204 = tpu.memref_slice %arg4[%add3A_77, %dma_wait3A_203] : memref<32768x128xf32, #tpu.memory_space<hbm>> -> memref<128x128xf32, #tpu.memory_space<hbm>>
      %dma_wait3A_205 = arith.constant 0 : i32
      %dma_wait3A_206 = arith.constant 0 : i32
      %dma_wait3A_207 = tpu.memref_slice %arg6[%run_scoped3A_78, %dma_wait3A_205, %dma_wait3A_206] : memref<2x128x128xf32, #tpu.memory_space<vmem>> -> memref<1x128x128xf32, #tpu.memory_space<vmem>>
      %dma_wait3A_208 = tpu.memref_squeeze %dma_wait3A_207 : memref<1x128x128xf32, #tpu.memory_space<vmem>> -> memref<128x128xf32, #tpu.memory_space<vmem>>
      tpu.wait_dma2 semaphore(%run_scoped3A_184 : memref<!tpu.dma_semaphore, #tpu.memory_space<semaphore_mem>>) src(%dma_wait3A_208 : memref<128x128xf32, #tpu.memory_space<vmem>>) dst(%dma_wait3A_204 : memref<128x128xf32, #tpu.memory_space<hbm>>)
      tpu.yield
    }) : () -> ()
    %dma_start3A_79 = arith.constant 0 : i32
    %dma_start3A_80 = arith.constant 0 : i32
    %dma_start3A_81 = arith.constant 0 : i32
    %dma_start3A_82 = tpu.memref_slice %arg6[%dma_start3A_79, %dma_start3A_80, %dma_start3A_81] : memref<2x128x128xf32, #tpu.memory_space<vmem>> -> memref<1x128x128xf32, #tpu.memory_space<vmem>>
    %dma_start3A_83 = tpu.memref_squeeze %dma_start3A_82 : memref<1x128x128xf32, #tpu.memory_space<vmem>> -> memref<128x128xf32, #tpu.memory_space<vmem>>
    %dma_start3A_84 = arith.constant 512 : i32
    %dma_start3A_85 = tpu.memref_slice %arg5[%dma_start3A_84] : memref<1024xi32, #tpu.memory_space<vmem>> -> memref<128xi32, #tpu.memory_space<vmem>>
    %dma_start3A_86 = arith.constant 0 : i32
    %dma_start3A_87 = arith.constant 0 : i32
    %dma_start3A_88 = tpu.memref_slice %arg2[%dma_start3A_86, %dma_start3A_87] : memref<2048x128xf32, #tpu.memory_space<hbm>> -> memref<2048x128xf32, #tpu.memory_space<hbm>>
    tpu.enqueue_indirect_dma source(%dma_start3A_88 : memref<2048x128xf32, #tpu.memory_space<hbm>>) target(%dma_start3A_83 : memref<128x128xf32, #tpu.memory_space<vmem>>) offsets(%dma_start3A_85 : memref<128xi32, #tpu.memory_space<vmem>>) semaphore(%arg7 : memref<!tpu.dma_semaphore, #tpu.memory_space<semaphore_mem>>)
    %dma_wait3A_89 = arith.constant 1 : i32
    %dma_wait3A_90 = arith.constant 0 : i32
    %dma_wait3A_91 = arith.constant 0 : i32
    %dma_wait3A_92 = tpu.memref_slice %arg6[%dma_wait3A_89, %dma_wait3A_90, %dma_wait3A_91] : memref<2x128x128xf32, #tpu.memory_space<vmem>> -> memref<1x128x128xf32, #tpu.memory_space<vmem>>
    %dma_wait3A_93 = tpu.memref_squeeze %dma_wait3A_92 : memref<1x128x128xf32, #tpu.memory_space<vmem>> -> memref<128x128xf32, #tpu.memory_space<vmem>>
    %dma_wait3A_94 = arith.constant 384 : i32
    %dma_wait3A_95 = tpu.memref_slice %arg5[%dma_wait3A_94] : memref<1024xi32, #tpu.memory_space<vmem>> -> memref<128xi32, #tpu.memory_space<vmem>>
    %dma_wait3A_96 = arith.constant 0 : i32
    %dma_wait3A_97 = arith.constant 0 : i32
    %dma_wait3A_98 = tpu.memref_slice %arg2[%dma_wait3A_96, %dma_wait3A_97] : memref<2048x128xf32, #tpu.memory_space<hbm>> -> memref<2048x128xf32, #tpu.memory_space<hbm>>
    tpu.wait_indirect_dma semaphore(%arg8 : memref<!tpu.dma_semaphore, #tpu.memory_space<semaphore_mem>>) src(%dma_wait3A_98 : memref<2048x128xf32, #tpu.memory_space<hbm>>) dst(%dma_wait3A_93 : memref<128x128xf32, #tpu.memory_space<vmem>>)
    %add3A_99 = arith.constant 384 : i32
    %add3A_100 = arith.addi %mul3A_2, %add3A_99 : i32
    %run_scoped3A_101 = arith.constant 1 : i32
    "tpu.region"() ({
      %run_scoped3A_184 = tpu.sem_alloc : memref<!tpu.dma_semaphore, #tpu.memory_space<semaphore_mem>>
      %dma_start3A_185 = arith.constant 0 : i32
      %dma_start3A_186 = arith.constant 0 : i32
      %dma_start3A_187 = tpu.memref_slice %arg6[%run_scoped3A_101, %dma_start3A_185, %dma_start3A_186] : memref<2x128x128xf32, #tpu.memory_space<vmem>> -> memref<1x128x128xf32, #tpu.memory_space<vmem>>
      %dma_start3A_188 = tpu.memref_squeeze %dma_start3A_187 : memref<1x128x128xf32, #tpu.memory_space<vmem>> -> memref<128x128xf32, #tpu.memory_space<vmem>>
      %dma_start3A_189 = arith.constant 0 : i32
      %dma_start3A_190 = tpu.memref_slice %arg4[%add3A_100, %dma_start3A_189] : memref<32768x128xf32, #tpu.memory_space<hbm>> -> memref<128x128xf32, #tpu.memory_space<hbm>>
      %dma_start3A_191 = arith.constant 0 : i32
      %dma_start3A_192 = tpu.memref_slice %arg4[%add3A_100, %dma_start3A_191] : memref<32768x128xf32, #tpu.memory_space<hbm>> -> memref<128x128xf32, #tpu.memory_space<hbm>>
      %dma_start3A_193 = arith.constant 0 : i32
      %dma_start3A_194 = arith.constant 0 : i32
      %dma_start3A_195 = tpu.memref_slice %arg6[%run_scoped3A_101, %dma_start3A_193, %dma_start3A_194] : memref<2x128x128xf32, #tpu.memory_space<vmem>> -> memref<1x128x128xf32, #tpu.memory_space<vmem>>
      %dma_start3A_196 = tpu.memref_squeeze %dma_start3A_195 : memref<1x128x128xf32, #tpu.memory_space<vmem>> -> memref<128x128xf32, #tpu.memory_space<vmem>>
      tpu.enqueue_dma source(%dma_start3A_196 : memref<128x128xf32, #tpu.memory_space<vmem>>) target(%dma_start3A_192 : memref<128x128xf32, #tpu.memory_space<hbm>>) target_semaphore(%run_scoped3A_184 : memref<!tpu.dma_semaphore, #tpu.memory_space<semaphore_mem>>)
      %dma_wait3A_197 = arith.constant 0 : i32
      %dma_wait3A_198 = arith.constant 0 : i32
      %dma_wait3A_199 = tpu.memref_slice %arg6[%run_scoped3A_101, %dma_wait3A_197, %dma_wait3A_198] : memref<2x128x128xf32, #tpu.memory_space<vmem>> -> memref<1x128x128xf32, #tpu.memory_space<vmem>>
      %dma_wait3A_200 = tpu.memref_squeeze %dma_wait3A_199 : memref<1x128x128xf32, #tpu.memory_space<vmem>> -> memref<128x128xf32, #tpu.memory_space<vmem>>
      %dma_wait3A_201 = arith.constant 0 : i32
      %dma_wait3A_202 = tpu.memref_slice %arg4[%add3A_100, %dma_wait3A_201] : memref<32768x128xf32, #tpu.memory_space<hbm>> -> memref<128x128xf32, #tpu.memory_space<hbm>>
      %dma_wait3A_203 = arith.constant 0 : i32
      %dma_wait3A_204 = tpu.memref_slice %arg4[%add3A_100, %dma_wait3A_203] : memref<32768x128xf32, #tpu.memory_space<hbm>> -> memref<128x128xf32, #tpu.memory_space<hbm>>
      %dma_wait3A_205 = arith.constant 0 : i32
      %dma_wait3A_206 = arith.constant 0 : i32
      %dma_wait3A_207 = tpu.memref_slice %arg6[%run_scoped3A_101, %dma_wait3A_205, %dma_wait3A_206] : memref<2x128x128xf32, #tpu.memory_space<vmem>> -> memref<1x128x128xf32, #tpu.memory_space<vmem>>
      %dma_wait3A_208 = tpu.memref_squeeze %dma_wait3A_207 : memref<1x128x128xf32, #tpu.memory_space<vmem>> -> memref<128x128xf32, #tpu.memory_space<vmem>>
      tpu.wait_dma2 semaphore(%run_scoped3A_184 : memref<!tpu.dma_semaphore, #tpu.memory_space<semaphore_mem>>) src(%dma_wait3A_208 : memref<128x128xf32, #tpu.memory_space<vmem>>) dst(%dma_wait3A_204 : memref<128x128xf32, #tpu.memory_space<hbm>>)
      tpu.yield
    }) : () -> ()
    %dma_start3A_102 = arith.constant 1 : i32
    %dma_start3A_103 = arith.constant 0 : i32
    %dma_start3A_104 = arith.constant 0 : i32
    %dma_start3A_105 = tpu.memref_slice %arg6[%dma_start3A_102, %dma_start3A_103, %dma_start3A_104] : memref<2x128x128xf32, #tpu.memory_space<vmem>> -> memref<1x128x128xf32, #tpu.memory_space<vmem>>
    %dma_start3A_106 = tpu.memref_squeeze %dma_start3A_105 : memref<1x128x128xf32, #tpu.memory_space<vmem>> -> memref<128x128xf32, #tpu.memory_space<vmem>>
    %dma_start3A_107 = arith.constant 640 : i32
    %dma_start3A_108 = tpu.memref_slice %arg5[%dma_start3A_107] : memref<1024xi32, #tpu.memory_space<vmem>> -> memref<128xi32, #tpu.memory_space<vmem>>
    %dma_start3A_109 = arith.constant 0 : i32
    %dma_start3A_110 = arith.constant 0 : i32
    %dma_start3A_111 = tpu.memref_slice %arg2[%dma_start3A_109, %dma_start3A_110] : memref<2048x128xf32, #tpu.memory_space<hbm>> -> memref<2048x128xf32, #tpu.memory_space<hbm>>
    tpu.enqueue_indirect_dma source(%dma_start3A_111 : memref<2048x128xf32, #tpu.memory_space<hbm>>) target(%dma_start3A_106 : memref<128x128xf32, #tpu.memory_space<vmem>>) offsets(%dma_start3A_108 : memref<128xi32, #tpu.memory_space<vmem>>) semaphore(%arg8 : memref<!tpu.dma_semaphore, #tpu.memory_space<semaphore_mem>>)
    %dma_wait3A_112 = arith.constant 0 : i32
    %dma_wait3A_113 = arith.constant 0 : i32
    %dma_wait3A_114 = arith.constant 0 : i32
    %dma_wait3A_115 = tpu.memref_slice %arg6[%dma_wait3A_112, %dma_wait3A_113, %dma_wait3A_114] : memref<2x128x128xf32, #tpu.memory_space<vmem>> -> memref<1x128x128xf32, #tpu.memory_space<vmem>>
    %dma_wait3A_116 = tpu.memref_squeeze %dma_wait3A_115 : memref<1x128x128xf32, #tpu.memory_space<vmem>> -> memref<128x128xf32, #tpu.memory_space<vmem>>
    %dma_wait3A_117 = arith.constant 512 : i32
    %dma_wait3A_118 = tpu.memref_slice %arg5[%dma_wait3A_117] : memref<1024xi32, #tpu.memory_space<vmem>> -> memref<128xi32, #tpu.memory_space<vmem>>
    %dma_wait3A_119 = arith.constant 0 : i32
    %dma_wait3A_120 = arith.constant 0 : i32
    %dma_wait3A_121 = tpu.memref_slice %arg2[%dma_wait3A_119, %dma_wait3A_120] : memref<2048x128xf32, #tpu.memory_space<hbm>> -> memref<2048x128xf32, #tpu.memory_space<hbm>>
    tpu.wait_indirect_dma semaphore(%arg7 : memref<!tpu.dma_semaphore, #tpu.memory_space<semaphore_mem>>) src(%dma_wait3A_121 : memref<2048x128xf32, #tpu.memory_space<hbm>>) dst(%dma_wait3A_116 : memref<128x128xf32, #tpu.memory_space<vmem>>)
    %add3A_122 = arith.constant 512 : i32
    %add3A_123 = arith.addi %mul3A_2, %add3A_122 : i32
    %run_scoped3A_124 = arith.constant 0 : i32
    "tpu.region"() ({
      %run_scoped3A_184 = tpu.sem_alloc : memref<!tpu.dma_semaphore, #tpu.memory_space<semaphore_mem>>
      %dma_start3A_185 = arith.constant 0 : i32
      %dma_start3A_186 = arith.constant 0 : i32
      %dma_start3A_187 = tpu.memref_slice %arg6[%run_scoped3A_124, %dma_start3A_185, %dma_start3A_186] : memref<2x128x128xf32, #tpu.memory_space<vmem>> -> memref<1x128x128xf32, #tpu.memory_space<vmem>>
      %dma_start3A_188 = tpu.memref_squeeze %dma_start3A_187 : memref<1x128x128xf32, #tpu.memory_space<vmem>> -> memref<128x128xf32, #tpu.memory_space<vmem>>
      %dma_start3A_189 = arith.constant 0 : i32
      %dma_start3A_190 = tpu.memref_slice %arg4[%add3A_123, %dma_start3A_189] : memref<32768x128xf32, #tpu.memory_space<hbm>> -> memref<128x128xf32, #tpu.memory_space<hbm>>
      %dma_start3A_191 = arith.constant 0 : i32
      %dma_start3A_192 = tpu.memref_slice %arg4[%add3A_123, %dma_start3A_191] : memref<32768x128xf32, #tpu.memory_space<hbm>> -> memref<128x128xf32, #tpu.memory_space<hbm>>
      %dma_start3A_193 = arith.constant 0 : i32
      %dma_start3A_194 = arith.constant 0 : i32
      %dma_start3A_195 = tpu.memref_slice %arg6[%run_scoped3A_124, %dma_start3A_193, %dma_start3A_194] : memref<2x128x128xf32, #tpu.memory_space<vmem>> -> memref<1x128x128xf32, #tpu.memory_space<vmem>>
      %dma_start3A_196 = tpu.memref_squeeze %dma_start3A_195 : memref<1x128x128xf32, #tpu.memory_space<vmem>> -> memref<128x128xf32, #tpu.memory_space<vmem>>
      tpu.enqueue_dma source(%dma_start3A_196 : memref<128x128xf32, #tpu.memory_space<vmem>>) target(%dma_start3A_192 : memref<128x128xf32, #tpu.memory_space<hbm>>) target_semaphore(%run_scoped3A_184 : memref<!tpu.dma_semaphore, #tpu.memory_space<semaphore_mem>>)
      %dma_wait3A_197 = arith.constant 0 : i32
      %dma_wait3A_198 = arith.constant 0 : i32
      %dma_wait3A_199 = tpu.memref_slice %arg6[%run_scoped3A_124, %dma_wait3A_197, %dma_wait3A_198] : memref<2x128x128xf32, #tpu.memory_space<vmem>> -> memref<1x128x128xf32, #tpu.memory_space<vmem>>
      %dma_wait3A_200 = tpu.memref_squeeze %dma_wait3A_199 : memref<1x128x128xf32, #tpu.memory_space<vmem>> -> memref<128x128xf32, #tpu.memory_space<vmem>>
      %dma_wait3A_201 = arith.constant 0 : i32
      %dma_wait3A_202 = tpu.memref_slice %arg4[%add3A_123, %dma_wait3A_201] : memref<32768x128xf32, #tpu.memory_space<hbm>> -> memref<128x128xf32, #tpu.memory_space<hbm>>
      %dma_wait3A_203 = arith.constant 0 : i32
      %dma_wait3A_204 = tpu.memref_slice %arg4[%add3A_123, %dma_wait3A_203] : memref<32768x128xf32, #tpu.memory_space<hbm>> -> memref<128x128xf32, #tpu.memory_space<hbm>>
      %dma_wait3A_205 = arith.constant 0 : i32
      %dma_wait3A_206 = arith.constant 0 : i32
      %dma_wait3A_207 = tpu.memref_slice %arg6[%run_scoped3A_124, %dma_wait3A_205, %dma_wait3A_206] : memref<2x128x128xf32, #tpu.memory_space<vmem>> -> memref<1x128x128xf32, #tpu.memory_space<vmem>>
      %dma_wait3A_208 = tpu.memref_squeeze %dma_wait3A_207 : memref<1x128x128xf32, #tpu.memory_space<vmem>> -> memref<128x128xf32, #tpu.memory_space<vmem>>
      tpu.wait_dma2 semaphore(%run_scoped3A_184 : memref<!tpu.dma_semaphore, #tpu.memory_space<semaphore_mem>>) src(%dma_wait3A_208 : memref<128x128xf32, #tpu.memory_space<vmem>>) dst(%dma_wait3A_204 : memref<128x128xf32, #tpu.memory_space<hbm>>)
      tpu.yield
    }) : () -> ()
    %dma_start3A_125 = arith.constant 0 : i32
    %dma_start3A_126 = arith.constant 0 : i32
    %dma_start3A_127 = arith.constant 0 : i32
    %dma_start3A_128 = tpu.memref_slice %arg6[%dma_start3A_125, %dma_start3A_126, %dma_start3A_127] : memref<2x128x128xf32, #tpu.memory_space<vmem>> -> memref<1x128x128xf32, #tpu.memory_space<vmem>>
    %dma_start3A_129 = tpu.memref_squeeze %dma_start3A_128 : memref<1x128x128xf32, #tpu.memory_space<vmem>> -> memref<128x128xf32, #tpu.memory_space<vmem>>
    %dma_start3A_130 = arith.constant 768 : i32
    %dma_start3A_131 = tpu.memref_slice %arg5[%dma_start3A_130] : memref<1024xi32, #tpu.memory_space<vmem>> -> memref<128xi32, #tpu.memory_space<vmem>>
    %dma_start3A_132 = arith.constant 0 : i32
    %dma_start3A_133 = arith.constant 0 : i32
    %dma_start3A_134 = tpu.memref_slice %arg2[%dma_start3A_132, %dma_start3A_133] : memref<2048x128xf32, #tpu.memory_space<hbm>> -> memref<2048x128xf32, #tpu.memory_space<hbm>>
    tpu.enqueue_indirect_dma source(%dma_start3A_134 : memref<2048x128xf32, #tpu.memory_space<hbm>>) target(%dma_start3A_129 : memref<128x128xf32, #tpu.memory_space<vmem>>) offsets(%dma_start3A_131 : memref<128xi32, #tpu.memory_space<vmem>>) semaphore(%arg7 : memref<!tpu.dma_semaphore, #tpu.memory_space<semaphore_mem>>)
    %dma_wait3A_135 = arith.constant 1 : i32
    %dma_wait3A_136 = arith.constant 0 : i32
    %dma_wait3A_137 = arith.constant 0 : i32
    %dma_wait3A_138 = tpu.memref_slice %arg6[%dma_wait3A_135, %dma_wait3A_136, %dma_wait3A_137] : memref<2x128x128xf32, #tpu.memory_space<vmem>> -> memref<1x128x128xf32, #tpu.memory_space<vmem>>
    %dma_wait3A_139 = tpu.memref_squeeze %dma_wait3A_138 : memref<1x128x128xf32, #tpu.memory_space<vmem>> -> memref<128x128xf32, #tpu.memory_space<vmem>>
    %dma_wait3A_140 = arith.constant 640 : i32
    %dma_wait3A_141 = tpu.memref_slice %arg5[%dma_wait3A_140] : memref<1024xi32, #tpu.memory_space<vmem>> -> memref<128xi32, #tpu.memory_space<vmem>>
    %dma_wait3A_142 = arith.constant 0 : i32
    %dma_wait3A_143 = arith.constant 0 : i32
    %dma_wait3A_144 = tpu.memref_slice %arg2[%dma_wait3A_142, %dma_wait3A_143] : memref<2048x128xf32, #tpu.memory_space<hbm>> -> memref<2048x128xf32, #tpu.memory_space<hbm>>
    tpu.wait_indirect_dma semaphore(%arg8 : memref<!tpu.dma_semaphore, #tpu.memory_space<semaphore_mem>>) src(%dma_wait3A_144 : memref<2048x128xf32, #tpu.memory_space<hbm>>) dst(%dma_wait3A_139 : memref<128x128xf32, #tpu.memory_space<vmem>>)
    %add3A_145 = arith.constant 640 : i32
    %add3A_146 = arith.addi %mul3A_2, %add3A_145 : i32
    %run_scoped3A_147 = arith.constant 1 : i32
    "tpu.region"() ({
      %run_scoped3A_184 = tpu.sem_alloc : memref<!tpu.dma_semaphore, #tpu.memory_space<semaphore_mem>>
      %dma_start3A_185 = arith.constant 0 : i32
      %dma_start3A_186 = arith.constant 0 : i32
      %dma_start3A_187 = tpu.memref_slice %arg6[%run_scoped3A_147, %dma_start3A_185, %dma_start3A_186] : memref<2x128x128xf32, #tpu.memory_space<vmem>> -> memref<1x128x128xf32, #tpu.memory_space<vmem>>
      %dma_start3A_188 = tpu.memref_squeeze %dma_start3A_187 : memref<1x128x128xf32, #tpu.memory_space<vmem>> -> memref<128x128xf32, #tpu.memory_space<vmem>>
      %dma_start3A_189 = arith.constant 0 : i32
      %dma_start3A_190 = tpu.memref_slice %arg4[%add3A_146, %dma_start3A_189] : memref<32768x128xf32, #tpu.memory_space<hbm>> -> memref<128x128xf32, #tpu.memory_space<hbm>>
      %dma_start3A_191 = arith.constant 0 : i32
      %dma_start3A_192 = tpu.memref_slice %arg4[%add3A_146, %dma_start3A_191] : memref<32768x128xf32, #tpu.memory_space<hbm>> -> memref<128x128xf32, #tpu.memory_space<hbm>>
      %dma_start3A_193 = arith.constant 0 : i32
      %dma_start3A_194 = arith.constant 0 : i32
      %dma_start3A_195 = tpu.memref_slice %arg6[%run_scoped3A_147, %dma_start3A_193, %dma_start3A_194] : memref<2x128x128xf32, #tpu.memory_space<vmem>> -> memref<1x128x128xf32, #tpu.memory_space<vmem>>
      %dma_start3A_196 = tpu.memref_squeeze %dma_start3A_195 : memref<1x128x128xf32, #tpu.memory_space<vmem>> -> memref<128x128xf32, #tpu.memory_space<vmem>>
      tpu.enqueue_dma source(%dma_start3A_196 : memref<128x128xf32, #tpu.memory_space<vmem>>) target(%dma_start3A_192 : memref<128x128xf32, #tpu.memory_space<hbm>>) target_semaphore(%run_scoped3A_184 : memref<!tpu.dma_semaphore, #tpu.memory_space<semaphore_mem>>)
      %dma_wait3A_197 = arith.constant 0 : i32
      %dma_wait3A_198 = arith.constant 0 : i32
      %dma_wait3A_199 = tpu.memref_slice %arg6[%run_scoped3A_147, %dma_wait3A_197, %dma_wait3A_198] : memref<2x128x128xf32, #tpu.memory_space<vmem>> -> memref<1x128x128xf32, #tpu.memory_space<vmem>>
      %dma_wait3A_200 = tpu.memref_squeeze %dma_wait3A_199 : memref<1x128x128xf32, #tpu.memory_space<vmem>> -> memref<128x128xf32, #tpu.memory_space<vmem>>
      %dma_wait3A_201 = arith.constant 0 : i32
      %dma_wait3A_202 = tpu.memref_slice %arg4[%add3A_146, %dma_wait3A_201] : memref<32768x128xf32, #tpu.memory_space<hbm>> -> memref<128x128xf32, #tpu.memory_space<hbm>>
      %dma_wait3A_203 = arith.constant 0 : i32
      %dma_wait3A_204 = tpu.memref_slice %arg4[%add3A_146, %dma_wait3A_203] : memref<32768x128xf32, #tpu.memory_space<hbm>> -> memref<128x128xf32, #tpu.memory_space<hbm>>
      %dma_wait3A_205 = arith.constant 0 : i32
      %dma_wait3A_206 = arith.constant 0 : i32
      %dma_wait3A_207 = tpu.memref_slice %arg6[%run_scoped3A_147, %dma_wait3A_205, %dma_wait3A_206] : memref<2x128x128xf32, #tpu.memory_space<vmem>> -> memref<1x128x128xf32, #tpu.memory_space<vmem>>
      %dma_wait3A_208 = tpu.memref_squeeze %dma_wait3A_207 : memref<1x128x128xf32, #tpu.memory_space<vmem>> -> memref<128x128xf32, #tpu.memory_space<vmem>>
      tpu.wait_dma2 semaphore(%run_scoped3A_184 : memref<!tpu.dma_semaphore, #tpu.memory_space<semaphore_mem>>) src(%dma_wait3A_208 : memref<128x128xf32, #tpu.memory_space<vmem>>) dst(%dma_wait3A_204 : memref<128x128xf32, #tpu.memory_space<hbm>>)
      tpu.yield
    }) : () -> ()
    %dma_start3A_148 = arith.constant 1 : i32
    %dma_start3A_149 = arith.constant 0 : i32
    %dma_start3A_150 = arith.constant 0 : i32
    %dma_start3A_151 = tpu.memref_slice %arg6[%dma_start3A_148, %dma_start3A_149, %dma_start3A_150] : memref<2x128x128xf32, #tpu.memory_space<vmem>> -> memref<1x128x128xf32, #tpu.memory_space<vmem>>
    %dma_start3A_152 = tpu.memref_squeeze %dma_start3A_151 : memref<1x128x128xf32, #tpu.memory_space<vmem>> -> memref<128x128xf32, #tpu.memory_space<vmem>>
    %dma_start3A_153 = arith.constant 896 : i32
    %dma_start3A_154 = tpu.memref_slice %arg5[%dma_start3A_153] : memref<1024xi32, #tpu.memory_space<vmem>> -> memref<128xi32, #tpu.memory_space<vmem>>
    %dma_start3A_155 = arith.constant 0 : i32
    %dma_start3A_156 = arith.constant 0 : i32
    %dma_start3A_157 = tpu.memref_slice %arg2[%dma_start3A_155, %dma_start3A_156] : memref<2048x128xf32, #tpu.memory_space<hbm>> -> memref<2048x128xf32, #tpu.memory_space<hbm>>
    tpu.enqueue_indirect_dma source(%dma_start3A_157 : memref<2048x128xf32, #tpu.memory_space<hbm>>) target(%dma_start3A_152 : memref<128x128xf32, #tpu.memory_space<vmem>>) offsets(%dma_start3A_154 : memref<128xi32, #tpu.memory_space<vmem>>) semaphore(%arg8 : memref<!tpu.dma_semaphore, #tpu.memory_space<semaphore_mem>>)
    %dma_wait3A_158 = arith.constant 0 : i32
    %dma_wait3A_159 = arith.constant 0 : i32
    %dma_wait3A_160 = arith.constant 0 : i32
    %dma_wait3A_161 = tpu.memref_slice %arg6[%dma_wait3A_158, %dma_wait3A_159, %dma_wait3A_160] : memref<2x128x128xf32, #tpu.memory_space<vmem>> -> memref<1x128x128xf32, #tpu.memory_space<vmem>>
    %dma_wait3A_162 = tpu.memref_squeeze %dma_wait3A_161 : memref<1x128x128xf32, #tpu.memory_space<vmem>> -> memref<128x128xf32, #tpu.memory_space<vmem>>
    %dma_wait3A_163 = arith.constant 768 : i32
    %dma_wait3A_164 = tpu.memref_slice %arg5[%dma_wait3A_163] : memref<1024xi32, #tpu.memory_space<vmem>> -> memref<128xi32, #tpu.memory_space<vmem>>
    %dma_wait3A_165 = arith.constant 0 : i32
    %dma_wait3A_166 = arith.constant 0 : i32
    %dma_wait3A_167 = tpu.memref_slice %arg2[%dma_wait3A_165, %dma_wait3A_166] : memref<2048x128xf32, #tpu.memory_space<hbm>> -> memref<2048x128xf32, #tpu.memory_space<hbm>>
    tpu.wait_indirect_dma semaphore(%arg7 : memref<!tpu.dma_semaphore, #tpu.memory_space<semaphore_mem>>) src(%dma_wait3A_167 : memref<2048x128xf32, #tpu.memory_space<hbm>>) dst(%dma_wait3A_162 : memref<128x128xf32, #tpu.memory_space<vmem>>)
    %add3A_168 = arith.constant 768 : i32
    %add3A_169 = arith.addi %mul3A_2, %add3A_168 : i32
    %run_scoped3A_170 = arith.constant 0 : i32
    "tpu.region"() ({
      %run_scoped3A_184 = tpu.sem_alloc : memref<!tpu.dma_semaphore, #tpu.memory_space<semaphore_mem>>
      %dma_start3A_185 = arith.constant 0 : i32
      %dma_start3A_186 = arith.constant 0 : i32
      %dma_start3A_187 = tpu.memref_slice %arg6[%run_scoped3A_170, %dma_start3A_185, %dma_start3A_186] : memref<2x128x128xf32, #tpu.memory_space<vmem>> -> memref<1x128x128xf32, #tpu.memory_space<vmem>>
      %dma_start3A_188 = tpu.memref_squeeze %dma_start3A_187 : memref<1x128x128xf32, #tpu.memory_space<vmem>> -> memref<128x128xf32, #tpu.memory_space<vmem>>
      %dma_start3A_189 = arith.constant 0 : i32
      %dma_start3A_190 = tpu.memref_slice %arg4[%add3A_169, %dma_start3A_189] : memref<32768x128xf32, #tpu.memory_space<hbm>> -> memref<128x128xf32, #tpu.memory_space<hbm>>
      %dma_start3A_191 = arith.constant 0 : i32
      %dma_start3A_192 = tpu.memref_slice %arg4[%add3A_169, %dma_start3A_191] : memref<32768x128xf32, #tpu.memory_space<hbm>> -> memref<128x128xf32, #tpu.memory_space<hbm>>
      %dma_start3A_193 = arith.constant 0 : i32
      %dma_start3A_194 = arith.constant 0 : i32
      %dma_start3A_195 = tpu.memref_slice %arg6[%run_scoped3A_170, %dma_start3A_193, %dma_start3A_194] : memref<2x128x128xf32, #tpu.memory_space<vmem>> -> memref<1x128x128xf32, #tpu.memory_space<vmem>>
      %dma_start3A_196 = tpu.memref_squeeze %dma_start3A_195 : memref<1x128x128xf32, #tpu.memory_space<vmem>> -> memref<128x128xf32, #tpu.memory_space<vmem>>
      tpu.enqueue_dma source(%dma_start3A_196 : memref<128x128xf32, #tpu.memory_space<vmem>>) target(%dma_start3A_192 : memref<128x128xf32, #tpu.memory_space<hbm>>) target_semaphore(%run_scoped3A_184 : memref<!tpu.dma_semaphore, #tpu.memory_space<semaphore_mem>>)
      %dma_wait3A_197 = arith.constant 0 : i32
      %dma_wait3A_198 = arith.constant 0 : i32
      %dma_wait3A_199 = tpu.memref_slice %arg6[%run_scoped3A_170, %dma_wait3A_197, %dma_wait3A_198] : memref<2x128x128xf32, #tpu.memory_space<vmem>> -> memref<1x128x128xf32, #tpu.memory_space<vmem>>
      %dma_wait3A_200 = tpu.memref_squeeze %dma_wait3A_199 : memref<1x128x128xf32, #tpu.memory_space<vmem>> -> memref<128x128xf32, #tpu.memory_space<vmem>>
      %dma_wait3A_201 = arith.constant 0 : i32
      %dma_wait3A_202 = tpu.memref_slice %arg4[%add3A_169, %dma_wait3A_201] : memref<32768x128xf32, #tpu.memory_space<hbm>> -> memref<128x128xf32, #tpu.memory_space<hbm>>
      %dma_wait3A_203 = arith.constant 0 : i32
      %dma_wait3A_204 = tpu.memref_slice %arg4[%add3A_169, %dma_wait3A_203] : memref<32768x128xf32, #tpu.memory_space<hbm>> -> memref<128x128xf32, #tpu.memory_space<hbm>>
      %dma_wait3A_205 = arith.constant 0 : i32
      %dma_wait3A_206 = arith.constant 0 : i32
      %dma_wait3A_207 = tpu.memref_slice %arg6[%run_scoped3A_170, %dma_wait3A_205, %dma_wait3A_206] : memref<2x128x128xf32, #tpu.memory_space<vmem>> -> memref<1x128x128xf32, #tpu.memory_space<vmem>>
      %dma_wait3A_208 = tpu.memref_squeeze %dma_wait3A_207 : memref<1x128x128xf32, #tpu.memory_space<vmem>> -> memref<128x128xf32, #tpu.memory_space<vmem>>
      tpu.wait_dma2 semaphore(%run_scoped3A_184 : memref<!tpu.dma_semaphore, #tpu.memory_space<semaphore_mem>>) src(%dma_wait3A_208 : memref<128x128xf32, #tpu.memory_space<vmem>>) dst(%dma_wait3A_204 : memref<128x128xf32, #tpu.memory_space<hbm>>)
      tpu.yield
    }) : () -> ()
    %dma_wait3A_171 = arith.constant 1 : i32
    %dma_wait3A_172 = arith.constant 0 : i32
    %dma_wait3A_173 = arith.constant 0 : i32
    %dma_wait3A_174 = tpu.memref_slice %arg6[%dma_wait3A_171, %dma_wait3A_172, %dma_wait3A_173] : memref<2x128x128xf32, #tpu.memory_space<vmem>> -> memref<1x128x128xf32, #tpu.memory_space<vmem>>
    %dma_wait3A_175 = tpu.memref_squeeze %dma_wait3A_174 : memref<1x128x128xf32, #tpu.memory_space<vmem>> -> memref<128x128xf32, #tpu.memory_space<vmem>>
    %dma_wait3A_176 = arith.constant 896 : i32
    %dma_wait3A_177 = tpu.memref_slice %arg5[%dma_wait3A_176] : memref<1024xi32, #tpu.memory_space<vmem>> -> memref<128xi32, #tpu.memory_space<vmem>>
    %dma_wait3A_178 = arith.constant 0 : i32
    %dma_wait3A_179 = arith.constant 0 : i32
    %dma_wait3A_180 = tpu.memref_slice %arg2[%dma_wait3A_178, %dma_wait3A_179] : memref<2048x128xf32, #tpu.memory_space<hbm>> -> memref<2048x128xf32, #tpu.memory_space<hbm>>
    tpu.wait_indirect_dma semaphore(%arg8 : memref<!tpu.dma_semaphore, #tpu.memory_space<semaphore_mem>>) src(%dma_wait3A_180 : memref<2048x128xf32, #tpu.memory_space<hbm>>) dst(%dma_wait3A_175 : memref<128x128xf32, #tpu.memory_space<vmem>>)
    %add3A_181 = arith.constant 896 : i32
    %add3A_182 = arith.addi %mul3A_2, %add3A_181 : i32
    %run_scoped3A_183 = arith.constant 1 : i32
    "tpu.region"() ({
      %run_scoped3A_184 = tpu.sem_alloc : memref<!tpu.dma_semaphore, #tpu.memory_space<semaphore_mem>>
      %dma_start3A_185 = arith.constant 0 : i32
      %dma_start3A_186 = arith.constant 0 : i32
      %dma_start3A_187 = tpu.memref_slice %arg6[%run_scoped3A_183, %dma_start3A_185, %dma_start3A_186] : memref<2x128x128xf32, #tpu.memory_space<vmem>> -> memref<1x128x128xf32, #tpu.memory_space<vmem>>
      %dma_start3A_188 = tpu.memref_squeeze %dma_start3A_187 : memref<1x128x128xf32, #tpu.memory_space<vmem>> -> memref<128x128xf32, #tpu.memory_space<vmem>>
      %dma_start3A_189 = arith.constant 0 : i32
      %dma_start3A_190 = tpu.memref_slice %arg4[%add3A_182, %dma_start3A_189] : memref<32768x128xf32, #tpu.memory_space<hbm>> -> memref<128x128xf32, #tpu.memory_space<hbm>>
      %dma_start3A_191 = arith.constant 0 : i32
      %dma_start3A_192 = tpu.memref_slice %arg4[%add3A_182, %dma_start3A_191] : memref<32768x128xf32, #tpu.memory_space<hbm>> -> memref<128x128xf32, #tpu.memory_space<hbm>>
      %dma_start3A_193 = arith.constant 0 : i32
      %dma_start3A_194 = arith.constant 0 : i32
      %dma_start3A_195 = tpu.memref_slice %arg6[%run_scoped3A_183, %dma_start3A_193, %dma_start3A_194] : memref<2x128x128xf32, #tpu.memory_space<vmem>> -> memref<1x128x128xf32, #tpu.memory_space<vmem>>
      %dma_start3A_196 = tpu.memref_squeeze %dma_start3A_195 : memref<1x128x128xf32, #tpu.memory_space<vmem>> -> memref<128x128xf32, #tpu.memory_space<vmem>>
      tpu.enqueue_dma source(%dma_start3A_196 : memref<128x128xf32, #tpu.memory_space<vmem>>) target(%dma_start3A_192 : memref<128x128xf32, #tpu.memory_space<hbm>>) target_semaphore(%run_scoped3A_184 : memref<!tpu.dma_semaphore, #tpu.memory_space<semaphore_mem>>)
      %dma_wait3A_197 = arith.constant 0 : i32
      %dma_wait3A_198 = arith.constant 0 : i32
      %dma_wait3A_199 = tpu.memref_slice %arg6[%run_scoped3A_183, %dma_wait3A_197, %dma_wait3A_198] : memref<2x128x128xf32, #tpu.memory_space<vmem>> -> memref<1x128x128xf32, #tpu.memory_space<vmem>>
      %dma_wait3A_200 = tpu.memref_squeeze %dma_wait3A_199 : memref<1x128x128xf32, #tpu.memory_space<vmem>> -> memref<128x128xf32, #tpu.memory_space<vmem>>
      %dma_wait3A_201 = arith.constant 0 : i32
      %dma_wait3A_202 = tpu.memref_slice %arg4[%add3A_182, %dma_wait3A_201] : memref<32768x128xf32, #tpu.memory_space<hbm>> -> memref<128x128xf32, #tpu.memory_space<hbm>>
      %dma_wait3A_203 = arith.constant 0 : i32
      %dma_wait3A_204 = tpu.memref_slice %arg4[%add3A_182, %dma_wait3A_203] : memref<32768x128xf32, #tpu.memory_space<hbm>> -> memref<128x128xf32, #tpu.memory_space<hbm>>
      %dma_wait3A_205 = arith.constant 0 : i32
      %dma_wait3A_206 = arith.constant 0 : i32
      %dma_wait3A_207 = tpu.memref_slice %arg6[%run_scoped3A_183, %dma_wait3A_205, %dma_wait3A_206] : memref<2x128x128xf32, #tpu.memory_space<vmem>> -> memref<1x128x128xf32, #tpu.memory_space<vmem>>
      %dma_wait3A_208 = tpu.memref_squeeze %dma_wait3A_207 : memref<1x128x128xf32, #tpu.memory_space<vmem>> -> memref<128x128xf32, #tpu.memory_space<vmem>>
      tpu.wait_dma2 semaphore(%run_scoped3A_184 : memref<!tpu.dma_semaphore, #tpu.memory_space<semaphore_mem>>) src(%dma_wait3A_208 : memref<128x128xf32, #tpu.memory_space<vmem>>) dst(%dma_wait3A_204 : memref<128x128xf32, #tpu.memory_space<hbm>>)
      tpu.yield
    }) : () -> ()
    return
  }
}

#map = affine_map<(d0, d1) -> (0, 0)>
#map1 = affine_map<(d0, d1) -> (0)>
module attributes {stable_mosaic.version = 14 : i64} {
  func.func @k(%arg0: i32, %arg1: i32, %arg2: memref<2048x128xf32, #tpu.memory_space<hbm>>, %arg3: memref<32768xi32, #tpu.memory_space<hbm>>, %arg4: memref<32768x128xf32, #tpu.memory_space<hbm>>, %arg5: memref<1024xi32, #tpu.memory_space<vmem>>, %arg6: memref<2x128x128xf32, #tpu.memory_space<vmem>>, %arg7: memref<!tpu.dma_semaphore, #tpu.memory_space<semaphore_mem>>, %arg8: memref<!tpu.dma_semaphore, #tpu.memory_space<semaphore_mem>>) attributes {dimension_semantics = [#tpu.dimension_semantics<core_parallel>, #tpu.dimension_semantics<subcore_parallel>], iteration_bounds = array<i64: 2, 16>, scalar_prefetch = 0 : i64, scratch_operands = 4 : i64, tpu.core_type = #tpu.core_type<sc_vector_subcore>, window_params = [{transform_indices = #map}, {transform_indices = #map1}, {transform_indices = #map}]} {
    %mul3A = arith.constant 2 : i32
    %mul3A_0 = arith.muli %arg1, %mul3A : i32
    %add3A = arith.addi %mul3A_0, %arg0 : i32
    %mul3A_1 = arith.constant 1024 : i32
    %mul3A_2 = arith.muli %add3A, %mul3A_1 : i32
    "tpu.region"() ({
      %run_scoped3A_184 = tpu.sem_alloc : memref<!tpu.dma_semaphore, #tpu.memory_space<semaphore_mem>>
      %dma_start3A_185 = tpu.memref_slice %arg3[%mul3A_2] : memref<32768xi32, #tpu.memory_space<hbm>> -> memref<1024xi32, #tpu.memory_space<hbm>>
      %dma_start3A_186 = tpu.memref_slice %arg3[%mul3A_2] : memref<32768xi32, #tpu.memory_space<hbm>> -> memref<1024xi32, #tpu.memory_space<hbm>>
      tpu.enqueue_dma source(%dma_start3A_186 : memref<1024xi32, #tpu.memory_space<hbm>>) target(%arg5 : memref<1024xi32, #tpu.memory_space<vmem>>) target_semaphore(%run_scoped3A_184 : memref<!tpu.dma_semaphore, #tpu.memory_space<semaphore_mem>>)
      %dma_wait3A_187 = tpu.memref_slice %arg3[%mul3A_2] : memref<32768xi32, #tpu.memory_space<hbm>> -> memref<1024xi32, #tpu.memory_space<hbm>>
      %dma_wait3A_188 = tpu.memref_slice %arg3[%mul3A_2] : memref<32768xi32, #tpu.memory_space<hbm>> -> memref<1024xi32, #tpu.memory_space<hbm>>
      tpu.wait_dma2 semaphore(%run_scoped3A_184 : memref<!tpu.dma_semaphore, #tpu.memory_space<semaphore_mem>>) src(%dma_wait3A_188 : memref<1024xi32, #tpu.memory_space<hbm>>) dst(%arg5 : memref<1024xi32, #tpu.memory_space<vmem>>)
      tpu.yield
    }) : () -> ()
    %dma_start3A = arith.constant 0 : i32
    %dma_start3A_3 = arith.constant 0 : i32
    %dma_start3A_4 = arith.constant 0 : i32
    %dma_start3A_5 = tpu.memref_slice %arg6[%dma_start3A, %dma_start3A_3, %dma_start3A_4] : memref<2x128x128xf32, #tpu.memory_space<vmem>> -> memref<1x128x128xf32, #tpu.memory_space<vmem>>
    %dma_start3A_6 = tpu.memref_squeeze %dma_start3A_5 : memref<1x128x128xf32, #tpu.memory_space<vmem>> -> memref<128x128xf32, #tpu.memory_space<vmem>>
    %dma_start3A_7 = arith.constant 0 : i32
    %dma_start3A_8 = tpu.memref_slice %arg5[%dma_start3A_7] : memref<1024xi32, #tpu.memory_space<vmem>> -> memref<128xi32, #tpu.memory_space<vmem>>
    %dma_start3A_9 = arith.constant 0 : i32
    %dma_start3A_10 = arith.constant 0 : i32
    %dma_start3A_11 = tpu.memref_slice %arg2[%dma_start3A_9, %dma_start3A_10] : memref<2048x128xf32, #tpu.memory_space<hbm>> -> memref<2048x128xf32, #tpu.memory_space<hbm>>
    tpu.enqueue_indirect_dma source(%dma_start3A_11 : memref<2048x128xf32, #tpu.memory_space<hbm>>) target(%dma_start3A_6 : memref<128x128xf32, #tpu.memory_space<vmem>>) offsets(%dma_start3A_8 : memref<128xi32, #tpu.memory_space<vmem>>) semaphore(%arg7 : memref<!tpu.dma_semaphore, #tpu.memory_space<semaphore_mem>>)
    %dma_start3A_12 = arith.constant 1 : i32
    %dma_start3A_13 = arith.constant 0 : i32
    %dma_start3A_14 = arith.constant 0 : i32
    %dma_start3A_15 = tpu.memref_slice %arg6[%dma_start3A_12, %dma_start3A_13, %dma_start3A_14] : memref<2x128x128xf32, #tpu.memory_space<vmem>> -> memref<1x128x128xf32, #tpu.memory_space<vmem>>
    %dma_start3A_16 = tpu.memref_squeeze %dma_start3A_15 : memref<1x128x128xf32, #tpu.memory_space<vmem>> -> memref<128x128xf32, #tpu.memory_space<vmem>>
    %dma_start3A_17 = arith.constant 128 : i32
    %dma_start3A_18 = tpu.memref_slice %arg5[%dma_start3A_17] : memref<1024xi32, #tpu.memory_space<vmem>> -> memref<128xi32, #tpu.memory_space<vmem>>
    %dma_start3A_19 = arith.constant 0 : i32
    %dma_start3A_20 = arith.constant 0 : i32
    %dma_start3A_21 = tpu.memref_slice %arg2[%dma_start3A_19, %dma_start3A_20] : memref<2048x128xf32, #tpu.memory_space<hbm>> -> memref<2048x128xf32, #tpu.memory_space<hbm>>
    tpu.enqueue_indirect_dma source(%dma_start3A_21 : memref<2048x128xf32, #tpu.memory_space<hbm>>) target(%dma_start3A_16 : memref<128x128xf32, #tpu.memory_space<vmem>>) offsets(%dma_start3A_18 : memref<128xi32, #tpu.memory_space<vmem>>) semaphore(%arg8 : memref<!tpu.dma_semaphore, #tpu.memory_space<semaphore_mem>>)
    %dma_wait3A = arith.constant 0 : i32
    %dma_wait3A_22 = arith.constant 0 : i32
    %dma_wait3A_23 = arith.constant 0 : i32
    %dma_wait3A_24 = tpu.memref_slice %arg6[%dma_wait3A, %dma_wait3A_22, %dma_wait3A_23] : memref<2x128x128xf32, #tpu.memory_space<vmem>> -> memref<1x128x128xf32, #tpu.memory_space<vmem>>
    %dma_wait3A_25 = tpu.memref_squeeze %dma_wait3A_24 : memref<1x128x128xf32, #tpu.memory_space<vmem>> -> memref<128x128xf32, #tpu.memory_space<vmem>>
    %dma_wait3A_26 = arith.constant 0 : i32
    %dma_wait3A_27 = tpu.memref_slice %arg5[%dma_wait3A_26] : memref<1024xi32, #tpu.memory_space<vmem>> -> memref<128xi32, #tpu.memory_space<vmem>>
    %dma_wait3A_28 = arith.constant 0 : i32
    %dma_wait3A_29 = arith.constant 0 : i32
    %dma_wait3A_30 = tpu.memref_slice %arg2[%dma_wait3A_28, %dma_wait3A_29] : memref<2048x128xf32, #tpu.memory_space<hbm>> -> memref<2048x128xf32, #tpu.memory_space<hbm>>
    tpu.wait_indirect_dma semaphore(%arg7 : memref<!tpu.dma_semaphore, #tpu.memory_space<semaphore_mem>>) src(%dma_wait3A_30 : memref<2048x128xf32, #tpu.memory_space<hbm>>) dst(%dma_wait3A_25 : memref<128x128xf32, #tpu.memory_space<vmem>>)
    %add3A_31 = arith.constant 0 : i32
    %add3A_32 = arith.addi %mul3A_2, %add3A_31 : i32
    %run_scoped3A = arith.constant 0 : i32
    "tpu.region"() ({
      %run_scoped3A_184 = tpu.sem_alloc : memref<!tpu.dma_semaphore, #tpu.memory_space<semaphore_mem>>
      %dma_start3A_185 = arith.constant 0 : i32
      %dma_start3A_186 = arith.constant 0 : i32
      %dma_start3A_187 = tpu.memref_slice %arg6[%run_scoped3A, %dma_start3A_185, %dma_start3A_186] : memref<2x128x128xf32, #tpu.memory_space<vmem>> -> memref<1x128x128xf32, #tpu.memory_space<vmem>>
      %dma_start3A_188 = tpu.memref_squeeze %dma_start3A_187 : memref<1x128x128xf32, #tpu.memory_space<vmem>> -> memref<128x128xf32, #tpu.memory_space<vmem>>
      %dma_start3A_189 = arith.constant 0 : i32
      %dma_start3A_190 = tpu.memref_slice %arg4[%add3A_32, %dma_start3A_189] : memref<32768x128xf32, #tpu.memory_space<hbm>> -> memref<128x128xf32, #tpu.memory_space<hbm>>
      %dma_start3A_191 = arith.constant 0 : i32
      %dma_start3A_192 = tpu.memref_slice %arg4[%add3A_32, %dma_start3A_191] : memref<32768x128xf32, #tpu.memory_space<hbm>> -> memref<128x128xf32, #tpu.memory_space<hbm>>
      %dma_start3A_193 = arith.constant 0 : i32
      %dma_start3A_194 = arith.constant 0 : i32
      %dma_start3A_195 = tpu.memref_slice %arg6[%run_scoped3A, %dma_start3A_193, %dma_start3A_194] : memref<2x128x128xf32, #tpu.memory_space<vmem>> -> memref<1x128x128xf32, #tpu.memory_space<vmem>>
      %dma_start3A_196 = tpu.memref_squeeze %dma_start3A_195 : memref<1x128x128xf32, #tpu.memory_space<vmem>> -> memref<128x128xf32, #tpu.memory_space<vmem>>
      tpu.enqueue_dma source(%dma_start3A_196 : memref<128x128xf32, #tpu.memory_space<vmem>>) target(%dma_start3A_192 : memref<128x128xf32, #tpu.memory_space<hbm>>) target_semaphore(%run_scoped3A_184 : memref<!tpu.dma_semaphore, #tpu.memory_space<semaphore_mem>>)
      %dma_wait3A_197 = arith.constant 0 : i32
      %dma_wait3A_198 = arith.constant 0 : i32
      %dma_wait3A_199 = tpu.memref_slice %arg6[%run_scoped3A, %dma_wait3A_197, %dma_wait3A_198] : memref<2x128x128xf32, #tpu.memory_space<vmem>> -> memref<1x128x128xf32, #tpu.memory_space<vmem>>
      %dma_wait3A_200 = tpu.memref_squeeze %dma_wait3A_199 : memref<1x128x128xf32, #tpu.memory_space<vmem>> -> memref<128x128xf32, #tpu.memory_space<vmem>>
      %dma_wait3A_201 = arith.constant 0 : i32
      %dma_wait3A_202 = tpu.memref_slice %arg4[%add3A_32, %dma_wait3A_201] : memref<32768x128xf32, #tpu.memory_space<hbm>> -> memref<128x128xf32, #tpu.memory_space<hbm>>
      %dma_wait3A_203 = arith.constant 0 : i32
      %dma_wait3A_204 = tpu.memref_slice %arg4[%add3A_32, %dma_wait3A_203] : memref<32768x128xf32, #tpu.memory_space<hbm>> -> memref<128x128xf32, #tpu.memory_space<hbm>>
      %dma_wait3A_205 = arith.constant 0 : i32
      %dma_wait3A_206 = arith.constant 0 : i32
      %dma_wait3A_207 = tpu.memref_slice %arg6[%run_scoped3A, %dma_wait3A_205, %dma_wait3A_206] : memref<2x128x128xf32, #tpu.memory_space<vmem>> -> memref<1x128x128xf32, #tpu.memory_space<vmem>>
      %dma_wait3A_208 = tpu.memref_squeeze %dma_wait3A_207 : memref<1x128x128xf32, #tpu.memory_space<vmem>> -> memref<128x128xf32, #tpu.memory_space<vmem>>
      tpu.wait_dma2 semaphore(%run_scoped3A_184 : memref<!tpu.dma_semaphore, #tpu.memory_space<semaphore_mem>>) src(%dma_wait3A_208 : memref<128x128xf32, #tpu.memory_space<vmem>>) dst(%dma_wait3A_204 : memref<128x128xf32, #tpu.memory_space<hbm>>)
      tpu.yield
    }) : () -> ()
    %dma_start3A_33 = arith.constant 0 : i32
    %dma_start3A_34 = arith.constant 0 : i32
    %dma_start3A_35 = arith.constant 0 : i32
    %dma_start3A_36 = tpu.memref_slice %arg6[%dma_start3A_33, %dma_start3A_34, %dma_start3A_35] : memref<2x128x128xf32, #tpu.memory_space<vmem>> -> memref<1x128x128xf32, #tpu.memory_space<vmem>>
    %dma_start3A_37 = tpu.memref_squeeze %dma_start3A_36 : memref<1x128x128xf32, #tpu.memory_space<vmem>> -> memref<128x128xf32, #tpu.memory_space<vmem>>
    %dma_start3A_38 = arith.constant 256 : i32
    %dma_start3A_39 = tpu.memref_slice %arg5[%dma_start3A_38] : memref<1024xi32, #tpu.memory_space<vmem>> -> memref<128xi32, #tpu.memory_space<vmem>>
    %dma_start3A_40 = arith.constant 0 : i32
    %dma_start3A_41 = arith.constant 0 : i32
    %dma_start3A_42 = tpu.memref_slice %arg2[%dma_start3A_40, %dma_start3A_41] : memref<2048x128xf32, #tpu.memory_space<hbm>> -> memref<2048x128xf32, #tpu.memory_space<hbm>>
    tpu.enqueue_indirect_dma source(%dma_start3A_42 : memref<2048x128xf32, #tpu.memory_space<hbm>>) target(%dma_start3A_37 : memref<128x128xf32, #tpu.memory_space<vmem>>) offsets(%dma_start3A_39 : memref<128xi32, #tpu.memory_space<vmem>>) semaphore(%arg7 : memref<!tpu.dma_semaphore, #tpu.memory_space<semaphore_mem>>)
    %dma_wait3A_43 = arith.constant 1 : i32
    %dma_wait3A_44 = arith.constant 0 : i32
    %dma_wait3A_45 = arith.constant 0 : i32
    %dma_wait3A_46 = tpu.memref_slice %arg6[%dma_wait3A_43, %dma_wait3A_44, %dma_wait3A_45] : memref<2x128x128xf32, #tpu.memory_space<vmem>> -> memref<1x128x128xf32, #tpu.memory_space<vmem>>
    %dma_wait3A_47 = tpu.memref_squeeze %dma_wait3A_46 : memref<1x128x128xf32, #tpu.memory_space<vmem>> -> memref<128x128xf32, #tpu.memory_space<vmem>>
    %dma_wait3A_48 = arith.constant 128 : i32
    %dma_wait3A_49 = tpu.memref_slice %arg5[%dma_wait3A_48] : memref<1024xi32, #tpu.memory_space<vmem>> -> memref<128xi32, #tpu.memory_space<vmem>>
    %dma_wait3A_50 = arith.constant 0 : i32
    %dma_wait3A_51 = arith.constant 0 : i32
    %dma_wait3A_52 = tpu.memref_slice %arg2[%dma_wait3A_50, %dma_wait3A_51] : memref<2048x128xf32, #tpu.memory_space<hbm>> -> memref<2048x128xf32, #tpu.memory_space<hbm>>
    tpu.wait_indirect_dma semaphore(%arg8 : memref<!tpu.dma_semaphore, #tpu.memory_space<semaphore_mem>>) src(%dma_wait3A_52 : memref<2048x128xf32, #tpu.memory_space<hbm>>) dst(%dma_wait3A_47 : memref<128x128xf32, #tpu.memory_space<vmem>>)
    %add3A_53 = arith.constant 128 : i32
    %add3A_54 = arith.addi %mul3A_2, %add3A_53 : i32
    %run_scoped3A_55 = arith.constant 1 : i32
    "tpu.region"() ({
      %run_scoped3A_184 = tpu.sem_alloc : memref<!tpu.dma_semaphore, #tpu.memory_space<semaphore_mem>>
      %dma_start3A_185 = arith.constant 0 : i32
      %dma_start3A_186 = arith.constant 0 : i32
      %dma_start3A_187 = tpu.memref_slice %arg6[%run_scoped3A_55, %dma_start3A_185, %dma_start3A_186] : memref<2x128x128xf32, #tpu.memory_space<vmem>> -> memref<1x128x128xf32, #tpu.memory_space<vmem>>
      %dma_start3A_188 = tpu.memref_squeeze %dma_start3A_187 : memref<1x128x128xf32, #tpu.memory_space<vmem>> -> memref<128x128xf32, #tpu.memory_space<vmem>>
      %dma_start3A_189 = arith.constant 0 : i32
      %dma_start3A_190 = tpu.memref_slice %arg4[%add3A_54, %dma_start3A_189] : memref<32768x128xf32, #tpu.memory_space<hbm>> -> memref<128x128xf32, #tpu.memory_space<hbm>>
      %dma_start3A_191 = arith.constant 0 : i32
      %dma_start3A_192 = tpu.memref_slice %arg4[%add3A_54, %dma_start3A_191] : memref<32768x128xf32, #tpu.memory_space<hbm>> -> memref<128x128xf32, #tpu.memory_space<hbm>>
      %dma_start3A_193 = arith.constant 0 : i32
      %dma_start3A_194 = arith.constant 0 : i32
      %dma_start3A_195 = tpu.memref_slice %arg6[%run_scoped3A_55, %dma_start3A_193, %dma_start3A_194] : memref<2x128x128xf32, #tpu.memory_space<vmem>> -> memref<1x128x128xf32, #tpu.memory_space<vmem>>
      %dma_start3A_196 = tpu.memref_squeeze %dma_start3A_195 : memref<1x128x128xf32, #tpu.memory_space<vmem>> -> memref<128x128xf32, #tpu.memory_space<vmem>>
      tpu.enqueue_dma source(%dma_start3A_196 : memref<128x128xf32, #tpu.memory_space<vmem>>) target(%dma_start3A_192 : memref<128x128xf32, #tpu.memory_space<hbm>>) target_semaphore(%run_scoped3A_184 : memref<!tpu.dma_semaphore, #tpu.memory_space<semaphore_mem>>)
      %dma_wait3A_197 = arith.constant 0 : i32
      %dma_wait3A_198 = arith.constant 0 : i32
      %dma_wait3A_199 = tpu.memref_slice %arg6[%run_scoped3A_55, %dma_wait3A_197, %dma_wait3A_198] : memref<2x128x128xf32, #tpu.memory_space<vmem>> -> memref<1x128x128xf32, #tpu.memory_space<vmem>>
      %dma_wait3A_200 = tpu.memref_squeeze %dma_wait3A_199 : memref<1x128x128xf32, #tpu.memory_space<vmem>> -> memref<128x128xf32, #tpu.memory_space<vmem>>
      %dma_wait3A_201 = arith.constant 0 : i32
      %dma_wait3A_202 = tpu.memref_slice %arg4[%add3A_54, %dma_wait3A_201] : memref<32768x128xf32, #tpu.memory_space<hbm>> -> memref<128x128xf32, #tpu.memory_space<hbm>>
      %dma_wait3A_203 = arith.constant 0 : i32
      %dma_wait3A_204 = tpu.memref_slice %arg4[%add3A_54, %dma_wait3A_203] : memref<32768x128xf32, #tpu.memory_space<hbm>> -> memref<128x128xf32, #tpu.memory_space<hbm>>
      %dma_wait3A_205 = arith.constant 0 : i32
      %dma_wait3A_206 = arith.constant 0 : i32
      %dma_wait3A_207 = tpu.memref_slice %arg6[%run_scoped3A_55, %dma_wait3A_205, %dma_wait3A_206] : memref<2x128x128xf32, #tpu.memory_space<vmem>> -> memref<1x128x128xf32, #tpu.memory_space<vmem>>
      %dma_wait3A_208 = tpu.memref_squeeze %dma_wait3A_207 : memref<1x128x128xf32, #tpu.memory_space<vmem>> -> memref<128x128xf32, #tpu.memory_space<vmem>>
      tpu.wait_dma2 semaphore(%run_scoped3A_184 : memref<!tpu.dma_semaphore, #tpu.memory_space<semaphore_mem>>) src(%dma_wait3A_208 : memref<128x128xf32, #tpu.memory_space<vmem>>) dst(%dma_wait3A_204 : memref<128x128xf32, #tpu.memory_space<hbm>>)
      tpu.yield
    }) : () -> ()
    %dma_start3A_56 = arith.constant 1 : i32
    %dma_start3A_57 = arith.constant 0 : i32
    %dma_start3A_58 = arith.constant 0 : i32
    %dma_start3A_59 = tpu.memref_slice %arg6[%dma_start3A_56, %dma_start3A_57, %dma_start3A_58] : memref<2x128x128xf32, #tpu.memory_space<vmem>> -> memref<1x128x128xf32, #tpu.memory_space<vmem>>
    %dma_start3A_60 = tpu.memref_squeeze %dma_start3A_59 : memref<1x128x128xf32, #tpu.memory_space<vmem>> -> memref<128x128xf32, #tpu.memory_space<vmem>>
    %dma_start3A_61 = arith.constant 384 : i32
    %dma_start3A_62 = tpu.memref_slice %arg5[%dma_start3A_61] : memref<1024xi32, #tpu.memory_space<vmem>> -> memref<128xi32, #tpu.memory_space<vmem>>
    %dma_start3A_63 = arith.constant 0 : i32
    %dma_start3A_64 = arith.constant 0 : i32
    %dma_start3A_65 = tpu.memref_slice %arg2[%dma_start3A_63, %dma_start3A_64] : memref<2048x128xf32, #tpu.memory_space<hbm>> -> memref<2048x128xf32, #tpu.memory_space<hbm>>
    tpu.enqueue_indirect_dma source(%dma_start3A_65 : memref<2048x128xf32, #tpu.memory_space<hbm>>) target(%dma_start3A_60 : memref<128x128xf32, #tpu.memory_space<vmem>>) offsets(%dma_start3A_62 : memref<128xi32, #tpu.memory_space<vmem>>) semaphore(%arg8 : memref<!tpu.dma_semaphore, #tpu.memory_space<semaphore_mem>>)
    %dma_wait3A_66 = arith.constant 0 : i32
    %dma_wait3A_67 = arith.constant 0 : i32
    %dma_wait3A_68 = arith.constant 0 : i32
    %dma_wait3A_69 = tpu.memref_slice %arg6[%dma_wait3A_66, %dma_wait3A_67, %dma_wait3A_68] : memref<2x128x128xf32, #tpu.memory_space<vmem>> -> memref<1x128x128xf32, #tpu.memory_space<vmem>>
    %dma_wait3A_70 = tpu.memref_squeeze %dma_wait3A_69 : memref<1x128x128xf32, #tpu.memory_space<vmem>> -> memref<128x128xf32, #tpu.memory_space<vmem>>
    %dma_wait3A_71 = arith.constant 256 : i32
    %dma_wait3A_72 = tpu.memref_slice %arg5[%dma_wait3A_71] : memref<1024xi32, #tpu.memory_space<vmem>> -> memref<128xi32, #tpu.memory_space<vmem>>
    %dma_wait3A_73 = arith.constant 0 : i32
    %dma_wait3A_74 = arith.constant 0 : i32
    %dma_wait3A_75 = tpu.memref_slice %arg2[%dma_wait3A_73, %dma_wait3A_74] : memref<2048x128xf32, #tpu.memory_space<hbm>> -> memref<2048x128xf32, #tpu.memory_space<hbm>>
    tpu.wait_indirect_dma semaphore(%arg7 : memref<!tpu.dma_semaphore, #tpu.memory_space<semaphore_mem>>) src(%dma_wait3A_75 : memref<2048x128xf32, #tpu.memory_space<hbm>>) dst(%dma_wait3A_70 : memref<128x128xf32, #tpu.memory_space<vmem>>)
    %add3A_76 = arith.constant 256 : i32
    %add3A_77 = arith.addi %mul3A_2, %add3A_76 : i32
    %run_scoped3A_78 = arith.constant 0 : i32
    "tpu.region"() ({
      %run_scoped3A_184 = tpu.sem_alloc : memref<!tpu.dma_semaphore, #tpu.memory_space<semaphore_mem>>
      %dma_start3A_185 = arith.constant 0 : i32
      %dma_start3A_186 = arith.constant 0 : i32
      %dma_start3A_187 = tpu.memref_slice %arg6[%run_scoped3A_78, %dma_start3A_185, %dma_start3A_186] : memref<2x128x128xf32, #tpu.memory_space<vmem>> -> memref<1x128x128xf32, #tpu.memory_space<vmem>>
      %dma_start3A_188 = tpu.memref_squeeze %dma_start3A_187 : memref<1x128x128xf32, #tpu.memory_space<vmem>> -> memref<128x128xf32, #tpu.memory_space<vmem>>
      %dma_start3A_189 = arith.constant 0 : i32
      %dma_start3A_190 = tpu.memref_slice %arg4[%add3A_77, %dma_start3A_189] : memref<32768x128xf32, #tpu.memory_space<hbm>> -> memref<128x128xf32, #tpu.memory_space<hbm>>
      %dma_start3A_191 = arith.constant 0 : i32
      %dma_start3A_192 = tpu.memref_slice %arg4[%add3A_77, %dma_start3A_191] : memref<32768x128xf32, #tpu.memory_space<hbm>> -> memref<128x128xf32, #tpu.memory_space<hbm>>
      %dma_start3A_193 = arith.constant 0 : i32
      %dma_start3A_194 = arith.constant 0 : i32
      %dma_start3A_195 = tpu.memref_slice %arg6[%run_scoped3A_78, %dma_start3A_193, %dma_start3A_194] : memref<2x128x128xf32, #tpu.memory_space<vmem>> -> memref<1x128x128xf32, #tpu.memory_space<vmem>>
      %dma_start3A_196 = tpu.memref_squeeze %dma_start3A_195 : memref<1x128x128xf32, #tpu.memory_space<vmem>> -> memref<128x128xf32, #tpu.memory_space<vmem>>
      tpu.enqueue_dma source(%dma_start3A_196 : memref<128x128xf32, #tpu.memory_space<vmem>>) target(%dma_start3A_192 : memref<128x128xf32, #tpu.memory_space<hbm>>) target_semaphore(%run_scoped3A_184 : memref<!tpu.dma_semaphore, #tpu.memory_space<semaphore_mem>>)
      %dma_wait3A_197 = arith.constant 0 : i32
      %dma_wait3A_198 = arith.constant 0 : i32
      %dma_wait3A_199 = tpu.memref_slice %arg6[%run_scoped3A_78, %dma_wait3A_197, %dma_wait3A_198] : memref<2x128x128xf32, #tpu.memory_space<vmem>> -> memref<1x128x128xf32, #tpu.memory_space<vmem>>
      %dma_wait3A_200 = tpu.memref_squeeze %dma_wait3A_199 : memref<1x128x128xf32, #tpu.memory_space<vmem>> -> memref<128x128xf32, #tpu.memory_space<vmem>>
      %dma_wait3A_201 = arith.constant 0 : i32
      %dma_wait3A_202 = tpu.memref_slice %arg4[%add3A_77, %dma_wait3A_201] : memref<32768x128xf32, #tpu.memory_space<hbm>> -> memref<128x128xf32, #tpu.memory_space<hbm>>
      %dma_wait3A_203 = arith.constant 0 : i32
      %dma_wait3A_204 = tpu.memref_slice %arg4[%add3A_77, %dma_wait3A_203] : memref<32768x128xf32, #tpu.memory_space<hbm>> -> memref<128x128xf32, #tpu.memory_space<hbm>>
      %dma_wait3A_205 = arith.constant 0 : i32
      %dma_wait3A_206 = arith.constant 0 : i32
      %dma_wait3A_207 = tpu.memref_slice %arg6[%run_scoped3A_78, %dma_wait3A_205, %dma_wait3A_206] : memref<2x128x128xf32, #tpu.memory_space<vmem>> -> memref<1x128x128xf32, #tpu.memory_space<vmem>>
      %dma_wait3A_208 = tpu.memref_squeeze %dma_wait3A_207 : memref<1x128x128xf32, #tpu.memory_space<vmem>> -> memref<128x128xf32, #tpu.memory_space<vmem>>
      tpu.wait_dma2 semaphore(%run_scoped3A_184 : memref<!tpu.dma_semaphore, #tpu.memory_space<semaphore_mem>>) src(%dma_wait3A_208 : memref<128x128xf32, #tpu.memory_space<vmem>>) dst(%dma_wait3A_204 : memref<128x128xf32, #tpu.memory_space<hbm>>)
      tpu.yield
    }) : () -> ()
    %dma_start3A_79 = arith.constant 0 : i32
    %dma_start3A_80 = arith.constant 0 : i32
    %dma_start3A_81 = arith.constant 0 : i32
    %dma_start3A_82 = tpu.memref_slice %arg6[%dma_start3A_79, %dma_start3A_80, %dma_start3A_81] : memref<2x128x128xf32, #tpu.memory_space<vmem>> -> memref<1x128x128xf32, #tpu.memory_space<vmem>>
    %dma_start3A_83 = tpu.memref_squeeze %dma_start3A_82 : memref<1x128x128xf32, #tpu.memory_space<vmem>> -> memref<128x128xf32, #tpu.memory_space<vmem>>
    %dma_start3A_84 = arith.constant 512 : i32
    %dma_start3A_85 = tpu.memref_slice %arg5[%dma_start3A_84] : memref<1024xi32, #tpu.memory_space<vmem>> -> memref<128xi32, #tpu.memory_space<vmem>>
    %dma_start3A_86 = arith.constant 0 : i32
    %dma_start3A_87 = arith.constant 0 : i32
    %dma_start3A_88 = tpu.memref_slice %arg2[%dma_start3A_86, %dma_start3A_87] : memref<2048x128xf32, #tpu.memory_space<hbm>> -> memref<2048x128xf32, #tpu.memory_space<hbm>>
    tpu.enqueue_indirect_dma source(%dma_start3A_88 : memref<2048x128xf32, #tpu.memory_space<hbm>>) target(%dma_start3A_83 : memref<128x128xf32, #tpu.memory_space<vmem>>) offsets(%dma_start3A_85 : memref<128xi32, #tpu.memory_space<vmem>>) semaphore(%arg7 : memref<!tpu.dma_semaphore, #tpu.memory_space<semaphore_mem>>)
    %dma_wait3A_89 = arith.constant 1 : i32
    %dma_wait3A_90 = arith.constant 0 : i32
    %dma_wait3A_91 = arith.constant 0 : i32
    %dma_wait3A_92 = tpu.memref_slice %arg6[%dma_wait3A_89, %dma_wait3A_90, %dma_wait3A_91] : memref<2x128x128xf32, #tpu.memory_space<vmem>> -> memref<1x128x128xf32, #tpu.memory_space<vmem>>
    %dma_wait3A_93 = tpu.memref_squeeze %dma_wait3A_92 : memref<1x128x128xf32, #tpu.memory_space<vmem>> -> memref<128x128xf32, #tpu.memory_space<vmem>>
    %dma_wait3A_94 = arith.constant 384 : i32
    %dma_wait3A_95 = tpu.memref_slice %arg5[%dma_wait3A_94] : memref<1024xi32, #tpu.memory_space<vmem>> -> memref<128xi32, #tpu.memory_space<vmem>>
    %dma_wait3A_96 = arith.constant 0 : i32
    %dma_wait3A_97 = arith.constant 0 : i32
    %dma_wait3A_98 = tpu.memref_slice %arg2[%dma_wait3A_96, %dma_wait3A_97] : memref<2048x128xf32, #tpu.memory_space<hbm>> -> memref<2048x128xf32, #tpu.memory_space<hbm>>
    tpu.wait_indirect_dma semaphore(%arg8 : memref<!tpu.dma_semaphore, #tpu.memory_space<semaphore_mem>>) src(%dma_wait3A_98 : memref<2048x128xf32, #tpu.memory_space<hbm>>) dst(%dma_wait3A_93 : memref<128x128xf32, #tpu.memory_space<vmem>>)
    %add3A_99 = arith.constant 384 : i32
    %add3A_100 = arith.addi %mul3A_2, %add3A_99 : i32
    %run_scoped3A_101 = arith.constant 1 : i32
    "tpu.region"() ({
      %run_scoped3A_184 = tpu.sem_alloc : memref<!tpu.dma_semaphore, #tpu.memory_space<semaphore_mem>>
      %dma_start3A_185 = arith.constant 0 : i32
      %dma_start3A_186 = arith.constant 0 : i32
      %dma_start3A_187 = tpu.memref_slice %arg6[%run_scoped3A_101, %dma_start3A_185, %dma_start3A_186] : memref<2x128x128xf32, #tpu.memory_space<vmem>> -> memref<1x128x128xf32, #tpu.memory_space<vmem>>
      %dma_start3A_188 = tpu.memref_squeeze %dma_start3A_187 : memref<1x128x128xf32, #tpu.memory_space<vmem>> -> memref<128x128xf32, #tpu.memory_space<vmem>>
      %dma_start3A_189 = arith.constant 0 : i32
      %dma_start3A_190 = tpu.memref_slice %arg4[%add3A_100, %dma_start3A_189] : memref<32768x128xf32, #tpu.memory_space<hbm>> -> memref<128x128xf32, #tpu.memory_space<hbm>>
      %dma_start3A_191 = arith.constant 0 : i32
      %dma_start3A_192 = tpu.memref_slice %arg4[%add3A_100, %dma_start3A_191] : memref<32768x128xf32, #tpu.memory_space<hbm>> -> memref<128x128xf32, #tpu.memory_space<hbm>>
      %dma_start3A_193 = arith.constant 0 : i32
      %dma_start3A_194 = arith.constant 0 : i32
      %dma_start3A_195 = tpu.memref_slice %arg6[%run_scoped3A_101, %dma_start3A_193, %dma_start3A_194] : memref<2x128x128xf32, #tpu.memory_space<vmem>> -> memref<1x128x128xf32, #tpu.memory_space<vmem>>
      %dma_start3A_196 = tpu.memref_squeeze %dma_start3A_195 : memref<1x128x128xf32, #tpu.memory_space<vmem>> -> memref<128x128xf32, #tpu.memory_space<vmem>>
      tpu.enqueue_dma source(%dma_start3A_196 : memref<128x128xf32, #tpu.memory_space<vmem>>) target(%dma_start3A_192 : memref<128x128xf32, #tpu.memory_space<hbm>>) target_semaphore(%run_scoped3A_184 : memref<!tpu.dma_semaphore, #tpu.memory_space<semaphore_mem>>)
      %dma_wait3A_197 = arith.constant 0 : i32
      %dma_wait3A_198 = arith.constant 0 : i32
      %dma_wait3A_199 = tpu.memref_slice %arg6[%run_scoped3A_101, %dma_wait3A_197, %dma_wait3A_198] : memref<2x128x128xf32, #tpu.memory_space<vmem>> -> memref<1x128x128xf32, #tpu.memory_space<vmem>>
      %dma_wait3A_200 = tpu.memref_squeeze %dma_wait3A_199 : memref<1x128x128xf32, #tpu.memory_space<vmem>> -> memref<128x128xf32, #tpu.memory_space<vmem>>
      %dma_wait3A_201 = arith.constant 0 : i32
      %dma_wait3A_202 = tpu.memref_slice %arg4[%add3A_100, %dma_wait3A_201] : memref<32768x128xf32, #tpu.memory_space<hbm>> -> memref<128x128xf32, #tpu.memory_space<hbm>>
      %dma_wait3A_203 = arith.constant 0 : i32
      %dma_wait3A_204 = tpu.memref_slice %arg4[%add3A_100, %dma_wait3A_203] : memref<32768x128xf32, #tpu.memory_space<hbm>> -> memref<128x128xf32, #tpu.memory_space<hbm>>
      %dma_wait3A_205 = arith.constant 0 : i32
      %dma_wait3A_206 = arith.constant 0 : i32
      %dma_wait3A_207 = tpu.memref_slice %arg6[%run_scoped3A_101, %dma_wait3A_205, %dma_wait3A_206] : memref<2x128x128xf32, #tpu.memory_space<vmem>> -> memref<1x128x128xf32, #tpu.memory_space<vmem>>
      %dma_wait3A_208 = tpu.memref_squeeze %dma_wait3A_207 : memref<1x128x128xf32, #tpu.memory_space<vmem>> -> memref<128x128xf32, #tpu.memory_space<vmem>>
      tpu.wait_dma2 semaphore(%run_scoped3A_184 : memref<!tpu.dma_semaphore, #tpu.memory_space<semaphore_mem>>) src(%dma_wait3A_208 : memref<128x128xf32, #tpu.memory_space<vmem>>) dst(%dma_wait3A_204 : memref<128x128xf32, #tpu.memory_space<hbm>>)
      tpu.yield
    }) : () -> ()
    %dma_start3A_102 = arith.constant 1 : i32
    %dma_start3A_103 = arith.constant 0 : i32
    %dma_start3A_104 = arith.constant 0 : i32
    %dma_start3A_105 = tpu.memref_slice %arg6[%dma_start3A_102, %dma_start3A_103, %dma_start3A_104] : memref<2x128x128xf32, #tpu.memory_space<vmem>> -> memref<1x128x128xf32, #tpu.memory_space<vmem>>
    %dma_start3A_106 = tpu.memref_squeeze %dma_start3A_105 : memref<1x128x128xf32, #tpu.memory_space<vmem>> -> memref<128x128xf32, #tpu.memory_space<vmem>>
    %dma_start3A_107 = arith.constant 640 : i32
    %dma_start3A_108 = tpu.memref_slice %arg5[%dma_start3A_107] : memref<1024xi32, #tpu.memory_space<vmem>> -> memref<128xi32, #tpu.memory_space<vmem>>
    %dma_start3A_109 = arith.constant 0 : i32
    %dma_start3A_110 = arith.constant 0 : i32
    %dma_start3A_111 = tpu.memref_slice %arg2[%dma_start3A_109, %dma_start3A_110] : memref<2048x128xf32, #tpu.memory_space<hbm>> -> memref<2048x128xf32, #tpu.memory_space<hbm>>
    tpu.enqueue_indirect_dma source(%dma_start3A_111 : memref<2048x128xf32, #tpu.memory_space<hbm>>) target(%dma_start3A_106 : memref<128x128xf32, #tpu.memory_space<vmem>>) offsets(%dma_start3A_108 : memref<128xi32, #tpu.memory_space<vmem>>) semaphore(%arg8 : memref<!tpu.dma_semaphore, #tpu.memory_space<semaphore_mem>>)
    %dma_wait3A_112 = arith.constant 0 : i32
    %dma_wait3A_113 = arith.constant 0 : i32
    %dma_wait3A_114 = arith.constant 0 : i32
    %dma_wait3A_115 = tpu.memref_slice %arg6[%dma_wait3A_112, %dma_wait3A_113, %dma_wait3A_114] : memref<2x128x128xf32, #tpu.memory_space<vmem>> -> memref<1x128x128xf32, #tpu.memory_space<vmem>>
    %dma_wait3A_116 = tpu.memref_squeeze %dma_wait3A_115 : memref<1x128x128xf32, #tpu.memory_space<vmem>> -> memref<128x128xf32, #tpu.memory_space<vmem>>
    %dma_wait3A_117 = arith.constant 512 : i32
    %dma_wait3A_118 = tpu.memref_slice %arg5[%dma_wait3A_117] : memref<1024xi32, #tpu.memory_space<vmem>> -> memref<128xi32, #tpu.memory_space<vmem>>
    %dma_wait3A_119 = arith.constant 0 : i32
    %dma_wait3A_120 = arith.constant 0 : i32
    %dma_wait3A_121 = tpu.memref_slice %arg2[%dma_wait3A_119, %dma_wait3A_120] : memref<2048x128xf32, #tpu.memory_space<hbm>> -> memref<2048x128xf32, #tpu.memory_space<hbm>>
    tpu.wait_indirect_dma semaphore(%arg7 : memref<!tpu.dma_semaphore, #tpu.memory_space<semaphore_mem>>) src(%dma_wait3A_121 : memref<2048x128xf32, #tpu.memory_space<hbm>>) dst(%dma_wait3A_116 : memref<128x128xf32, #tpu.memory_space<vmem>>)
    %add3A_122 = arith.constant 512 : i32
    %add3A_123 = arith.addi %mul3A_2, %add3A_122 : i32
    %run_scoped3A_124 = arith.constant 0 : i32
    "tpu.region"() ({
      %run_scoped3A_184 = tpu.sem_alloc : memref<!tpu.dma_semaphore, #tpu.memory_space<semaphore_mem>>
      %dma_start3A_185 = arith.constant 0 : i32
      %dma_start3A_186 = arith.constant 0 : i32
      %dma_start3A_187 = tpu.memref_slice %arg6[%run_scoped3A_124, %dma_start3A_185, %dma_start3A_186] : memref<2x128x128xf32, #tpu.memory_space<vmem>> -> memref<1x128x128xf32, #tpu.memory_space<vmem>>
      %dma_start3A_188 = tpu.memref_squeeze %dma_start3A_187 : memref<1x128x128xf32, #tpu.memory_space<vmem>> -> memref<128x128xf32, #tpu.memory_space<vmem>>
      %dma_start3A_189 = arith.constant 0 : i32
      %dma_start3A_190 = tpu.memref_slice %arg4[%add3A_123, %dma_start3A_189] : memref<32768x128xf32, #tpu.memory_space<hbm>> -> memref<128x128xf32, #tpu.memory_space<hbm>>
      %dma_start3A_191 = arith.constant 0 : i32
      %dma_start3A_192 = tpu.memref_slice %arg4[%add3A_123, %dma_start3A_191] : memref<32768x128xf32, #tpu.memory_space<hbm>> -> memref<128x128xf32, #tpu.memory_space<hbm>>
      %dma_start3A_193 = arith.constant 0 : i32
      %dma_start3A_194 = arith.constant 0 : i32
      %dma_start3A_195 = tpu.memref_slice %arg6[%run_scoped3A_124, %dma_start3A_193, %dma_start3A_194] : memref<2x128x128xf32, #tpu.memory_space<vmem>> -> memref<1x128x128xf32, #tpu.memory_space<vmem>>
      %dma_start3A_196 = tpu.memref_squeeze %dma_start3A_195 : memref<1x128x128xf32, #tpu.memory_space<vmem>> -> memref<128x128xf32, #tpu.memory_space<vmem>>
      tpu.enqueue_dma source(%dma_start3A_196 : memref<128x128xf32, #tpu.memory_space<vmem>>) target(%dma_start3A_192 : memref<128x128xf32, #tpu.memory_space<hbm>>) target_semaphore(%run_scoped3A_184 : memref<!tpu.dma_semaphore, #tpu.memory_space<semaphore_mem>>)
      %dma_wait3A_197 = arith.constant 0 : i32
      %dma_wait3A_198 = arith.constant 0 : i32
      %dma_wait3A_199 = tpu.memref_slice %arg6[%run_scoped3A_124, %dma_wait3A_197, %dma_wait3A_198] : memref<2x128x128xf32, #tpu.memory_space<vmem>> -> memref<1x128x128xf32, #tpu.memory_space<vmem>>
      %dma_wait3A_200 = tpu.memref_squeeze %dma_wait3A_199 : memref<1x128x128xf32, #tpu.memory_space<vmem>> -> memref<128x128xf32, #tpu.memory_space<vmem>>
      %dma_wait3A_201 = arith.constant 0 : i32
      %dma_wait3A_202 = tpu.memref_slice %arg4[%add3A_123, %dma_wait3A_201] : memref<32768x128xf32, #tpu.memory_space<hbm>> -> memref<128x128xf32, #tpu.memory_space<hbm>>
      %dma_wait3A_203 = arith.constant 0 : i32
      %dma_wait3A_204 = tpu.memref_slice %arg4[%add3A_123, %dma_wait3A_203] : memref<32768x128xf32, #tpu.memory_space<hbm>> -> memref<128x128xf32, #tpu.memory_space<hbm>>
      %dma_wait3A_205 = arith.constant 0 : i32
      %dma_wait3A_206 = arith.constant 0 : i32
      %dma_wait3A_207 = tpu.memref_slice %arg6[%run_scoped3A_124, %dma_wait3A_205, %dma_wait3A_206] : memref<2x128x128xf32, #tpu.memory_space<vmem>> -> memref<1x128x128xf32, #tpu.memory_space<vmem>>
      %dma_wait3A_208 = tpu.memref_squeeze %dma_wait3A_207 : memref<1x128x128xf32, #tpu.memory_space<vmem>> -> memref<128x128xf32, #tpu.memory_space<vmem>>
      tpu.wait_dma2 semaphore(%run_scoped3A_184 : memref<!tpu.dma_semaphore, #tpu.memory_space<semaphore_mem>>) src(%dma_wait3A_208 : memref<128x128xf32, #tpu.memory_space<vmem>>) dst(%dma_wait3A_204 : memref<128x128xf32, #tpu.memory_space<hbm>>)
      tpu.yield
    }) : () -> ()
    %dma_start3A_125 = arith.constant 0 : i32
    %dma_start3A_126 = arith.constant 0 : i32
    %dma_start3A_127 = arith.constant 0 : i32
    %dma_start3A_128 = tpu.memref_slice %arg6[%dma_start3A_125, %dma_start3A_126, %dma_start3A_127] : memref<2x128x128xf32, #tpu.memory_space<vmem>> -> memref<1x128x128xf32, #tpu.memory_space<vmem>>
    %dma_start3A_129 = tpu.memref_squeeze %dma_start3A_128 : memref<1x128x128xf32, #tpu.memory_space<vmem>> -> memref<128x128xf32, #tpu.memory_space<vmem>>
    %dma_start3A_130 = arith.constant 768 : i32
    %dma_start3A_131 = tpu.memref_slice %arg5[%dma_start3A_130] : memref<1024xi32, #tpu.memory_space<vmem>> -> memref<128xi32, #tpu.memory_space<vmem>>
    %dma_start3A_132 = arith.constant 0 : i32
    %dma_start3A_133 = arith.constant 0 : i32
    %dma_start3A_134 = tpu.memref_slice %arg2[%dma_start3A_132, %dma_start3A_133] : memref<2048x128xf32, #tpu.memory_space<hbm>> -> memref<2048x128xf32, #tpu.memory_space<hbm>>
    tpu.enqueue_indirect_dma source(%dma_start3A_134 : memref<2048x128xf32, #tpu.memory_space<hbm>>) target(%dma_start3A_129 : memref<128x128xf32, #tpu.memory_space<vmem>>) offsets(%dma_start3A_131 : memref<128xi32, #tpu.memory_space<vmem>>) semaphore(%arg7 : memref<!tpu.dma_semaphore, #tpu.memory_space<semaphore_mem>>)
    %dma_wait3A_135 = arith.constant 1 : i32
    %dma_wait3A_136 = arith.constant 0 : i32
    %dma_wait3A_137 = arith.constant 0 : i32
    %dma_wait3A_138 = tpu.memref_slice %arg6[%dma_wait3A_135, %dma_wait3A_136, %dma_wait3A_137] : memref<2x128x128xf32, #tpu.memory_space<vmem>> -> memref<1x128x128xf32, #tpu.memory_space<vmem>>
    %dma_wait3A_139 = tpu.memref_squeeze %dma_wait3A_138 : memref<1x128x128xf32, #tpu.memory_space<vmem>> -> memref<128x128xf32, #tpu.memory_space<vmem>>
    %dma_wait3A_140 = arith.constant 640 : i32
    %dma_wait3A_141 = tpu.memref_slice %arg5[%dma_wait3A_140] : memref<1024xi32, #tpu.memory_space<vmem>> -> memref<128xi32, #tpu.memory_space<vmem>>
    %dma_wait3A_142 = arith.constant 0 : i32
    %dma_wait3A_143 = arith.constant 0 : i32
    %dma_wait3A_144 = tpu.memref_slice %arg2[%dma_wait3A_142, %dma_wait3A_143] : memref<2048x128xf32, #tpu.memory_space<hbm>> -> memref<2048x128xf32, #tpu.memory_space<hbm>>
    tpu.wait_indirect_dma semaphore(%arg8 : memref<!tpu.dma_semaphore, #tpu.memory_space<semaphore_mem>>) src(%dma_wait3A_144 : memref<2048x128xf32, #tpu.memory_space<hbm>>) dst(%dma_wait3A_139 : memref<128x128xf32, #tpu.memory_space<vmem>>)
    %add3A_145 = arith.constant 640 : i32
    %add3A_146 = arith.addi %mul3A_2, %add3A_145 : i32
    %run_scoped3A_147 = arith.constant 1 : i32
    "tpu.region"() ({
      %run_scoped3A_184 = tpu.sem_alloc : memref<!tpu.dma_semaphore, #tpu.memory_space<semaphore_mem>>
      %dma_start3A_185 = arith.constant 0 : i32
      %dma_start3A_186 = arith.constant 0 : i32
      %dma_start3A_187 = tpu.memref_slice %arg6[%run_scoped3A_147, %dma_start3A_185, %dma_start3A_186] : memref<2x128x128xf32, #tpu.memory_space<vmem>> -> memref<1x128x128xf32, #tpu.memory_space<vmem>>
      %dma_start3A_188 = tpu.memref_squeeze %dma_start3A_187 : memref<1x128x128xf32, #tpu.memory_space<vmem>> -> memref<128x128xf32, #tpu.memory_space<vmem>>
      %dma_start3A_189 = arith.constant 0 : i32
      %dma_start3A_190 = tpu.memref_slice %arg4[%add3A_146, %dma_start3A_189] : memref<32768x128xf32, #tpu.memory_space<hbm>> -> memref<128x128xf32, #tpu.memory_space<hbm>>
      %dma_start3A_191 = arith.constant 0 : i32
      %dma_start3A_192 = tpu.memref_slice %arg4[%add3A_146, %dma_start3A_191] : memref<32768x128xf32, #tpu.memory_space<hbm>> -> memref<128x128xf32, #tpu.memory_space<hbm>>
      %dma_start3A_193 = arith.constant 0 : i32
      %dma_start3A_194 = arith.constant 0 : i32
      %dma_start3A_195 = tpu.memref_slice %arg6[%run_scoped3A_147, %dma_start3A_193, %dma_start3A_194] : memref<2x128x128xf32, #tpu.memory_space<vmem>> -> memref<1x128x128xf32, #tpu.memory_space<vmem>>
      %dma_start3A_196 = tpu.memref_squeeze %dma_start3A_195 : memref<1x128x128xf32, #tpu.memory_space<vmem>> -> memref<128x128xf32, #tpu.memory_space<vmem>>
      tpu.enqueue_dma source(%dma_start3A_196 : memref<128x128xf32, #tpu.memory_space<vmem>>) target(%dma_start3A_192 : memref<128x128xf32, #tpu.memory_space<hbm>>) target_semaphore(%run_scoped3A_184 : memref<!tpu.dma_semaphore, #tpu.memory_space<semaphore_mem>>)
      %dma_wait3A_197 = arith.constant 0 : i32
      %dma_wait3A_198 = arith.constant 0 : i32
      %dma_wait3A_199 = tpu.memref_slice %arg6[%run_scoped3A_147, %dma_wait3A_197, %dma_wait3A_198] : memref<2x128x128xf32, #tpu.memory_space<vmem>> -> memref<1x128x128xf32, #tpu.memory_space<vmem>>
      %dma_wait3A_200 = tpu.memref_squeeze %dma_wait3A_199 : memref<1x128x128xf32, #tpu.memory_space<vmem>> -> memref<128x128xf32, #tpu.memory_space<vmem>>
      %dma_wait3A_201 = arith.constant 0 : i32
      %dma_wait3A_202 = tpu.memref_slice %arg4[%add3A_146, %dma_wait3A_201] : memref<32768x128xf32, #tpu.memory_space<hbm>> -> memref<128x128xf32, #tpu.memory_space<hbm>>
      %dma_wait3A_203 = arith.constant 0 : i32
      %dma_wait3A_204 = tpu.memref_slice %arg4[%add3A_146, %dma_wait3A_203] : memref<32768x128xf32, #tpu.memory_space<hbm>> -> memref<128x128xf32, #tpu.memory_space<hbm>>
      %dma_wait3A_205 = arith.constant 0 : i32
      %dma_wait3A_206 = arith.constant 0 : i32
      %dma_wait3A_207 = tpu.memref_slice %arg6[%run_scoped3A_147, %dma_wait3A_205, %dma_wait3A_206] : memref<2x128x128xf32, #tpu.memory_space<vmem>> -> memref<1x128x128xf32, #tpu.memory_space<vmem>>
      %dma_wait3A_208 = tpu.memref_squeeze %dma_wait3A_207 : memref<1x128x128xf32, #tpu.memory_space<vmem>> -> memref<128x128xf32, #tpu.memory_space<vmem>>
      tpu.wait_dma2 semaphore(%run_scoped3A_184 : memref<!tpu.dma_semaphore, #tpu.memory_space<semaphore_mem>>) src(%dma_wait3A_208 : memref<128x128xf32, #tpu.memory_space<vmem>>) dst(%dma_wait3A_204 : memref<128x128xf32, #tpu.memory_space<hbm>>)
      tpu.yield
    }) : () -> ()
    %dma_start3A_148 = arith.constant 1 : i32
    %dma_start3A_149 = arith.constant 0 : i32
    %dma_start3A_150 = arith.constant 0 : i32
    %dma_start3A_151 = tpu.memref_slice %arg6[%dma_start3A_148, %dma_start3A_149, %dma_start3A_150] : memref<2x128x128xf32, #tpu.memory_space<vmem>> -> memref<1x128x128xf32, #tpu.memory_space<vmem>>
    %dma_start3A_152 = tpu.memref_squeeze %dma_start3A_151 : memref<1x128x128xf32, #tpu.memory_space<vmem>> -> memref<128x128xf32, #tpu.memory_space<vmem>>
    %dma_start3A_153 = arith.constant 896 : i32
    %dma_start3A_154 = tpu.memref_slice %arg5[%dma_start3A_153] : memref<1024xi32, #tpu.memory_space<vmem>> -> memref<128xi32, #tpu.memory_space<vmem>>
    %dma_start3A_155 = arith.constant 0 : i32
    %dma_start3A_156 = arith.constant 0 : i32
    %dma_start3A_157 = tpu.memref_slice %arg2[%dma_start3A_155, %dma_start3A_156] : memref<2048x128xf32, #tpu.memory_space<hbm>> -> memref<2048x128xf32, #tpu.memory_space<hbm>>
    tpu.enqueue_indirect_dma source(%dma_start3A_157 : memref<2048x128xf32, #tpu.memory_space<hbm>>) target(%dma_start3A_152 : memref<128x128xf32, #tpu.memory_space<vmem>>) offsets(%dma_start3A_154 : memref<128xi32, #tpu.memory_space<vmem>>) semaphore(%arg8 : memref<!tpu.dma_semaphore, #tpu.memory_space<semaphore_mem>>)
    %dma_wait3A_158 = arith.constant 0 : i32
    %dma_wait3A_159 = arith.constant 0 : i32
    %dma_wait3A_160 = arith.constant 0 : i32
    %dma_wait3A_161 = tpu.memref_slice %arg6[%dma_wait3A_158, %dma_wait3A_159, %dma_wait3A_160] : memref<2x128x128xf32, #tpu.memory_space<vmem>> -> memref<1x128x128xf32, #tpu.memory_space<vmem>>
    %dma_wait3A_162 = tpu.memref_squeeze %dma_wait3A_161 : memref<1x128x128xf32, #tpu.memory_space<vmem>> -> memref<128x128xf32, #tpu.memory_space<vmem>>
    %dma_wait3A_163 = arith.constant 768 : i32
    %dma_wait3A_164 = tpu.memref_slice %arg5[%dma_wait3A_163] : memref<1024xi32, #tpu.memory_space<vmem>> -> memref<128xi32, #tpu.memory_space<vmem>>
    %dma_wait3A_165 = arith.constant 0 : i32
    %dma_wait3A_166 = arith.constant 0 : i32
    %dma_wait3A_167 = tpu.memref_slice %arg2[%dma_wait3A_165, %dma_wait3A_166] : memref<2048x128xf32, #tpu.memory_space<hbm>> -> memref<2048x128xf32, #tpu.memory_space<hbm>>
    tpu.wait_indirect_dma semaphore(%arg7 : memref<!tpu.dma_semaphore, #tpu.memory_space<semaphore_mem>>) src(%dma_wait3A_167 : memref<2048x128xf32, #tpu.memory_space<hbm>>) dst(%dma_wait3A_162 : memref<128x128xf32, #tpu.memory_space<vmem>>)
    %add3A_168 = arith.constant 768 : i32
    %add3A_169 = arith.addi %mul3A_2, %add3A_168 : i32
    %run_scoped3A_170 = arith.constant 0 : i32
    "tpu.region"() ({
      %run_scoped3A_184 = tpu.sem_alloc : memref<!tpu.dma_semaphore, #tpu.memory_space<semaphore_mem>>
      %dma_start3A_185 = arith.constant 0 : i32
      %dma_start3A_186 = arith.constant 0 : i32
      %dma_start3A_187 = tpu.memref_slice %arg6[%run_scoped3A_170, %dma_start3A_185, %dma_start3A_186] : memref<2x128x128xf32, #tpu.memory_space<vmem>> -> memref<1x128x128xf32, #tpu.memory_space<vmem>>
      %dma_start3A_188 = tpu.memref_squeeze %dma_start3A_187 : memref<1x128x128xf32, #tpu.memory_space<vmem>> -> memref<128x128xf32, #tpu.memory_space<vmem>>
      %dma_start3A_189 = arith.constant 0 : i32
      %dma_start3A_190 = tpu.memref_slice %arg4[%add3A_169, %dma_start3A_189] : memref<32768x128xf32, #tpu.memory_space<hbm>> -> memref<128x128xf32, #tpu.memory_space<hbm>>
      %dma_start3A_191 = arith.constant 0 : i32
      %dma_start3A_192 = tpu.memref_slice %arg4[%add3A_169, %dma_start3A_191] : memref<32768x128xf32, #tpu.memory_space<hbm>> -> memref<128x128xf32, #tpu.memory_space<hbm>>
      %dma_start3A_193 = arith.constant 0 : i32
      %dma_start3A_194 = arith.constant 0 : i32
      %dma_start3A_195 = tpu.memref_slice %arg6[%run_scoped3A_170, %dma_start3A_193, %dma_start3A_194] : memref<2x128x128xf32, #tpu.memory_space<vmem>> -> memref<1x128x128xf32, #tpu.memory_space<vmem>>
      %dma_start3A_196 = tpu.memref_squeeze %dma_start3A_195 : memref<1x128x128xf32, #tpu.memory_space<vmem>> -> memref<128x128xf32, #tpu.memory_space<vmem>>
      tpu.enqueue_dma source(%dma_start3A_196 : memref<128x128xf32, #tpu.memory_space<vmem>>) target(%dma_start3A_192 : memref<128x128xf32, #tpu.memory_space<hbm>>) target_semaphore(%run_scoped3A_184 : memref<!tpu.dma_semaphore, #tpu.memory_space<semaphore_mem>>)
      %dma_wait3A_197 = arith.constant 0 : i32
      %dma_wait3A_198 = arith.constant 0 : i32
      %dma_wait3A_199 = tpu.memref_slice %arg6[%run_scoped3A_170, %dma_wait3A_197, %dma_wait3A_198] : memref<2x128x128xf32, #tpu.memory_space<vmem>> -> memref<1x128x128xf32, #tpu.memory_space<vmem>>
      %dma_wait3A_200 = tpu.memref_squeeze %dma_wait3A_199 : memref<1x128x128xf32, #tpu.memory_space<vmem>> -> memref<128x128xf32, #tpu.memory_space<vmem>>
      %dma_wait3A_201 = arith.constant 0 : i32
      %dma_wait3A_202 = tpu.memref_slice %arg4[%add3A_169, %dma_wait3A_201] : memref<32768x128xf32, #tpu.memory_space<hbm>> -> memref<128x128xf32, #tpu.memory_space<hbm>>
      %dma_wait3A_203 = arith.constant 0 : i32
      %dma_wait3A_204 = tpu.memref_slice %arg4[%add3A_169, %dma_wait3A_203] : memref<32768x128xf32, #tpu.memory_space<hbm>> -> memref<128x128xf32, #tpu.memory_space<hbm>>
      %dma_wait3A_205 = arith.constant 0 : i32
      %dma_wait3A_206 = arith.constant 0 : i32
      %dma_wait3A_207 = tpu.memref_slice %arg6[%run_scoped3A_170, %dma_wait3A_205, %dma_wait3A_206] : memref<2x128x128xf32, #tpu.memory_space<vmem>> -> memref<1x128x128xf32, #tpu.memory_space<vmem>>
      %dma_wait3A_208 = tpu.memref_squeeze %dma_wait3A_207 : memref<1x128x128xf32, #tpu.memory_space<vmem>> -> memref<128x128xf32, #tpu.memory_space<vmem>>
      tpu.wait_dma2 semaphore(%run_scoped3A_184 : memref<!tpu.dma_semaphore, #tpu.memory_space<semaphore_mem>>) src(%dma_wait3A_208 : memref<128x128xf32, #tpu.memory_space<vmem>>) dst(%dma_wait3A_204 : memref<128x128xf32, #tpu.memory_space<hbm>>)
      tpu.yield
    }) : () -> ()
    %dma_wait3A_171 = arith.constant 1 : i32
    %dma_wait3A_172 = arith.constant 0 : i32
    %dma_wait3A_173 = arith.constant 0 : i32
    %dma_wait3A_174 = tpu.memref_slice %arg6[%dma_wait3A_171, %dma_wait3A_172, %dma_wait3A_173] : memref<2x128x128xf32, #tpu.memory_space<vmem>> -> memref<1x128x128xf32, #tpu.memory_space<vmem>>
    %dma_wait3A_175 = tpu.memref_squeeze %dma_wait3A_174 : memref<1x128x128xf32, #tpu.memory_space<vmem>> -> memref<128x128xf32, #tpu.memory_space<vmem>>
    %dma_wait3A_176 = arith.constant 896 : i32
    %dma_wait3A_177 = tpu.memref_slice %arg5[%dma_wait3A_176] : memref<1024xi32, #tpu.memory_space<vmem>> -> memref<128xi32, #tpu.memory_space<vmem>>
    %dma_wait3A_178 = arith.constant 0 : i32
    %dma_wait3A_179 = arith.constant 0 : i32
    %dma_wait3A_180 = tpu.memref_slice %arg2[%dma_wait3A_178, %dma_wait3A_179] : memref<2048x128xf32, #tpu.memory_space<hbm>> -> memref<2048x128xf32, #tpu.memory_space<hbm>>
    tpu.wait_indirect_dma semaphore(%arg8 : memref<!tpu.dma_semaphore, #tpu.memory_space<semaphore_mem>>) src(%dma_wait3A_180 : memref<2048x128xf32, #tpu.memory_space<hbm>>) dst(%dma_wait3A_175 : memref<128x128xf32, #tpu.memory_space<vmem>>)
    %add3A_181 = arith.constant 896 : i32
    %add3A_182 = arith.addi %mul3A_2, %add3A_181 : i32
    %run_scoped3A_183 = arith.constant 1 : i32
    "tpu.region"() ({
      %run_scoped3A_184 = tpu.sem_alloc : memref<!tpu.dma_semaphore, #tpu.memory_space<semaphore_mem>>
      %dma_start3A_185 = arith.constant 0 : i32
      %dma_start3A_186 = arith.constant 0 : i32
      %dma_start3A_187 = tpu.memref_slice %arg6[%run_scoped3A_183, %dma_start3A_185, %dma_start3A_186] : memref<2x128x128xf32, #tpu.memory_space<vmem>> -> memref<1x128x128xf32, #tpu.memory_space<vmem>>
      %dma_start3A_188 = tpu.memref_squeeze %dma_start3A_187 : memref<1x128x128xf32, #tpu.memory_space<vmem>> -> memref<128x128xf32, #tpu.memory_space<vmem>>
      %dma_start3A_189 = arith.constant 0 : i32
      %dma_start3A_190 = tpu.memref_slice %arg4[%add3A_182, %dma_start3A_189] : memref<32768x128xf32, #tpu.memory_space<hbm>> -> memref<128x128xf32, #tpu.memory_space<hbm>>
      %dma_start3A_191 = arith.constant 0 : i32
      %dma_start3A_192 = tpu.memref_slice %arg4[%add3A_182, %dma_start3A_191] : memref<32768x128xf32, #tpu.memory_space<hbm>> -> memref<128x128xf32, #tpu.memory_space<hbm>>
      %dma_start3A_193 = arith.constant 0 : i32
      %dma_start3A_194 = arith.constant 0 : i32
      %dma_start3A_195 = tpu.memref_slice %arg6[%run_scoped3A_183, %dma_start3A_193, %dma_start3A_194] : memref<2x128x128xf32, #tpu.memory_space<vmem>> -> memref<1x128x128xf32, #tpu.memory_space<vmem>>
      %dma_start3A_196 = tpu.memref_squeeze %dma_start3A_195 : memref<1x128x128xf32, #tpu.memory_space<vmem>> -> memref<128x128xf32, #tpu.memory_space<vmem>>
      tpu.enqueue_dma source(%dma_start3A_196 : memref<128x128xf32, #tpu.memory_space<vmem>>) target(%dma_start3A_192 : memref<128x128xf32, #tpu.memory_space<hbm>>) target_semaphore(%run_scoped3A_184 : memref<!tpu.dma_semaphore, #tpu.memory_space<semaphore_mem>>)
      %dma_wait3A_197 = arith.constant 0 : i32
      %dma_wait3A_198 = arith.constant 0 : i32
      %dma_wait3A_199 = tpu.memref_slice %arg6[%run_scoped3A_183, %dma_wait3A_197, %dma_wait3A_198] : memref<2x128x128xf32, #tpu.memory_space<vmem>> -> memref<1x128x128xf32, #tpu.memory_space<vmem>>
      %dma_wait3A_200 = tpu.memref_squeeze %dma_wait3A_199 : memref<1x128x128xf32, #tpu.memory_space<vmem>> -> memref<128x128xf32, #tpu.memory_space<vmem>>
      %dma_wait3A_201 = arith.constant 0 : i32
      %dma_wait3A_202 = tpu.memref_slice %arg4[%add3A_182, %dma_wait3A_201] : memref<32768x128xf32, #tpu.memory_space<hbm>> -> memref<128x128xf32, #tpu.memory_space<hbm>>
      %dma_wait3A_203 = arith.constant 0 : i32
      %dma_wait3A_204 = tpu.memref_slice %arg4[%add3A_182, %dma_wait3A_203] : memref<32768x128xf32, #tpu.memory_space<hbm>> -> memref<128x128xf32, #tpu.memory_space<hbm>>
      %dma_wait3A_205 = arith.constant 0 : i32
      %dma_wait3A_206 = arith.constant 0 : i32
      %dma_wait3A_207 = tpu.memref_slice %arg6[%run_scoped3A_183, %dma_wait3A_205, %dma_wait3A_206] : memref<2x128x128xf32, #tpu.memory_space<vmem>> -> memref<1x128x128xf32, #tpu.memory_space<vmem>>
      %dma_wait3A_208 = tpu.memref_squeeze %dma_wait3A_207 : memref<1x128x128xf32, #tpu.memory_space<vmem>> -> memref<128x128xf32, #tpu.memory_space<vmem>>
      tpu.wait_dma2 semaphore(%run_scoped3A_184 : memref<!tpu.dma_semaphore, #tpu.memory_space<semaphore_mem>>) src(%dma_wait3A_208 : memref<128x128xf32, #tpu.memory_space<vmem>>) dst(%dma_wait3A_204 : memref<128x128xf32, #tpu.memory_space<hbm>>)
      tpu.yield
    }) : () -> ()
    return
  }
}

module attributes {stable_mosaic.version = 14 : i64} {
  func.func @_pass1_body(%arg0: i32, %arg1: memref<512x12xf32, #tpu.memory_space<vmem>>, %arg2: memref<512x128xf32, #tpu.memory_space<vmem>>, %arg3: memref<128x24xf32, #tpu.memory_space<vmem>>, %arg4: memref<1x24xf32, #tpu.memory_space<vmem>>, %arg5: memref<128x128xf32, #tpu.memory_space<vmem>>, %arg6: memref<160x128xf32, #tpu.memory_space<vmem>>, %arg7: memref<1x128xf32, #tpu.memory_space<vmem>>, %arg8: memref<120x128xf32, #tpu.memory_space<vmem>>, %arg9: memref<512x128xf32, #tpu.memory_space<vmem>>, %arg10: memref<512x240xf32, #tpu.memory_space<vmem>>, %arg11: memref<512x128xf32, #tpu.memory_space<vmem>>) attributes {dimension_semantics = [#tpu.dimension_semantics<arbitrary>], iteration_bounds = array<i64: 4>, scalar_prefetch = 0 : i64, scratch_operands = 0 : i64, tpu.core_type = #tpu.core_type<tc>, window_params = [{transform_indices = @transform_0, window_bounds = array<i64: 512, 12>}, {transform_indices = @transform_1, window_bounds = array<i64: 512, 128>}, {pipeline_mode = #tpu.pipeline_mode<synchronous>, transform_indices = @transform_2, window_bounds = array<i64: 128, 24>}, {pipeline_mode = #tpu.pipeline_mode<synchronous>, transform_indices = @transform_3, window_bounds = array<i64: 1, 24>}, {pipeline_mode = #tpu.pipeline_mode<synchronous>, transform_indices = @transform_4, window_bounds = array<i64: 128, 128>}, {pipeline_mode = #tpu.pipeline_mode<synchronous>, transform_indices = @transform_5, window_bounds = array<i64: 160, 128>}, {pipeline_mode = #tpu.pipeline_mode<synchronous>, transform_indices = @transform_6, window_bounds = array<i64: 1, 128>}, {pipeline_mode = #tpu.pipeline_mode<synchronous>, transform_indices = @transform_7, window_bounds = array<i64: 120, 128>}, {transform_indices = @transform_8, window_bounds = array<i64: 512, 128>}, {transform_indices = @transform_9, window_bounds = array<i64: 512, 240>}, {transform_indices = @transform_10, window_bounds = array<i64: 512, 128>}]} {
    %get3A = arith.constant 0 : index
    %get3A_0 = arith.constant 0 : index
    %get3A_1 = vector.load %arg1[%get3A, %get3A_0] : memref<512x12xf32, #tpu.memory_space<vmem>>, vector<512x12xf32>
    %get3A_2 = arith.constant 0 : index
    %get3A_3 = arith.constant 0 : index
    %get3A_4 = vector.load %arg2[%get3A_2, %get3A_3] : memref<512x128xf32, #tpu.memory_space<vmem>>, vector<512x128xf32>
    %slice3A = vector.extract_strided_slice %get3A_1 {offsets = [0, 0], sizes = [512, 3], strides = [1, 1]} : vector<512x12xf32> to vector<512x3xf32>
    %slice3A_5 = vector.extract_strided_slice %get3A_1 {offsets = [0, 3], sizes = [512, 3], strides = [1, 1]} : vector<512x12xf32> to vector<512x3xf32>
    %slice3A_6 = vector.extract_strided_slice %get3A_1 {offsets = [0, 6], sizes = [512, 3], strides = [1, 1]} : vector<512x12xf32> to vector<512x3xf32>
    %sub3A = arith.subf %slice3A_6, %slice3A_5 : vector<512x3xf32>
    %sub3A_7 = arith.subf %slice3A, %slice3A_5 : vector<512x3xf32>
    %mul3A = arith.mulf %sub3A, %sub3A : vector<512x3xf32>
    %reduce_sum3A = arith.constant dense<0.000000e+00> : vector<512xf32>
    %reduce_sum3A_8 = vector.multi_reduction <add>, %mul3A, %reduce_sum3A [1] : vector<512x3xf32> to vector<512xf32>
    %broadcast_in_dim3A = vector.shape_cast %reduce_sum3A_8 : vector<512xf32> to vector<512x1xf32>
    %add3A = arith.constant 9.99999993E-9 : f32
    %add3A_9 = vector.broadcast %add3A : f32 to vector<512x1xf32>
    %add3A_10 = arith.addf %broadcast_in_dim3A, %add3A_9 : vector<512x1xf32>
    %sqrt3A = math.sqrt %add3A_10 : vector<512x1xf32>
    %div3A = vector.broadcast %sqrt3A : vector<512x1xf32> to vector<512x3xf32>
    %div3A_11 = arith.divf %sub3A, %div3A : vector<512x3xf32>
    %mul3A_12 = arith.mulf %div3A_11, %sub3A_7 : vector<512x3xf32>
    %reduce_sum3A_13 = arith.constant dense<0.000000e+00> : vector<512xf32>
    %reduce_sum3A_14 = vector.multi_reduction <add>, %mul3A_12, %reduce_sum3A_13 [1] : vector<512x3xf32> to vector<512xf32>
    %broadcast_in_dim3A_15 = vector.shape_cast %reduce_sum3A_14 : vector<512xf32> to vector<512x1xf32>
    %mul3A_16 = vector.broadcast %broadcast_in_dim3A_15 : vector<512x1xf32> to vector<512x3xf32>
    %mul3A_17 = arith.mulf %div3A_11, %mul3A_16 : vector<512x3xf32>
    %sub3A_18 = arith.subf %sub3A_7, %mul3A_17 : vector<512x3xf32>
    %mul3A_19 = arith.mulf %sub3A_18, %sub3A_18 : vector<512x3xf32>
    %reduce_sum3A_20 = arith.constant dense<0.000000e+00> : vector<512xf32>
    %reduce_sum3A_21 = vector.multi_reduction <add>, %mul3A_19, %reduce_sum3A_20 [1] : vector<512x3xf32> to vector<512xf32>
    %broadcast_in_dim3A_22 = vector.shape_cast %reduce_sum3A_21 : vector<512xf32> to vector<512x1xf32>
    %add3A_23 = arith.constant 9.99999993E-9 : f32
    %add3A_24 = vector.broadcast %add3A_23 : f32 to vector<512x1xf32>
    %add3A_25 = arith.addf %broadcast_in_dim3A_22, %add3A_24 : vector<512x1xf32>
    %sqrt3A_26 = math.sqrt %add3A_25 : vector<512x1xf32>
    %div3A_27 = vector.broadcast %sqrt3A_26 : vector<512x1xf32> to vector<512x3xf32>
    %div3A_28 = arith.divf %sub3A_18, %div3A_27 : vector<512x3xf32>
    %slice3A_29 = vector.extract_strided_slice %div3A_11 {offsets = [0, 0], sizes = [512, 1], strides = [1, 1]} : vector<512x3xf32> to vector<512x1xf32>
    %slice3A_30 = vector.extract_strided_slice %div3A_11 {offsets = [0, 1], sizes = [512, 1], strides = [1, 1]} : vector<512x3xf32> to vector<512x1xf32>
    %slice3A_31 = vector.extract_strided_slice %div3A_11 {offsets = [0, 2], sizes = [512, 1], strides = [1, 1]} : vector<512x3xf32> to vector<512x1xf32>
    %slice3A_32 = vector.extract_strided_slice %div3A_28 {offsets = [0, 0], sizes = [512, 1], strides = [1, 1]} : vector<512x3xf32> to vector<512x1xf32>
    %slice3A_33 = vector.extract_strided_slice %div3A_28 {offsets = [0, 1], sizes = [512, 1], strides = [1, 1]} : vector<512x3xf32> to vector<512x1xf32>
    %slice3A_34 = vector.extract_strided_slice %div3A_28 {offsets = [0, 2], sizes = [512, 1], strides = [1, 1]} : vector<512x3xf32> to vector<512x1xf32>
    %mul3A_35 = arith.mulf %slice3A_30, %slice3A_34 : vector<512x1xf32>
    %mul3A_36 = arith.mulf %slice3A_31, %slice3A_33 : vector<512x1xf32>
    %sub3A_37 = arith.subf %mul3A_35, %mul3A_36 : vector<512x1xf32>
    %mul3A_38 = arith.mulf %slice3A_31, %slice3A_32 : vector<512x1xf32>
    %mul3A_39 = arith.mulf %slice3A_29, %slice3A_34 : vector<512x1xf32>
    %sub3A_40 = arith.subf %mul3A_38, %mul3A_39 : vector<512x1xf32>
    %mul3A_41 = arith.mulf %slice3A_29, %slice3A_33 : vector<512x1xf32>
    %mul3A_42 = arith.mulf %slice3A_30, %slice3A_32 : vector<512x1xf32>
    %sub3A_43 = arith.subf %mul3A_41, %mul3A_42 : vector<512x1xf32>
    %concatenate3A = tpu.concatenate %sub3A_37, %sub3A_40, %sub3A_43 in 1 : vector<512x1xf32>, vector<512x1xf32>, vector<512x1xf32> -> vector<512x3xf32>
    %div3A_44 = arith.constant 1.000000e+01 : f32
    %div3A_45 = vector.broadcast %div3A_44 : f32 to vector<512x3xf32>
    %div3A_46 = arith.divf %slice3A_5, %div3A_45 : vector<512x3xf32>
    %concatenate3A_47 = tpu.concatenate %div3A_11, %div3A_28, %concatenate3A, %div3A_46 in 1 : vector<512x3xf32>, vector<512x3xf32>, vector<512x3xf32>, vector<512x3xf32> -> vector<512x12xf32>
    %get3A_48 = arith.constant 0 : index
    %get3A_49 = arith.constant 0 : index
    %get3A_50 = vector.load %arg3[%get3A_48, %get3A_49] : memref<128x24xf32, #tpu.memory_space<vmem>>, vector<128x24xf32>
    %dot_general3A = arith.constant dense<0.000000e+00> : vector<512x24xf32>
    %dot_general3A_51 = tpu.matmul %get3A_4, %get3A_50, %dot_general3A {dimension_numbers = #tpu.dot_dimension_numbers<[1], [0], [0], [1], [0, 0, 1, 1], [], []>, transpose_lhs_hint = false} : vector<512x128xf32>, vector<128x24xf32>, vector<512x24xf32> -> vector<512x24xf32>
    %get3A_52 = arith.constant 0 : index
    %get3A_53 = arith.constant 0 : index
    %get3A_54 = vector.load %arg4[%get3A_52, %get3A_53] : memref<1x24xf32, #tpu.memory_space<vmem>>, vector<1x24xf32>
    %add3A_55 = vector.broadcast %get3A_54 : vector<1x24xf32> to vector<512x24xf32>
    %add3A_56 = arith.addf %dot_general3A_51, %add3A_55 : vector<512x24xf32>
    %slice3A_57 = vector.extract_strided_slice %add3A_56 {offsets = [0, 0], sizes = [512, 8], strides = [1, 1]} : vector<512x24xf32> to vector<512x8xf32>
    %integer_pow3A = arith.mulf %slice3A_57, %slice3A_57 : vector<512x8xf32>
    %slice3A_58 = vector.extract_strided_slice %add3A_56 {offsets = [0, 8], sizes = [512, 8], strides = [1, 1]} : vector<512x24xf32> to vector<512x8xf32>
    %integer_pow3A_59 = arith.mulf %slice3A_58, %slice3A_58 : vector<512x8xf32>
    %add3A_60 = arith.addf %integer_pow3A, %integer_pow3A_59 : vector<512x8xf32>
    %slice3A_61 = vector.extract_strided_slice %add3A_56 {offsets = [0, 16], sizes = [512, 8], strides = [1, 1]} : vector<512x24xf32> to vector<512x8xf32>
    %integer_pow3A_62 = arith.mulf %slice3A_61, %slice3A_61 : vector<512x8xf32>
    %add3A_63 = arith.addf %add3A_60, %integer_pow3A_62 : vector<512x8xf32>
    %add3A_64 = arith.constant 9.99999993E-9 : f32
    %add3A_65 = vector.broadcast %add3A_64 : f32 to vector<512x8xf32>
    %add3A_66 = arith.addf %add3A_63, %add3A_65 : vector<512x8xf32>
    %sqrt3A_67 = math.sqrt %add3A_66 : vector<512x8xf32>
    %slice3A_68 = vector.extract_strided_slice %concatenate3A_47 {offsets = [0, 0], sizes = [512, 1], strides = [1, 1]} : vector<512x12xf32> to vector<512x1xf32>
    %slice3A_69 = vector.extract_strided_slice %add3A_56 {offsets = [0, 0], sizes = [512, 8], strides = [1, 1]} : vector<512x24xf32> to vector<512x8xf32>
    %mul3A_70 = vector.broadcast %slice3A_68 : vector<512x1xf32> to vector<512x8xf32>
    %mul3A_71 = arith.mulf %mul3A_70, %slice3A_69 : vector<512x8xf32>
    %slice3A_72 = vector.extract_strided_slice %concatenate3A_47 {offsets = [0, 3], sizes = [512, 1], strides = [1, 1]} : vector<512x12xf32> to vector<512x1xf32>
    %slice3A_73 = vector.extract_strided_slice %add3A_56 {offsets = [0, 8], sizes = [512, 8], strides = [1, 1]} : vector<512x24xf32> to vector<512x8xf32>
    %mul3A_74 = vector.broadcast %slice3A_72 : vector<512x1xf32> to vector<512x8xf32>
    %mul3A_75 = arith.mulf %mul3A_74, %slice3A_73 : vector<512x8xf32>
    %add3A_76 = arith.addf %mul3A_71, %mul3A_75 : vector<512x8xf32>
    %slice3A_77 = vector.extract_strided_slice %concatenate3A_47 {offsets = [0, 6], sizes = [512, 1], strides = [1, 1]} : vector<512x12xf32> to vector<512x1xf32>
    %slice3A_78 = vector.extract_strided_slice %add3A_56 {offsets = [0, 16], sizes = [512, 8], strides = [1, 1]} : vector<512x24xf32> to vector<512x8xf32>
    %mul3A_79 = vector.broadcast %slice3A_77 : vector<512x1xf32> to vector<512x8xf32>
    %mul3A_80 = arith.mulf %mul3A_79, %slice3A_78 : vector<512x8xf32>
    %add3A_81 = arith.addf %add3A_76, %mul3A_80 : vector<512x8xf32>
    %slice3A_82 = vector.extract_strided_slice %concatenate3A_47 {offsets = [0, 9], sizes = [512, 1], strides = [1, 1]} : vector<512x12xf32> to vector<512x1xf32>
    %add3A_83 = vector.broadcast %slice3A_82 : vector<512x1xf32> to vector<512x8xf32>
    %add3A_84 = arith.addf %add3A_81, %add3A_83 : vector<512x8xf32>
    %slice3A_85 = vector.extract_strided_slice %concatenate3A_47 {offsets = [0, 1], sizes = [512, 1], strides = [1, 1]} : vector<512x12xf32> to vector<512x1xf32>
    %slice3A_86 = vector.extract_strided_slice %add3A_56 {offsets = [0, 0], sizes = [512, 8], strides = [1, 1]} : vector<512x24xf32> to vector<512x8xf32>
    %mul3A_87 = vector.broadcast %slice3A_85 : vector<512x1xf32> to vector<512x8xf32>
    %mul3A_88 = arith.mulf %mul3A_87, %slice3A_86 : vector<512x8xf32>
    %slice3A_89 = vector.extract_strided_slice %concatenate3A_47 {offsets = [0, 4], sizes = [512, 1], strides = [1, 1]} : vector<512x12xf32> to vector<512x1xf32>
    %slice3A_90 = vector.extract_strided_slice %add3A_56 {offsets = [0, 8], sizes = [512, 8], strides = [1, 1]} : vector<512x24xf32> to vector<512x8xf32>
    %mul3A_91 = vector.broadcast %slice3A_89 : vector<512x1xf32> to vector<512x8xf32>
    %mul3A_92 = arith.mulf %mul3A_91, %slice3A_90 : vector<512x8xf32>
    %add3A_93 = arith.addf %mul3A_88, %mul3A_92 : vector<512x8xf32>
    %slice3A_94 = vector.extract_strided_slice %concatenate3A_47 {offsets = [0, 7], sizes = [512, 1], strides = [1, 1]} : vector<512x12xf32> to vector<512x1xf32>
    %slice3A_95 = vector.extract_strided_slice %add3A_56 {offsets = [0, 16], sizes = [512, 8], strides = [1, 1]} : vector<512x24xf32> to vector<512x8xf32>
    %mul3A_96 = vector.broadcast %slice3A_94 : vector<512x1xf32> to vector<512x8xf32>
    %mul3A_97 = arith.mulf %mul3A_96, %slice3A_95 : vector<512x8xf32>
    %add3A_98 = arith.addf %add3A_93, %mul3A_97 : vector<512x8xf32>
    %slice3A_99 = vector.extract_strided_slice %concatenate3A_47 {offsets = [0, 10], sizes = [512, 1], strides = [1, 1]} : vector<512x12xf32> to vector<512x1xf32>
    %add3A_100 = vector.broadcast %slice3A_99 : vector<512x1xf32> to vector<512x8xf32>
    %add3A_101 = arith.addf %add3A_98, %add3A_100 : vector<512x8xf32>
    %slice3A_102 = vector.extract_strided_slice %concatenate3A_47 {offsets = [0, 2], sizes = [512, 1], strides = [1, 1]} : vector<512x12xf32> to vector<512x1xf32>
    %slice3A_103 = vector.extract_strided_slice %add3A_56 {offsets = [0, 0], sizes = [512, 8], strides = [1, 1]} : vector<512x24xf32> to vector<512x8xf32>
    %mul3A_104 = vector.broadcast %slice3A_102 : vector<512x1xf32> to vector<512x8xf32>
    %mul3A_105 = arith.mulf %mul3A_104, %slice3A_103 : vector<512x8xf32>
    %slice3A_106 = vector.extract_strided_slice %concatenate3A_47 {offsets = [0, 5], sizes = [512, 1], strides = [1, 1]} : vector<512x12xf32> to vector<512x1xf32>
    %slice3A_107 = vector.extract_strided_slice %add3A_56 {offsets = [0, 8], sizes = [512, 8], strides = [1, 1]} : vector<512x24xf32> to vector<512x8xf32>
    %mul3A_108 = vector.broadcast %slice3A_106 : vector<512x1xf32> to vector<512x8xf32>
    %mul3A_109 = arith.mulf %mul3A_108, %slice3A_107 : vector<512x8xf32>
    %add3A_110 = arith.addf %mul3A_105, %mul3A_109 : vector<512x8xf32>
    %slice3A_111 = vector.extract_strided_slice %concatenate3A_47 {offsets = [0, 8], sizes = [512, 1], strides = [1, 1]} : vector<512x12xf32> to vector<512x1xf32>
    %slice3A_112 = vector.extract_strided_slice %add3A_56 {offsets = [0, 16], sizes = [512, 8], strides = [1, 1]} : vector<512x24xf32> to vector<512x8xf32>
    %mul3A_113 = vector.broadcast %slice3A_111 : vector<512x1xf32> to vector<512x8xf32>
    %mul3A_114 = arith.mulf %mul3A_113, %slice3A_112 : vector<512x8xf32>
    %add3A_115 = arith.addf %add3A_110, %mul3A_114 : vector<512x8xf32>
    %slice3A_116 = vector.extract_strided_slice %concatenate3A_47 {offsets = [0, 11], sizes = [512, 1], strides = [1, 1]} : vector<512x12xf32> to vector<512x1xf32>
    %add3A_117 = vector.broadcast %slice3A_116 : vector<512x1xf32> to vector<512x8xf32>
    %add3A_118 = arith.addf %add3A_115, %add3A_117 : vector<512x8xf32>
    %get3A_119 = arith.constant 0 : index
    %get3A_120 = arith.constant 0 : index
    %get3A_121 = vector.load %arg5[%get3A_119, %get3A_120] : memref<128x128xf32, #tpu.memory_space<vmem>>, vector<128x128xf32>
    %dot_general3A_122 = arith.constant dense<0.000000e+00> : vector<512x128xf32>
    %dot_general3A_123 = tpu.matmul %get3A_4, %get3A_121, %dot_general3A_122 {dimension_numbers = #tpu.dot_dimension_numbers<[1], [0], [0], [1], [0, 0, 1, 1], [], []>, transpose_lhs_hint = false} : vector<512x128xf32>, vector<128x128xf32>, vector<512x128xf32> -> vector<512x128xf32>
    %bitcast_convert_type3A = tpu.bitcast %dot_general3A_123 : vector<512x128xf32> -> vector<512x128xi32>
    %add3A_124 = arith.constant 32768 : i32
    %add3A_125 = vector.broadcast %add3A_124 : i32 to vector<512x128xi32>
    %add3A_126 = arith.addi %bitcast_convert_type3A, %add3A_125 : vector<512x128xi32>
    %slice3A_127 = vector.extract_strided_slice %add3A_126 {offsets = [0, 0], sizes = [512, 64], strides = [1, 1]} : vector<512x128xi32> to vector<512x64xi32>
    %and3A = arith.constant -65536 : i32
    %and3A_128 = vector.broadcast %and3A : i32 to vector<512x64xi32>
    %and3A_129 = arith.andi %slice3A_127, %and3A_128 : vector<512x64xi32>
    %slice3A_130 = vector.extract_strided_slice %add3A_126 {offsets = [0, 64], sizes = [512, 64], strides = [1, 1]} : vector<512x128xi32> to vector<512x64xi32>
    %and3A_131 = arith.constant -65536 : i32
    %and3A_132 = vector.broadcast %and3A_131 : i32 to vector<512x64xi32>
    %and3A_133 = arith.andi %slice3A_130, %and3A_132 : vector<512x64xi32>
    %shift_right_logical3A = arith.constant 16 : i32
    %shift_right_logical3A_134 = vector.broadcast %shift_right_logical3A : i32 to vector<512x64xi32>
    %shift_right_logical3A_135 = arith.shrui %and3A_133, %shift_right_logical3A_134 : vector<512x64xi32>
    %or3A = arith.ori %and3A_129, %shift_right_logical3A_135 : vector<512x64xi32>
    %bitcast_convert_type3A_136 = tpu.bitcast %or3A : vector<512x64xi32> -> vector<512x64xf32>
    %broadcast_in_dim3A_137 = arith.constant 0.000000e+00 : f32
    %broadcast_in_dim3A_138 = vector.broadcast %broadcast_in_dim3A_137 : f32 to vector<512x40xf32>
    %concatenate3A_139 = tpu.concatenate %bitcast_convert_type3A_136, %add3A_84, %add3A_101, %add3A_118, %broadcast_in_dim3A_138 in 1 : vector<512x64xf32>, vector<512x8xf32>, vector<512x8xf32>, vector<512x8xf32>, vector<512x40xf32> -> vector<512x128xf32>
    %swap3A = arith.constant 0 : index
    %swap3A_140 = arith.constant 0 : index
    %swap3A_141 = vector.load %arg9[%swap3A, %swap3A_140] : memref<512x128xf32, #tpu.memory_space<vmem>>, vector<512x128xf32>
    tpu.vector_store %arg9[%swap3A, %swap3A_140], %concatenate3A_139 {strides = array<i32>} : memref<512x128xf32, #tpu.memory_space<vmem>>, vector<512x128xf32>,
    %broadcast_in_dim3A_142 = arith.constant 1.000000e+00 : f32
    %broadcast_in_dim3A_143 = vector.broadcast %broadcast_in_dim3A_142 : f32 to vector<1x8xf32>
    %slice3A_144 = vector.extract_strided_slice %concatenate3A_47 {offsets = [0, 9], sizes = [512, 1], strides = [1, 1]} : vector<512x12xf32> to vector<512x1xf32>
    %mul3A_145 = vector.broadcast %slice3A_144 : vector<512x1xf32> to vector<512x8xf32>
    %mul3A_146 = vector.broadcast %broadcast_in_dim3A_143 : vector<1x8xf32> to vector<512x8xf32>
    %mul3A_147 = arith.mulf %mul3A_145, %mul3A_146 : vector<512x8xf32>
    %slice3A_148 = vector.extract_strided_slice %concatenate3A_47 {offsets = [0, 10], sizes = [512, 1], strides = [1, 1]} : vector<512x12xf32> to vector<512x1xf32>
    %mul3A_149 = vector.broadcast %slice3A_148 : vector<512x1xf32> to vector<512x8xf32>
    %mul3A_150 = vector.broadcast %broadcast_in_dim3A_143 : vector<1x8xf32> to vector<512x8xf32>
    %mul3A_151 = arith.mulf %mul3A_149, %mul3A_150 : vector<512x8xf32>
    %slice3A_152 = vector.extract_strided_slice %concatenate3A_47 {offsets = [0, 11], sizes = [512, 1], strides = [1, 1]} : vector<512x12xf32> to vector<512x1xf32>
    %mul3A_153 = vector.broadcast %slice3A_152 : vector<512x1xf32> to vector<512x8xf32>
    %mul3A_154 = vector.broadcast %broadcast_in_dim3A_143 : vector<1x8xf32> to vector<512x8xf32>
    %mul3A_155 = arith.mulf %mul3A_153, %mul3A_154 : vector<512x8xf32>
    %concatenate3A_156 = tpu.concatenate %mul3A_147, %mul3A_151, %mul3A_155 in 1 : vector<512x8xf32>, vector<512x8xf32>, vector<512x8xf32> -> vector<512x24xf32>
    %slice3A_157 = vector.extract_strided_slice %concatenate3A_47 {offsets = [0, 0], sizes = [512, 1], strides = [1, 1]} : vector<512x12xf32> to vector<512x1xf32>
    %mul3A_158 = vector.broadcast %slice3A_157 : vector<512x1xf32> to vector<512x8xf32>
    %mul3A_159 = vector.broadcast %broadcast_in_dim3A_143 : vector<1x8xf32> to vector<512x8xf32>
    %mul3A_160 = arith.mulf %mul3A_158, %mul3A_159 : vector<512x8xf32>
    %slice3A_161 = vector.extract_strided_slice %concatenate3A_47 {offsets = [0, 1], sizes = [512, 1], strides = [1, 1]} : vector<512x12xf32> to vector<512x1xf32>
    %mul3A_162 = vector.broadcast %slice3A_161 : vector<512x1xf32> to vector<512x8xf32>
    %mul3A_163 = vector.broadcast %broadcast_in_dim3A_143 : vector<1x8xf32> to vector<512x8xf32>
    %mul3A_164 = arith.mulf %mul3A_162, %mul3A_163 : vector<512x8xf32>
    %slice3A_165 = vector.extract_strided_slice %concatenate3A_47 {offsets = [0, 2], sizes = [512, 1], strides = [1, 1]} : vector<512x12xf32> to vector<512x1xf32>
    %mul3A_166 = vector.broadcast %slice3A_165 : vector<512x1xf32> to vector<512x8xf32>
    %mul3A_167 = vector.broadcast %broadcast_in_dim3A_143 : vector<1x8xf32> to vector<512x8xf32>
    %mul3A_168 = arith.mulf %mul3A_166, %mul3A_167 : vector<512x8xf32>
    %concatenate3A_169 = tpu.concatenate %mul3A_160, %mul3A_164, %mul3A_168 in 1 : vector<512x8xf32>, vector<512x8xf32>, vector<512x8xf32> -> vector<512x24xf32>
    %slice3A_170 = vector.extract_strided_slice %concatenate3A_47 {offsets = [0, 3], sizes = [512, 1], strides = [1, 1]} : vector<512x12xf32> to vector<512x1xf32>
    %mul3A_171 = vector.broadcast %slice3A_170 : vector<512x1xf32> to vector<512x8xf32>
    %mul3A_172 = vector.broadcast %broadcast_in_dim3A_143 : vector<1x8xf32> to vector<512x8xf32>
    %mul3A_173 = arith.mulf %mul3A_171, %mul3A_172 : vector<512x8xf32>
    %slice3A_174 = vector.extract_strided_slice %concatenate3A_47 {offsets = [0, 4], sizes = [512, 1], strides = [1, 1]} : vector<512x12xf32> to vector<512x1xf32>
    %mul3A_175 = vector.broadcast %slice3A_174 : vector<512x1xf32> to vector<512x8xf32>
    %mul3A_176 = vector.broadcast %broadcast_in_dim3A_143 : vector<1x8xf32> to vector<512x8xf32>
    %mul3A_177 = arith.mulf %mul3A_175, %mul3A_176 : vector<512x8xf32>
    %slice3A_178 = vector.extract_strided_slice %concatenate3A_47 {offsets = [0, 5], sizes = [512, 1], strides = [1, 1]} : vector<512x12xf32> to vector<512x1xf32>
    %mul3A_179 = vector.broadcast %slice3A_178 : vector<512x1xf32> to vector<512x8xf32>
    %mul3A_180 = vector.broadcast %broadcast_in_dim3A_143 : vector<1x8xf32> to vector<512x8xf32>
    %mul3A_181 = arith.mulf %mul3A_179, %mul3A_180 : vector<512x8xf32>
    %concatenate3A_182 = tpu.concatenate %mul3A_173, %mul3A_177, %mul3A_181 in 1 : vector<512x8xf32>, vector<512x8xf32>, vector<512x8xf32> -> vector<512x24xf32>
    %slice3A_183 = vector.extract_strided_slice %concatenate3A_47 {offsets = [0, 6], sizes = [512, 1], strides = [1, 1]} : vector<512x12xf32> to vector<512x1xf32>
    %mul3A_184 = vector.broadcast %slice3A_183 : vector<512x1xf32> to vector<512x8xf32>
    %mul3A_185 = vector.broadcast %broadcast_in_dim3A_143 : vector<1x8xf32> to vector<512x8xf32>
    %mul3A_186 = arith.mulf %mul3A_184, %mul3A_185 : vector<512x8xf32>
    %slice3A_187 = vector.extract_strided_slice %concatenate3A_47 {offsets = [0, 7], sizes = [512, 1], strides = [1, 1]} : vector<512x12xf32> to vector<512x1xf32>
    %mul3A_188 = vector.broadcast %slice3A_187 : vector<512x1xf32> to vector<512x8xf32>
    %mul3A_189 = vector.broadcast %broadcast_in_dim3A_143 : vector<1x8xf32> to vector<512x8xf32>
    %mul3A_190 = arith.mulf %mul3A_188, %mul3A_189 : vector<512x8xf32>
    %slice3A_191 = vector.extract_strided_slice %concatenate3A_47 {offsets = [0, 8], sizes = [512, 1], strides = [1, 1]} : vector<512x12xf32> to vector<512x1xf32>
    %mul3A_192 = vector.broadcast %slice3A_191 : vector<512x1xf32> to vector<512x8xf32>
    %mul3A_193 = vector.broadcast %broadcast_in_dim3A_143 : vector<1x8xf32> to vector<512x8xf32>
    %mul3A_194 = arith.mulf %mul3A_192, %mul3A_193 : vector<512x8xf32>
    %concatenate3A_195 = tpu.concatenate %mul3A_186, %mul3A_190, %mul3A_194 in 1 : vector<512x8xf32>, vector<512x8xf32>, vector<512x8xf32> -> vector<512x24xf32>
    %broadcast_in_dim3A_196 = arith.constant 1.000000e+00 : f32
    %broadcast_in_dim3A_197 = vector.broadcast %broadcast_in_dim3A_196 : f32 to vector<512x24xf32>
    %neg3A = arith.constant 0.000000e+00 : f32
    %neg3A_198 = vector.broadcast %neg3A : f32 to vector<512x24xf32>
    %neg3A_199 = arith.subf %neg3A_198, %broadcast_in_dim3A_197 : vector<512x24xf32>
    %concatenate3A_200 = tpu.concatenate %broadcast_in_dim3A_197, %concatenate3A_169, %concatenate3A_182, %concatenate3A_195, %neg3A_199 in 1 : vector<512x24xf32>, vector<512x24xf32>, vector<512x24xf32>, vector<512x24xf32>, vector<512x24xf32> -> vector<512x120xf32>
    %neg3A_201 = arith.constant 0.000000e+00 : f32
    %neg3A_202 = vector.broadcast %neg3A_201 : f32 to vector<512x24xf32>
    %neg3A_203 = arith.subf %neg3A_202, %concatenate3A_156 : vector<512x24xf32>
    %neg3A_204 = arith.constant 0.000000e+00 : f32
    %neg3A_205 = vector.broadcast %neg3A_204 : f32 to vector<512x24xf32>
    %neg3A_206 = arith.subf %neg3A_205, %concatenate3A_156 : vector<512x24xf32>
    %mul3A_207 = arith.mulf %neg3A_206, %concatenate3A_169 : vector<512x24xf32>
    %neg3A_208 = arith.constant 0.000000e+00 : f32
    %neg3A_209 = vector.broadcast %neg3A_208 : f32 to vector<512x24xf32>
    %neg3A_210 = arith.subf %neg3A_209, %concatenate3A_156 : vector<512x24xf32>
    %mul3A_211 = arith.mulf %neg3A_210, %concatenate3A_182 : vector<512x24xf32>
    %neg3A_212 = arith.constant 0.000000e+00 : f32
    %neg3A_213 = vector.broadcast %neg3A_212 : f32 to vector<512x24xf32>
    %neg3A_214 = arith.subf %neg3A_213, %concatenate3A_156 : vector<512x24xf32>
    %mul3A_215 = arith.mulf %neg3A_214, %concatenate3A_195 : vector<512x24xf32>
    %concatenate3A_216 = tpu.concatenate %add3A_84, %add3A_101, %add3A_118 in 1 : vector<512x8xf32>, vector<512x8xf32>, vector<512x8xf32> -> vector<512x24xf32>
    %concatenate3A_217 = tpu.concatenate %neg3A_203, %mul3A_207, %mul3A_211, %mul3A_215, %concatenate3A_216 in 1 : vector<512x24xf32>, vector<512x24xf32>, vector<512x24xf32>, vector<512x24xf32>, vector<512x24xf32> -> vector<512x120xf32>
    %concatenate3A_218 = tpu.concatenate %concatenate3A_200, %concatenate3A_217 in 1 : vector<512x120xf32>, vector<512x120xf32> -> vector<512x240xf32>
    %swap3A_219 = arith.constant 0 : index
    %swap3A_220 = arith.constant 0 : index
    %swap3A_221 = vector.load %arg10[%swap3A_219, %swap3A_220] : memref<512x240xf32, #tpu.memory_space<vmem>>, vector<512x240xf32>
    tpu.vector_store %arg10[%swap3A_219, %swap3A_220], %concatenate3A_218 {strides = array<i32>} : memref<512x240xf32, #tpu.memory_space<vmem>>, vector<512x240xf32>,
    %concatenate3A_222 = tpu.concatenate %get3A_4, %add3A_56, %sqrt3A_67 in 1 : vector<512x128xf32>, vector<512x24xf32>, vector<512x8xf32> -> vector<512x160xf32>
    %get3A_223 = arith.constant 0 : index
    %get3A_224 = arith.constant 0 : index
    %get3A_225 = vector.load %arg6[%get3A_223, %get3A_224] : memref<160x128xf32, #tpu.memory_space<vmem>>, vector<160x128xf32>
    %dot_general3A_226 = arith.constant dense<0.000000e+00> : vector<512x128xf32>
    %dot_general3A_227 = tpu.matmul %concatenate3A_222, %get3A_225, %dot_general3A_226 {dimension_numbers = #tpu.dot_dimension_numbers<[1], [0], [0], [1], [0, 0, 1, 1], [], []>, transpose_lhs_hint = false} : vector<512x160xf32>, vector<160x128xf32>, vector<512x128xf32> -> vector<512x128xf32>
    %get3A_228 = arith.constant 0 : index
    %get3A_229 = arith.constant 0 : index
    %get3A_230 = vector.load %arg7[%get3A_228, %get3A_229] : memref<1x128xf32, #tpu.memory_space<vmem>>, vector<1x128xf32>
    %add3A_231 = vector.broadcast %get3A_230 : vector<1x128xf32> to vector<512x128xf32>
    %add3A_232 = arith.addf %dot_general3A_227, %add3A_231 : vector<512x128xf32>
    %swap3A_233 = arith.constant 0 : index
    %swap3A_234 = arith.constant 0 : index
    %swap3A_235 = vector.load %arg11[%swap3A_233, %swap3A_234] : memref<512x128xf32, #tpu.memory_space<vmem>>, vector<512x128xf32>
    tpu.vector_store %arg11[%swap3A_233, %swap3A_234], %add3A_232 {strides = array<i32>} : memref<512x128xf32, #tpu.memory_space<vmem>>, vector<512x128xf32>,
    return
  }
  func.func @transform_0(%arg0: i32) -> (i32, i32) {
    %c0_i32 = arith.constant 0 : i32
    %c0_i32_0 = arith.constant 0 : i32
    return %arg0, %c0_i32 : i32, i32
  }
  func.func @transform_1(%arg0: i32) -> (i32, i32) {
    %c0_i32 = arith.constant 0 : i32
    %c0_i32_0 = arith.constant 0 : i32
    return %arg0, %c0_i32 : i32, i32
  }
  func.func @transform_2(%arg0: i32) -> (i32, i32) {
    %c0_i32 = arith.constant 0 : i32
    %c0_i32_0 = arith.constant 0 : i32
    %c0_i32_1 = arith.constant 0 : i32
    return %c0_i32, %c0_i32_0 : i32, i32
  }
  func.func @transform_3(%arg0: i32) -> (i32, i32) {
    %c0_i32 = arith.constant 0 : i32
    %c0_i32_0 = arith.constant 0 : i32
    %c0_i32_1 = arith.constant 0 : i32
    return %c0_i32, %c0_i32_0 : i32, i32
  }
  func.func @transform_4(%arg0: i32) -> (i32, i32) {
    %c0_i32 = arith.constant 0 : i32
    %c0_i32_0 = arith.constant 0 : i32
    %c0_i32_1 = arith.constant 0 : i32
    return %c0_i32, %c0_i32_0 : i32, i32
  }
  func.func @transform_5(%arg0: i32) -> (i32, i32) {
    %c0_i32 = arith.constant 0 : i32
    %c0_i32_0 = arith.constant 0 : i32
    %c0_i32_1 = arith.constant 0 : i32
    return %c0_i32, %c0_i32_0 : i32, i32
  }
  func.func @transform_6(%arg0: i32) -> (i32, i32) {
    %c0_i32 = arith.constant 0 : i32
    %c0_i32_0 = arith.constant 0 : i32
    %c0_i32_1 = arith.constant 0 : i32
    return %c0_i32, %c0_i32_0 : i32, i32
  }
  func.func @transform_7(%arg0: i32) -> (i32, i32) {
    %c0_i32 = arith.constant 0 : i32
    %c0_i32_0 = arith.constant 0 : i32
    %c0_i32_1 = arith.constant 0 : i32
    return %c0_i32, %c0_i32_0 : i32, i32
  }
  func.func @transform_8(%arg0: i32) -> (i32, i32) {
    %c0_i32 = arith.constant 0 : i32
    %c0_i32_0 = arith.constant 0 : i32
    return %arg0, %c0_i32 : i32, i32
  }
  func.func @transform_9(%arg0: i32) -> (i32, i32) {
    %c0_i32 = arith.constant 0 : i32
    %c0_i32_0 = arith.constant 0 : i32
    return %arg0, %c0_i32 : i32, i32
  }
  func.func @transform_10(%arg0: i32) -> (i32, i32) {
    %c0_i32 = arith.constant 0 : i32
    %c0_i32_0 = arith.constant 0 : i32
    return %arg0, %c0_i32 : i32, i32
  }
}

module attributes {stable_mosaic.version = 14 : i64} {
  func.func @_pass2_body(%arg0: i32, %arg1: memref<4096x128xf32, #tpu.memory_space<vmem>>, %arg2: memref<4096x128xf32, #tpu.memory_space<vmem>>, %arg3: memref<128x240xf32, #tpu.memory_space<vmem>>, %arg4: memref<128x128xf32, #tpu.memory_space<vmem>>, %arg5: memref<128x128xf32, #tpu.memory_space<vmem>>, %arg6: memref<4096x128xbf16, #tpu.memory_space<vmem>>, %arg7: memref<24x120xf32, #tpu.memory_space<vmem>>, %arg8: memref<120x16xf32, #tpu.memory_space<vmem>>, %arg9: memref<128x128xbf16, #tpu.memory_space<vmem>>, %arg10: memref<120x128xbf16, #tpu.memory_space<vmem>>, %arg11: memref<16x128xf32, #tpu.memory_space<vmem>>, %arg12: memref<128x128xbf16, #tpu.memory_space<vmem>>, %arg13: memref<1x128xf32, #tpu.memory_space<vmem>>, %arg14: memref<128x128xbf16, #tpu.memory_space<vmem>>, %arg15: memref<1x128xf32, #tpu.memory_space<vmem>>, %arg16: memref<1x128xf32, #tpu.memory_space<vmem>>, %arg17: memref<1x128xf32, #tpu.memory_space<vmem>>, %arg18: memref<128x512xf32, #tpu.memory_space<vmem>>, %arg19: memref<1x512xf32, #tpu.memory_space<vmem>>, %arg20: memref<512x128xf32, #tpu.memory_space<vmem>>, %arg21: memref<1x128xf32, #tpu.memory_space<vmem>>, %arg22: memref<1x128xf32, #tpu.memory_space<vmem>>, %arg23: memref<1x128xf32, #tpu.memory_space<vmem>>, %arg24: memref<128x128xf32, #tpu.memory_space<vmem>>) attributes {dimension_semantics = [#tpu.dimension_semantics<arbitrary>], iteration_bounds = array<i64: 8>, scalar_prefetch = 0 : i64, scratch_operands = 0 : i64, tpu.core_type = #tpu.core_type<tc>, window_params = [{transform_indices = @transform_0, window_bounds = array<i64: 4096, 128>}, {transform_indices = @transform_1, window_bounds = array<i64: 4096, 128>}, {transform_indices = @transform_2, window_bounds = array<i64: 128, 240>}, {transform_indices = @transform_3, window_bounds = array<i64: 128, 128>}, {transform_indices = @transform_4, window_bounds = array<i64: 128, 128>}, {pipeline_mode = #tpu.pipeline_mode<synchronous>, transform_indices = @transform_5, window_bounds = array<i64: 4096, 128>}, {pipeline_mode = #tpu.pipeline_mode<synchronous>, transform_indices = @transform_6, window_bounds = array<i64: 24, 120>}, {pipeline_mode = #tpu.pipeline_mode<synchronous>, transform_indices = @transform_7, window_bounds = array<i64: 120, 16>}, {pipeline_mode = #tpu.pipeline_mode<synchronous>, transform_indices = @transform_8, window_bounds = array<i64: 128, 128>}, {pipeline_mode = #tpu.pipeline_mode<synchronous>, transform_indices = @transform_9, window_bounds = array<i64: 120, 128>}, {pipeline_mode = #tpu.pipeline_mode<synchronous>, transform_indices = @transform_10, window_bounds = array<i64: 16, 128>}, {pipeline_mode = #tpu.pipeline_mode<synchronous>, transform_indices = @transform_11, window_bounds = array<i64: 128, 128>}, {pipeline_mode = #tpu.pipeline_mode<synchronous>, transform_indices = @transform_12, window_bounds = array<i64: 1, 128>}, {pipeline_mode = #tpu.pipeline_mode<synchronous>, transform_indices = @transform_13, window_bounds = array<i64: 128, 128>}, {pipeline_mode = #tpu.pipeline_mode<synchronous>, transform_indices = @transform_14, window_bounds = array<i64: 1, 128>}, {pipeline_mode = #tpu.pipeline_mode<synchronous>, transform_indices = @transform_15, window_bounds = array<i64: 1, 128>}, {pipeline_mode = #tpu.pipeline_mode<synchronous>, transform_indices = @transform_16, window_bounds = array<i64: 1, 128>}, {pipeline_mode = #tpu.pipeline_mode<synchronous>, transform_indices = @transform_17, window_bounds = array<i64: 128, 512>}, {pipeline_mode = #tpu.pipeline_mode<synchronous>, transform_indices = @transform_18, window_bounds = array<i64: 1, 512>}, {pipeline_mode = #tpu.pipeline_mode<synchronous>, transform_indices = @transform_19, window_bounds = array<i64: 512, 128>}, {pipeline_mode = #tpu.pipeline_mode<synchronous>, transform_indices = @transform_20, window_bounds = array<i64: 1, 128>}, {pipeline_mode = #tpu.pipeline_mode<synchronous>, transform_indices = @transform_21, window_bounds = array<i64: 1, 128>}, {pipeline_mode = #tpu.pipeline_mode<synchronous>, transform_indices = @transform_22, window_bounds = array<i64: 1, 128>}, {transform_indices = @transform_23, window_bounds = array<i64: 128, 128>}]} {
    %get3A = arith.constant 0 : index
    %get3A_0 = arith.constant 0 : index
    %get3A_1 = vector.load %arg1[%get3A, %get3A_0] : memref<4096x128xf32, #tpu.memory_space<vmem>>, vector<4096x128xf32>
    %get3A_2 = arith.constant 0 : index
    %get3A_3 = arith.constant 0 : index
    %get3A_4 = vector.load %arg2[%get3A_2, %get3A_3] : memref<4096x128xf32, #tpu.memory_space<vmem>>, vector<4096x128xf32>
    %get3A_5 = arith.constant 0 : index
    %get3A_6 = arith.constant 0 : index
    %get3A_7 = vector.load %arg3[%get3A_5, %get3A_6] : memref<128x240xf32, #tpu.memory_space<vmem>>, vector<128x240xf32>
    %get3A_8 = arith.constant 0 : index
    %get3A_9 = arith.constant 0 : index
    %get3A_10 = vector.load %arg4[%get3A_8, %get3A_9] : memref<128x128xf32, #tpu.memory_space<vmem>>, vector<128x128xf32>
    %concatenate3A = tpu.concatenate %get3A_7, %get3A_10 in 1 : vector<128x240xf32>, vector<128x128xf32> -> vector<128x368xf32>
    %get3A_11 = arith.constant 0 : index
    %get3A_12 = arith.constant 0 : index
    %get3A_13 = vector.load %arg6[%get3A_11, %get3A_12] : memref<4096x128xbf16, #tpu.memory_space<vmem>>, vector<4096x128xbf16>
    %convert_element_type3A = arith.truncf %concatenate3A : vector<128x368xf32> to vector<128x368xbf16>
    %dot_general3A = arith.constant dense<0.000000e+00> : vector<4096x368xf32>
    %dot_general3A_14 = tpu.matmul %get3A_13, %convert_element_type3A, %dot_general3A {dimension_numbers = #tpu.dot_dimension_numbers<[1], [0], [0], [1], [0, 0, 1, 1], [], []>, transpose_lhs_hint = false} : vector<4096x128xbf16>, vector<128x368xbf16>, vector<4096x368xf32> -> vector<4096x368xf32>
    %slice3A = vector.extract_strided_slice %get3A_4 {offsets = [0, 0], sizes = [4096, 64], strides = [1, 1]} : vector<4096x128xf32> to vector<4096x64xf32>
    %bitcast_convert_type3A = tpu.bitcast %slice3A : vector<4096x64xf32> -> vector<4096x64xi32>
    %and3A = arith.constant -65536 : i32
    %and3A_15 = vector.broadcast %and3A : i32 to vector<4096x64xi32>
    %and3A_16 = arith.andi %bitcast_convert_type3A, %and3A_15 : vector<4096x64xi32>
    %bitcast_convert_type3A_17 = tpu.bitcast %and3A_16 : vector<4096x64xi32> -> vector<4096x64xf32>
    %shift_left3A = arith.constant 16 : i32
    %shift_left3A_18 = vector.broadcast %shift_left3A : i32 to vector<4096x64xi32>
    %shift_left3A_19 = arith.shli %bitcast_convert_type3A, %shift_left3A_18 : vector<4096x64xi32>
    %bitcast_convert_type3A_20 = tpu.bitcast %shift_left3A_19 : vector<4096x64xi32> -> vector<4096x64xf32>
    %concatenate3A_21 = tpu.concatenate %bitcast_convert_type3A_17, %bitcast_convert_type3A_20 in 1 : vector<4096x64xf32>, vector<4096x64xf32> -> vector<4096x128xf32>
    %slice3A_22 = vector.extract_strided_slice %get3A_4 {offsets = [0, 64], sizes = [4096, 24], strides = [1, 1]} : vector<4096x128xf32> to vector<4096x24xf32>
    %get3A_23 = arith.constant 0 : index
    %get3A_24 = arith.constant 0 : index
    %get3A_25 = vector.load %arg7[%get3A_23, %get3A_24] : memref<24x120xf32, #tpu.memory_space<vmem>>, vector<24x120xf32>
    %dot_general3A_26 = arith.constant dense<0.000000e+00> : vector<4096x120xf32>
    %dot_general3A_27 = tpu.matmul %slice3A_22, %get3A_25, %dot_general3A_26 {dimension_numbers = #tpu.dot_dimension_numbers<[1], [0], [0], [1], [0, 0, 1, 1], [], []>, transpose_lhs_hint = false} : vector<4096x24xf32>, vector<24x120xf32>, vector<4096x120xf32> -> vector<4096x120xf32>
    %slice3A_28 = vector.extract_strided_slice %dot_general3A_14 {offsets = [0, 0], sizes = [4096, 120], strides = [1, 1]} : vector<4096x368xf32> to vector<4096x120xf32>
    %mul3A = arith.mulf %dot_general3A_27, %slice3A_28 : vector<4096x120xf32>
    %slice3A_29 = vector.extract_strided_slice %dot_general3A_14 {offsets = [0, 120], sizes = [4096, 120], strides = [1, 1]} : vector<4096x368xf32> to vector<4096x120xf32>
    %add3A = arith.addf %mul3A, %slice3A_29 : vector<4096x120xf32>
    %mul3A_30 = arith.mulf %add3A, %add3A : vector<4096x120xf32>
    %get3A_31 = arith.constant 0 : index
    %get3A_32 = arith.constant 0 : index
    %get3A_33 = vector.load %arg8[%get3A_31, %get3A_32] : memref<120x16xf32, #tpu.memory_space<vmem>>, vector<120x16xf32>
    %dot_general3A_34 = arith.constant dense<0.000000e+00> : vector<4096x16xf32>
    %dot_general3A_35 = tpu.matmul %mul3A_30, %get3A_33, %dot_general3A_34 {dimension_numbers = #tpu.dot_dimension_numbers<[1], [0], [0], [1], [0, 0, 1, 1], [], []>, transpose_lhs_hint = false} : vector<4096x120xf32>, vector<120x16xf32>, vector<4096x16xf32> -> vector<4096x16xf32>
    %add3A_36 = arith.constant 9.99999993E-9 : f32
    %add3A_37 = vector.broadcast %add3A_36 : f32 to vector<4096x16xf32>
    %add3A_38 = arith.addf %dot_general3A_35, %add3A_37 : vector<4096x16xf32>
    %sqrt3A = math.sqrt %add3A_38 : vector<4096x16xf32>
    %slice3A_39 = vector.extract_strided_slice %dot_general3A_14 {offsets = [0, 240], sizes = [4096, 128], strides = [1, 1]} : vector<4096x368xf32> to vector<4096x128xf32>
    %add3A_40 = arith.addf %slice3A_39, %concatenate3A_21 : vector<4096x128xf32>
    %convert_element_type3A_41 = arith.truncf %get3A_1 : vector<4096x128xf32> to vector<4096x128xbf16>
    %get3A_42 = arith.constant 0 : index
    %get3A_43 = arith.constant 0 : index
    %get3A_44 = vector.load %arg9[%get3A_42, %get3A_43] : memref<128x128xbf16, #tpu.memory_space<vmem>>, vector<128x128xbf16>
    %dot_general3A_45 = arith.constant dense<0.000000e+00> : vector<4096x128xf32>
    %dot_general3A_46 = tpu.matmul %convert_element_type3A_41, %get3A_44, %dot_general3A_45 {dimension_numbers = #tpu.dot_dimension_numbers<[1], [0], [0], [1], [0, 0, 1, 1], [], []>, transpose_lhs_hint = false} : vector<4096x128xbf16>, vector<128x128xbf16>, vector<4096x128xf32> -> vector<4096x128xf32>
    %add3A_47 = arith.addf %add3A_40, %dot_general3A_46 : vector<4096x128xf32>
    %convert_element_type3A_48 = arith.truncf %add3A : vector<4096x120xf32> to vector<4096x120xbf16>
    %get3A_49 = arith.constant 0 : index
    %get3A_50 = arith.constant 0 : index
    %get3A_51 = vector.load %arg10[%get3A_49, %get3A_50] : memref<120x128xbf16, #tpu.memory_space<vmem>>, vector<120x128xbf16>
    %dot_general3A_52 = arith.constant dense<0.000000e+00> : vector<4096x128xf32>
    %dot_general3A_53 = tpu.matmul %convert_element_type3A_48, %get3A_51, %dot_general3A_52 {dimension_numbers = #tpu.dot_dimension_numbers<[1], [0], [0], [1], [0, 0, 1, 1], [], []>, transpose_lhs_hint = false} : vector<4096x120xbf16>, vector<120x128xbf16>, vector<4096x128xf32> -> vector<4096x128xf32>
    %add3A_54 = arith.addf %add3A_47, %dot_general3A_53 : vector<4096x128xf32>
    %get3A_55 = arith.constant 0 : index
    %get3A_56 = arith.constant 0 : index
    %get3A_57 = vector.load %arg11[%get3A_55, %get3A_56] : memref<16x128xf32, #tpu.memory_space<vmem>>, vector<16x128xf32>
    %dot_general3A_58 = arith.constant dense<0.000000e+00> : vector<4096x128xf32>
    %dot_general3A_59 = tpu.matmul %sqrt3A, %get3A_57, %dot_general3A_58 {dimension_numbers = #tpu.dot_dimension_numbers<[1], [0], [0], [1], [0, 0, 1, 1], [], []>, transpose_lhs_hint = false} : vector<4096x16xf32>, vector<16x128xf32>, vector<4096x128xf32> -> vector<4096x128xf32>
    %add3A_60 = arith.addf %add3A_54, %dot_general3A_59 : vector<4096x128xf32>
    %max3A = arith.constant 0.000000e+00 : f32
    %max3A_61 = vector.broadcast %max3A : f32 to vector<4096x128xf32>
    %max3A_62 = arith.maximumf %add3A_60, %max3A_61 : vector<4096x128xf32>
    %convert_element_type3A_63 = arith.truncf %max3A_62 : vector<4096x128xf32> to vector<4096x128xbf16>
    %get3A_64 = arith.constant 0 : index
    %get3A_65 = arith.constant 0 : index
    %get3A_66 = vector.load %arg12[%get3A_64, %get3A_65] : memref<128x128xbf16, #tpu.memory_space<vmem>>, vector<128x128xbf16>
    %dot_general3A_67 = arith.constant dense<0.000000e+00> : vector<4096x128xf32>
    %dot_general3A_68 = tpu.matmul %convert_element_type3A_63, %get3A_66, %dot_general3A_67 {dimension_numbers = #tpu.dot_dimension_numbers<[1], [0], [0], [1], [0, 0, 1, 1], [], []>, transpose_lhs_hint = false} : vector<4096x128xbf16>, vector<128x128xbf16>, vector<4096x128xf32> -> vector<4096x128xf32>
    %get3A_69 = arith.constant 0 : index
    %get3A_70 = arith.constant 0 : index
    %get3A_71 = vector.load %arg13[%get3A_69, %get3A_70] : memref<1x128xf32, #tpu.memory_space<vmem>>, vector<1x128xf32>
    %add3A_72 = vector.broadcast %get3A_71 : vector<1x128xf32> to vector<4096x128xf32>
    %add3A_73 = arith.addf %dot_general3A_68, %add3A_72 : vector<4096x128xf32>
    %max3A_74 = arith.constant 0.000000e+00 : f32
    %max3A_75 = vector.broadcast %max3A_74 : f32 to vector<4096x128xf32>
    %max3A_76 = arith.maximumf %add3A_73, %max3A_75 : vector<4096x128xf32>
    %convert_element_type3A_77 = arith.truncf %max3A_76 : vector<4096x128xf32> to vector<4096x128xbf16>
    %get3A_78 = arith.constant 0 : index
    %get3A_79 = arith.constant 0 : index
    %get3A_80 = vector.load %arg14[%get3A_78, %get3A_79] : memref<128x128xbf16, #tpu.memory_space<vmem>>, vector<128x128xbf16>
    %dot_general3A_81 = arith.constant dense<0.000000e+00> : vector<4096x128xf32>
    %dot_general3A_82 = tpu.matmul %convert_element_type3A_77, %get3A_80, %dot_general3A_81 {dimension_numbers = #tpu.dot_dimension_numbers<[1], [0], [0], [1], [0, 0, 1, 1], [], []>, transpose_lhs_hint = false} : vector<4096x128xbf16>, vector<128x128xbf16>, vector<4096x128xf32> -> vector<4096x128xf32>
    %get3A_83 = arith.constant 0 : index
    %get3A_84 = arith.constant 0 : index
    %get3A_85 = vector.load %arg15[%get3A_83, %get3A_84] : memref<1x128xf32, #tpu.memory_space<vmem>>, vector<1x128xf32>
    %add3A_86 = vector.broadcast %get3A_85 : vector<1x128xf32> to vector<4096x128xf32>
    %add3A_87 = arith.addf %dot_general3A_82, %add3A_86 : vector<4096x128xf32>
    %reshape3A = vector.shape_cast %add3A_87 : vector<4096x128xf32> to vector<128x32x128xf32>
    %reduce_sum3A = arith.constant dense<0.000000e+00> : vector<128x128xf32>
    %reduce_sum3A_88 = vector.multi_reduction <add>, %reshape3A, %reduce_sum3A [1] : vector<128x32x128xf32> to vector<128x128xf32>
    %div3A = arith.constant 3.200000e+01 : f32
    %div3A_89 = vector.broadcast %div3A : f32 to vector<128x128xf32>
    %div3A_90 = arith.divf %reduce_sum3A_88, %div3A_89 : vector<128x128xf32>
    %get3A_91 = arith.constant 0 : index
    %get3A_92 = arith.constant 0 : index
    %get3A_93 = vector.load %arg5[%get3A_91, %get3A_92] : memref<128x128xf32, #tpu.memory_space<vmem>>, vector<128x128xf32>
    %add3A_94 = arith.addf %get3A_93, %div3A_90 : vector<128x128xf32>
    %get3A_95 = arith.constant 0 : index
    %get3A_96 = arith.constant 0 : index
    %get3A_97 = vector.load %arg16[%get3A_95, %get3A_96] : memref<1x128xf32, #tpu.memory_space<vmem>>, vector<1x128xf32>
    %get3A_98 = arith.constant 0 : index
    %get3A_99 = arith.constant 0 : index
    %get3A_100 = vector.load %arg17[%get3A_98, %get3A_99] : memref<1x128xf32, #tpu.memory_space<vmem>>, vector<1x128xf32>
    %reduce_sum3A_101 = arith.constant dense<0.000000e+00> : vector<128xf32>
    %reduce_sum3A_102 = vector.multi_reduction <add>, %add3A_94, %reduce_sum3A_101 [1] : vector<128x128xf32> to vector<128xf32>
    %broadcast_in_dim3A = vector.shape_cast %reduce_sum3A_102 : vector<128xf32> to vector<128x1xf32>
    %div3A_103 = arith.constant 1.280000e+02 : f32
    %div3A_104 = vector.broadcast %div3A_103 : f32 to vector<128x1xf32>
    %div3A_105 = arith.divf %broadcast_in_dim3A, %div3A_104 : vector<128x1xf32>
    %sub3A = vector.broadcast %div3A_105 : vector<128x1xf32> to vector<128x128xf32>
    %sub3A_106 = arith.subf %add3A_94, %sub3A : vector<128x128xf32>
    %integer_pow3A = arith.mulf %sub3A_106, %sub3A_106 : vector<128x128xf32>
    %reduce_sum3A_107 = arith.constant dense<0.000000e+00> : vector<128xf32>
    %reduce_sum3A_108 = vector.multi_reduction <add>, %integer_pow3A, %reduce_sum3A_107 [1] : vector<128x128xf32> to vector<128xf32>
    %broadcast_in_dim3A_109 = vector.shape_cast %reduce_sum3A_108 : vector<128xf32> to vector<128x1xf32>
    %div3A_110 = arith.constant 1.280000e+02 : f32
    %div3A_111 = vector.broadcast %div3A_110 : f32 to vector<128x1xf32>
    %div3A_112 = arith.divf %broadcast_in_dim3A_109, %div3A_111 : vector<128x1xf32>
    %sub3A_113 = vector.broadcast %div3A_105 : vector<128x1xf32> to vector<128x128xf32>
    %sub3A_114 = arith.subf %add3A_94, %sub3A_113 : vector<128x128xf32>
    %add3A_115 = arith.constant 9.99999974E-6 : f32
    %add3A_116 = vector.broadcast %add3A_115 : f32 to vector<128x1xf32>
    %add3A_117 = arith.addf %div3A_112, %add3A_116 : vector<128x1xf32>
    %sqrt3A_118 = math.sqrt %add3A_117 : vector<128x1xf32>
    %div3A_119 = vector.broadcast %sqrt3A_118 : vector<128x1xf32> to vector<128x128xf32>
    %div3A_120 = arith.divf %sub3A_114, %div3A_119 : vector<128x128xf32>
    %mul3A_121 = vector.broadcast %get3A_97 : vector<1x128xf32> to vector<128x128xf32>
    %mul3A_122 = arith.mulf %div3A_120, %mul3A_121 : vector<128x128xf32>
    %add3A_123 = vector.broadcast %get3A_100 : vector<1x128xf32> to vector<128x128xf32>
    %add3A_124 = arith.addf %mul3A_122, %add3A_123 : vector<128x128xf32>
    %get3A_125 = arith.constant 0 : index
    %get3A_126 = arith.constant 0 : index
    %get3A_127 = vector.load %arg18[%get3A_125, %get3A_126] : memref<128x512xf32, #tpu.memory_space<vmem>>, vector<128x512xf32>
    %dot_general3A_128 = arith.constant dense<0.000000e+00> : vector<128x512xf32>
    %dot_general3A_129 = tpu.matmul %add3A_124, %get3A_127, %dot_general3A_128 {dimension_numbers = #tpu.dot_dimension_numbers<[1], [0], [0], [1], [0, 0, 1, 1], [], []>, transpose_lhs_hint = false} : vector<128x128xf32>, vector<128x512xf32>, vector<128x512xf32> -> vector<128x512xf32>
    %get3A_130 = arith.constant 0 : index
    %get3A_131 = arith.constant 0 : index
    %get3A_132 = vector.load %arg19[%get3A_130, %get3A_131] : memref<1x512xf32, #tpu.memory_space<vmem>>, vector<1x512xf32>
    %add3A_133 = vector.broadcast %get3A_132 : vector<1x512xf32> to vector<128x512xf32>
    %add3A_134 = arith.addf %dot_general3A_129, %add3A_133 : vector<128x512xf32>
    %max3A_135 = arith.constant 0.000000e+00 : f32
    %max3A_136 = vector.broadcast %max3A_135 : f32 to vector<128x512xf32>
    %max3A_137 = arith.maximumf %add3A_134, %max3A_136 : vector<128x512xf32>
    %get3A_138 = arith.constant 0 : index
    %get3A_139 = arith.constant 0 : index
    %get3A_140 = vector.load %arg20[%get3A_138, %get3A_139] : memref<512x128xf32, #tpu.memory_space<vmem>>, vector<512x128xf32>
    %dot_general3A_141 = arith.constant dense<0.000000e+00> : vector<128x128xf32>
    %dot_general3A_142 = tpu.matmul %max3A_137, %get3A_140, %dot_general3A_141 {dimension_numbers = #tpu.dot_dimension_numbers<[1], [0], [0], [1], [0, 0, 1, 1], [], []>, transpose_lhs_hint = false} : vector<128x512xf32>, vector<512x128xf32>, vector<128x128xf32> -> vector<128x128xf32>
    %get3A_143 = arith.constant 0 : index
    %get3A_144 = arith.constant 0 : index
    %get3A_145 = vector.load %arg21[%get3A_143, %get3A_144] : memref<1x128xf32, #tpu.memory_space<vmem>>, vector<1x128xf32>
    %add3A_146 = vector.broadcast %get3A_145 : vector<1x128xf32> to vector<128x128xf32>
    %add3A_147 = arith.addf %dot_general3A_142, %add3A_146 : vector<128x128xf32>
    %add3A_148 = arith.addf %add3A_124, %add3A_147 : vector<128x128xf32>
    %get3A_149 = arith.constant 0 : index
    %get3A_150 = arith.constant 0 : index
    %get3A_151 = vector.load %arg22[%get3A_149, %get3A_150] : memref<1x128xf32, #tpu.memory_space<vmem>>, vector<1x128xf32>
    %get3A_152 = arith.constant 0 : index
    %get3A_153 = arith.constant 0 : index
    %get3A_154 = vector.load %arg23[%get3A_152, %get3A_153] : memref<1x128xf32, #tpu.memory_space<vmem>>, vector<1x128xf32>
    %reduce_sum3A_155 = arith.constant dense<0.000000e+00> : vector<128xf32>
    %reduce_sum3A_156 = vector.multi_reduction <add>, %add3A_148, %reduce_sum3A_155 [1] : vector<128x128xf32> to vector<128xf32>
    %broadcast_in_dim3A_157 = vector.shape_cast %reduce_sum3A_156 : vector<128xf32> to vector<128x1xf32>
    %div3A_158 = arith.constant 1.280000e+02 : f32
    %div3A_159 = vector.broadcast %div3A_158 : f32 to vector<128x1xf32>
    %div3A_160 = arith.divf %broadcast_in_dim3A_157, %div3A_159 : vector<128x1xf32>
    %sub3A_161 = vector.broadcast %div3A_160 : vector<128x1xf32> to vector<128x128xf32>
    %sub3A_162 = arith.subf %add3A_148, %sub3A_161 : vector<128x128xf32>
    %integer_pow3A_163 = arith.mulf %sub3A_162, %sub3A_162 : vector<128x128xf32>
    %reduce_sum3A_164 = arith.constant dense<0.000000e+00> : vector<128xf32>
    %reduce_sum3A_165 = vector.multi_reduction <add>, %integer_pow3A_163, %reduce_sum3A_164 [1] : vector<128x128xf32> to vector<128xf32>
    %broadcast_in_dim3A_166 = vector.shape_cast %reduce_sum3A_165 : vector<128xf32> to vector<128x1xf32>
    %div3A_167 = arith.constant 1.280000e+02 : f32
    %div3A_168 = vector.broadcast %div3A_167 : f32 to vector<128x1xf32>
    %div3A_169 = arith.divf %broadcast_in_dim3A_166, %div3A_168 : vector<128x1xf32>
    %sub3A_170 = vector.broadcast %div3A_160 : vector<128x1xf32> to vector<128x128xf32>
    %sub3A_171 = arith.subf %add3A_148, %sub3A_170 : vector<128x128xf32>
    %add3A_172 = arith.constant 9.99999974E-6 : f32
    %add3A_173 = vector.broadcast %add3A_172 : f32 to vector<128x1xf32>
    %add3A_174 = arith.addf %div3A_169, %add3A_173 : vector<128x1xf32>
    %sqrt3A_175 = math.sqrt %add3A_174 : vector<128x1xf32>
    %div3A_176 = vector.broadcast %sqrt3A_175 : vector<128x1xf32> to vector<128x128xf32>
    %div3A_177 = arith.divf %sub3A_171, %div3A_176 : vector<128x128xf32>
    %mul3A_178 = vector.broadcast %get3A_151 : vector<1x128xf32> to vector<128x128xf32>
    %mul3A_179 = arith.mulf %div3A_177, %mul3A_178 : vector<128x128xf32>
    %add3A_180 = vector.broadcast %get3A_154 : vector<1x128xf32> to vector<128x128xf32>
    %add3A_181 = arith.addf %mul3A_179, %add3A_180 : vector<128x128xf32>
    %swap3A = arith.constant 0 : index
    %swap3A_182 = arith.constant 0 : index
    %swap3A_183 = vector.load %arg24[%swap3A, %swap3A_182] : memref<128x128xf32, #tpu.memory_space<vmem>>, vector<128x128xf32>
    tpu.vector_store %arg24[%swap3A, %swap3A_182], %add3A_181 {strides = array<i32>} : memref<128x128xf32, #tpu.memory_space<vmem>>, vector<128x128xf32>,
    return
  }
  func.func @transform_0(%arg0: i32) -> (i32, i32) {
    %add3A = arith.constant 0 : i32
    %add3A_0 = arith.addi %arg0, %add3A : i32
    %c0_i32 = arith.constant 0 : i32
    %c0_i32_1 = arith.constant 0 : i32
    return %add3A_0, %c0_i32 : i32, i32
  }
  func.func @transform_1(%arg0: i32) -> (i32, i32) {
    %c0_i32 = arith.constant 0 : i32
    %c0_i32_0 = arith.constant 0 : i32
    return %arg0, %c0_i32 : i32, i32
  }
  func.func @transform_2(%arg0: i32) -> (i32, i32) {
    %add3A = arith.constant 0 : i32
    %add3A_0 = arith.addi %arg0, %add3A : i32
    %c0_i32 = arith.constant 0 : i32
    %c0_i32_1 = arith.constant 0 : i32
    return %add3A_0, %c0_i32 : i32, i32
  }
  func.func @transform_3(%arg0: i32) -> (i32, i32) {
    %add3A = arith.constant 0 : i32
    %add3A_0 = arith.addi %arg0, %add3A : i32
    %c0_i32 = arith.constant 0 : i32
    %c0_i32_1 = arith.constant 0 : i32
    return %add3A_0, %c0_i32 : i32, i32
  }
  func.func @transform_4(%arg0: i32) -> (i32, i32) {
    %add3A = arith.constant 0 : i32
    %add3A_0 = arith.addi %arg0, %add3A : i32
    %c0_i32 = arith.constant 0 : i32
    %c0_i32_1 = arith.constant 0 : i32
    return %add3A_0, %c0_i32 : i32, i32
  }
  func.func @transform_5(%arg0: i32) -> (i32, i32) {
    %c0_i32 = arith.constant 0 : i32
    %c0_i32_0 = arith.constant 0 : i32
    %c0_i32_1 = arith.constant 0 : i32
    return %c0_i32, %c0_i32_0 : i32, i32
  }
  func.func @transform_6(%arg0: i32) -> (i32, i32) {
    %c0_i32 = arith.constant 0 : i32
    %c0_i32_0 = arith.constant 0 : i32
    %c0_i32_1 = arith.constant 0 : i32
    return %c0_i32, %c0_i32_0 : i32, i32
  }
  func.func @transform_7(%arg0: i32) -> (i32, i32) {
    %c0_i32 = arith.constant 0 : i32
    %c0_i32_0 = arith.constant 0 : i32
    %c0_i32_1 = arith.constant 0 : i32
    return %c0_i32, %c0_i32_0 : i32, i32
  }
  func.func @transform_8(%arg0: i32) -> (i32, i32) {
    %c0_i32 = arith.constant 0 : i32
    %c0_i32_0 = arith.constant 0 : i32
    %c0_i32_1 = arith.constant 0 : i32
    return %c0_i32, %c0_i32_0 : i32, i32
  }
  func.func @transform_9(%arg0: i32) -> (i32, i32) {
    %c0_i32 = arith.constant 0 : i32
    %c0_i32_0 = arith.constant 0 : i32
    %c0_i32_1 = arith.constant 0 : i32
    return %c0_i32, %c0_i32_0 : i32, i32
  }
  func.func @transform_10(%arg0: i32) -> (i32, i32) {
    %c0_i32 = arith.constant 0 : i32
    %c0_i32_0 = arith.constant 0 : i32
    %c0_i32_1 = arith.constant 0 : i32
    return %c0_i32, %c0_i32_0 : i32, i32
  }
  func.func @transform_11(%arg0: i32) -> (i32, i32) {
    %c0_i32 = arith.constant 0 : i32
    %c0_i32_0 = arith.constant 0 : i32
    %c0_i32_1 = arith.constant 0 : i32
    return %c0_i32, %c0_i32_0 : i32, i32
  }
  func.func @transform_12(%arg0: i32) -> (i32, i32) {
    %c0_i32 = arith.constant 0 : i32
    %c0_i32_0 = arith.constant 0 : i32
    %c0_i32_1 = arith.constant 0 : i32
    return %c0_i32, %c0_i32_0 : i32, i32
  }
  func.func @transform_13(%arg0: i32) -> (i32, i32) {
    %c0_i32 = arith.constant 0 : i32
    %c0_i32_0 = arith.constant 0 : i32
    %c0_i32_1 = arith.constant 0 : i32
    return %c0_i32, %c0_i32_0 : i32, i32
  }
  func.func @transform_14(%arg0: i32) -> (i32, i32) {
    %c0_i32 = arith.constant 0 : i32
    %c0_i32_0 = arith.constant 0 : i32
    %c0_i32_1 = arith.constant 0 : i32
    return %c0_i32, %c0_i32_0 : i32, i32
  }
  func.func @transform_15(%arg0: i32) -> (i32, i32) {
    %c0_i32 = arith.constant 0 : i32
    %c0_i32_0 = arith.constant 0 : i32
    %c0_i32_1 = arith.constant 0 : i32
    return %c0_i32, %c0_i32_0 : i32, i32
  }
  func.func @transform_16(%arg0: i32) -> (i32, i32) {
    %c0_i32 = arith.constant 0 : i32
    %c0_i32_0 = arith.constant 0 : i32
    %c0_i32_1 = arith.constant 0 : i32
    return %c0_i32, %c0_i32_0 : i32, i32
  }
  func.func @transform_17(%arg0: i32) -> (i32, i32) {
    %c0_i32 = arith.constant 0 : i32
    %c0_i32_0 = arith.constant 0 : i32
    %c0_i32_1 = arith.constant 0 : i32
    return %c0_i32, %c0_i32_0 : i32, i32
  }
  func.func @transform_18(%arg0: i32) -> (i32, i32) {
    %c0_i32 = arith.constant 0 : i32
    %c0_i32_0 = arith.constant 0 : i32
    %c0_i32_1 = arith.constant 0 : i32
    return %c0_i32, %c0_i32_0 : i32, i32
  }
  func.func @transform_19(%arg0: i32) -> (i32, i32) {
    %c0_i32 = arith.constant 0 : i32
    %c0_i32_0 = arith.constant 0 : i32
    %c0_i32_1 = arith.constant 0 : i32
    return %c0_i32, %c0_i32_0 : i32, i32
  }
  func.func @transform_20(%arg0: i32) -> (i32, i32) {
    %c0_i32 = arith.constant 0 : i32
    %c0_i32_0 = arith.constant 0 : i32
    %c0_i32_1 = arith.constant 0 : i32
    return %c0_i32, %c0_i32_0 : i32, i32
  }
  func.func @transform_21(%arg0: i32) -> (i32, i32) {
    %c0_i32 = arith.constant 0 : i32
    %c0_i32_0 = arith.constant 0 : i32
    %c0_i32_1 = arith.constant 0 : i32
    return %c0_i32, %c0_i32_0 : i32, i32
  }
  func.func @transform_22(%arg0: i32) -> (i32, i32) {
    %c0_i32 = arith.constant 0 : i32
    %c0_i32_0 = arith.constant 0 : i32
    %c0_i32_1 = arith.constant 0 : i32
    return %c0_i32, %c0_i32_0 : i32, i32
  }
  func.func @transform_23(%arg0: i32) -> (i32, i32) {
    %c0_i32 = arith.constant 0 : i32
    %c0_i32_0 = arith.constant 0 : i32
    return %arg0, %c0_i32 : i32, i32
  }
}

module attributes {stable_mosaic.version = 14 : i64} {
  func.func @_pass2_body(%arg0: i32, %arg1: memref<4096x128xf32, #tpu.memory_space<vmem>>, %arg2: memref<4096x128xf32, #tpu.memory_space<vmem>>, %arg3: memref<128x240xf32, #tpu.memory_space<vmem>>, %arg4: memref<128x128xf32, #tpu.memory_space<vmem>>, %arg5: memref<128x128xf32, #tpu.memory_space<vmem>>, %arg6: memref<4096x128xbf16, #tpu.memory_space<vmem>>, %arg7: memref<24x120xf32, #tpu.memory_space<vmem>>, %arg8: memref<120x16xf32, #tpu.memory_space<vmem>>, %arg9: memref<128x128xbf16, #tpu.memory_space<vmem>>, %arg10: memref<120x128xbf16, #tpu.memory_space<vmem>>, %arg11: memref<16x128xf32, #tpu.memory_space<vmem>>, %arg12: memref<128x128xbf16, #tpu.memory_space<vmem>>, %arg13: memref<1x128xf32, #tpu.memory_space<vmem>>, %arg14: memref<128x128xbf16, #tpu.memory_space<vmem>>, %arg15: memref<1x128xf32, #tpu.memory_space<vmem>>, %arg16: memref<1x128xf32, #tpu.memory_space<vmem>>, %arg17: memref<1x128xf32, #tpu.memory_space<vmem>>, %arg18: memref<128x512xf32, #tpu.memory_space<vmem>>, %arg19: memref<1x512xf32, #tpu.memory_space<vmem>>, %arg20: memref<512x128xf32, #tpu.memory_space<vmem>>, %arg21: memref<1x128xf32, #tpu.memory_space<vmem>>, %arg22: memref<1x128xf32, #tpu.memory_space<vmem>>, %arg23: memref<1x128xf32, #tpu.memory_space<vmem>>, %arg24: memref<128x128xf32, #tpu.memory_space<vmem>>) attributes {dimension_semantics = [#tpu.dimension_semantics<arbitrary>], iteration_bounds = array<i64: 8>, scalar_prefetch = 0 : i64, scratch_operands = 0 : i64, tpu.core_type = #tpu.core_type<tc>, window_params = [{transform_indices = @transform_0, window_bounds = array<i64: 4096, 128>}, {transform_indices = @transform_1, window_bounds = array<i64: 4096, 128>}, {transform_indices = @transform_2, window_bounds = array<i64: 128, 240>}, {transform_indices = @transform_3, window_bounds = array<i64: 128, 128>}, {transform_indices = @transform_4, window_bounds = array<i64: 128, 128>}, {pipeline_mode = #tpu.pipeline_mode<synchronous>, transform_indices = @transform_5, window_bounds = array<i64: 4096, 128>}, {pipeline_mode = #tpu.pipeline_mode<synchronous>, transform_indices = @transform_6, window_bounds = array<i64: 24, 120>}, {pipeline_mode = #tpu.pipeline_mode<synchronous>, transform_indices = @transform_7, window_bounds = array<i64: 120, 16>}, {pipeline_mode = #tpu.pipeline_mode<synchronous>, transform_indices = @transform_8, window_bounds = array<i64: 128, 128>}, {pipeline_mode = #tpu.pipeline_mode<synchronous>, transform_indices = @transform_9, window_bounds = array<i64: 120, 128>}, {pipeline_mode = #tpu.pipeline_mode<synchronous>, transform_indices = @transform_10, window_bounds = array<i64: 16, 128>}, {pipeline_mode = #tpu.pipeline_mode<synchronous>, transform_indices = @transform_11, window_bounds = array<i64: 128, 128>}, {pipeline_mode = #tpu.pipeline_mode<synchronous>, transform_indices = @transform_12, window_bounds = array<i64: 1, 128>}, {pipeline_mode = #tpu.pipeline_mode<synchronous>, transform_indices = @transform_13, window_bounds = array<i64: 128, 128>}, {pipeline_mode = #tpu.pipeline_mode<synchronous>, transform_indices = @transform_14, window_bounds = array<i64: 1, 128>}, {pipeline_mode = #tpu.pipeline_mode<synchronous>, transform_indices = @transform_15, window_bounds = array<i64: 1, 128>}, {pipeline_mode = #tpu.pipeline_mode<synchronous>, transform_indices = @transform_16, window_bounds = array<i64: 1, 128>}, {pipeline_mode = #tpu.pipeline_mode<synchronous>, transform_indices = @transform_17, window_bounds = array<i64: 128, 512>}, {pipeline_mode = #tpu.pipeline_mode<synchronous>, transform_indices = @transform_18, window_bounds = array<i64: 1, 512>}, {pipeline_mode = #tpu.pipeline_mode<synchronous>, transform_indices = @transform_19, window_bounds = array<i64: 512, 128>}, {pipeline_mode = #tpu.pipeline_mode<synchronous>, transform_indices = @transform_20, window_bounds = array<i64: 1, 128>}, {pipeline_mode = #tpu.pipeline_mode<synchronous>, transform_indices = @transform_21, window_bounds = array<i64: 1, 128>}, {pipeline_mode = #tpu.pipeline_mode<synchronous>, transform_indices = @transform_22, window_bounds = array<i64: 1, 128>}, {transform_indices = @transform_23, window_bounds = array<i64: 128, 128>}]} {
    %get3A = arith.constant 0 : index
    %get3A_0 = arith.constant 0 : index
    %get3A_1 = vector.load %arg1[%get3A, %get3A_0] : memref<4096x128xf32, #tpu.memory_space<vmem>>, vector<4096x128xf32>
    %get3A_2 = arith.constant 0 : index
    %get3A_3 = arith.constant 0 : index
    %get3A_4 = vector.load %arg2[%get3A_2, %get3A_3] : memref<4096x128xf32, #tpu.memory_space<vmem>>, vector<4096x128xf32>
    %get3A_5 = arith.constant 0 : index
    %get3A_6 = arith.constant 0 : index
    %get3A_7 = vector.load %arg3[%get3A_5, %get3A_6] : memref<128x240xf32, #tpu.memory_space<vmem>>, vector<128x240xf32>
    %get3A_8 = arith.constant 0 : index
    %get3A_9 = arith.constant 0 : index
    %get3A_10 = vector.load %arg4[%get3A_8, %get3A_9] : memref<128x128xf32, #tpu.memory_space<vmem>>, vector<128x128xf32>
    %concatenate3A = tpu.concatenate %get3A_7, %get3A_10 in 1 : vector<128x240xf32>, vector<128x128xf32> -> vector<128x368xf32>
    %get3A_11 = arith.constant 0 : index
    %get3A_12 = arith.constant 0 : index
    %get3A_13 = vector.load %arg6[%get3A_11, %get3A_12] : memref<4096x128xbf16, #tpu.memory_space<vmem>>, vector<4096x128xbf16>
    %convert_element_type3A = arith.truncf %concatenate3A : vector<128x368xf32> to vector<128x368xbf16>
    %dot_general3A = arith.constant dense<0.000000e+00> : vector<4096x368xf32>
    %dot_general3A_14 = tpu.matmul %get3A_13, %convert_element_type3A, %dot_general3A {dimension_numbers = #tpu.dot_dimension_numbers<[1], [0], [0], [1], [0, 0, 1, 1], [], []>, transpose_lhs_hint = false} : vector<4096x128xbf16>, vector<128x368xbf16>, vector<4096x368xf32> -> vector<4096x368xf32>
    %slice3A = vector.extract_strided_slice %get3A_4 {offsets = [0, 0], sizes = [4096, 64], strides = [1, 1]} : vector<4096x128xf32> to vector<4096x64xf32>
    %bitcast_convert_type3A = tpu.bitcast %slice3A : vector<4096x64xf32> -> vector<4096x64xi32>
    %and3A = arith.constant -65536 : i32
    %and3A_15 = vector.broadcast %and3A : i32 to vector<4096x64xi32>
    %and3A_16 = arith.andi %bitcast_convert_type3A, %and3A_15 : vector<4096x64xi32>
    %bitcast_convert_type3A_17 = tpu.bitcast %and3A_16 : vector<4096x64xi32> -> vector<4096x64xf32>
    %shift_left3A = arith.constant 16 : i32
    %shift_left3A_18 = vector.broadcast %shift_left3A : i32 to vector<4096x64xi32>
    %shift_left3A_19 = arith.shli %bitcast_convert_type3A, %shift_left3A_18 : vector<4096x64xi32>
    %bitcast_convert_type3A_20 = tpu.bitcast %shift_left3A_19 : vector<4096x64xi32> -> vector<4096x64xf32>
    %concatenate3A_21 = tpu.concatenate %bitcast_convert_type3A_17, %bitcast_convert_type3A_20 in 1 : vector<4096x64xf32>, vector<4096x64xf32> -> vector<4096x128xf32>
    %slice3A_22 = vector.extract_strided_slice %get3A_4 {offsets = [0, 64], sizes = [4096, 24], strides = [1, 1]} : vector<4096x128xf32> to vector<4096x24xf32>
    %get3A_23 = arith.constant 0 : index
    %get3A_24 = arith.constant 0 : index
    %get3A_25 = vector.load %arg7[%get3A_23, %get3A_24] : memref<24x120xf32, #tpu.memory_space<vmem>>, vector<24x120xf32>
    %dot_general3A_26 = arith.constant dense<0.000000e+00> : vector<4096x120xf32>
    %dot_general3A_27 = tpu.matmul %slice3A_22, %get3A_25, %dot_general3A_26 {dimension_numbers = #tpu.dot_dimension_numbers<[1], [0], [0], [1], [0, 0, 1, 1], [], []>, transpose_lhs_hint = false} : vector<4096x24xf32>, vector<24x120xf32>, vector<4096x120xf32> -> vector<4096x120xf32>
    %slice3A_28 = vector.extract_strided_slice %dot_general3A_14 {offsets = [0, 0], sizes = [4096, 120], strides = [1, 1]} : vector<4096x368xf32> to vector<4096x120xf32>
    %mul3A = arith.mulf %dot_general3A_27, %slice3A_28 : vector<4096x120xf32>
    %slice3A_29 = vector.extract_strided_slice %dot_general3A_14 {offsets = [0, 120], sizes = [4096, 120], strides = [1, 1]} : vector<4096x368xf32> to vector<4096x120xf32>
    %add3A = arith.addf %mul3A, %slice3A_29 : vector<4096x120xf32>
    %mul3A_30 = arith.mulf %add3A, %add3A : vector<4096x120xf32>
    %get3A_31 = arith.constant 0 : index
    %get3A_32 = arith.constant 0 : index
    %get3A_33 = vector.load %arg8[%get3A_31, %get3A_32] : memref<120x16xf32, #tpu.memory_space<vmem>>, vector<120x16xf32>
    %dot_general3A_34 = arith.constant dense<0.000000e+00> : vector<4096x16xf32>
    %dot_general3A_35 = tpu.matmul %mul3A_30, %get3A_33, %dot_general3A_34 {dimension_numbers = #tpu.dot_dimension_numbers<[1], [0], [0], [1], [0, 0, 1, 1], [], []>, transpose_lhs_hint = false} : vector<4096x120xf32>, vector<120x16xf32>, vector<4096x16xf32> -> vector<4096x16xf32>
    %add3A_36 = arith.constant 9.99999993E-9 : f32
    %add3A_37 = vector.broadcast %add3A_36 : f32 to vector<4096x16xf32>
    %add3A_38 = arith.addf %dot_general3A_35, %add3A_37 : vector<4096x16xf32>
    %sqrt3A = math.sqrt %add3A_38 : vector<4096x16xf32>
    %slice3A_39 = vector.extract_strided_slice %dot_general3A_14 {offsets = [0, 240], sizes = [4096, 128], strides = [1, 1]} : vector<4096x368xf32> to vector<4096x128xf32>
    %add3A_40 = arith.addf %slice3A_39, %concatenate3A_21 : vector<4096x128xf32>
    %convert_element_type3A_41 = arith.truncf %get3A_1 : vector<4096x128xf32> to vector<4096x128xbf16>
    %get3A_42 = arith.constant 0 : index
    %get3A_43 = arith.constant 0 : index
    %get3A_44 = vector.load %arg9[%get3A_42, %get3A_43] : memref<128x128xbf16, #tpu.memory_space<vmem>>, vector<128x128xbf16>
    %dot_general3A_45 = arith.constant dense<0.000000e+00> : vector<4096x128xf32>
    %dot_general3A_46 = tpu.matmul %convert_element_type3A_41, %get3A_44, %dot_general3A_45 {dimension_numbers = #tpu.dot_dimension_numbers<[1], [0], [0], [1], [0, 0, 1, 1], [], []>, transpose_lhs_hint = false} : vector<4096x128xbf16>, vector<128x128xbf16>, vector<4096x128xf32> -> vector<4096x128xf32>
    %add3A_47 = arith.addf %add3A_40, %dot_general3A_46 : vector<4096x128xf32>
    %convert_element_type3A_48 = arith.truncf %add3A : vector<4096x120xf32> to vector<4096x120xbf16>
    %get3A_49 = arith.constant 0 : index
    %get3A_50 = arith.constant 0 : index
    %get3A_51 = vector.load %arg10[%get3A_49, %get3A_50] : memref<120x128xbf16, #tpu.memory_space<vmem>>, vector<120x128xbf16>
    %dot_general3A_52 = arith.constant dense<0.000000e+00> : vector<4096x128xf32>
    %dot_general3A_53 = tpu.matmul %convert_element_type3A_48, %get3A_51, %dot_general3A_52 {dimension_numbers = #tpu.dot_dimension_numbers<[1], [0], [0], [1], [0, 0, 1, 1], [], []>, transpose_lhs_hint = false} : vector<4096x120xbf16>, vector<120x128xbf16>, vector<4096x128xf32> -> vector<4096x128xf32>
    %add3A_54 = arith.addf %add3A_47, %dot_general3A_53 : vector<4096x128xf32>
    %get3A_55 = arith.constant 0 : index
    %get3A_56 = arith.constant 0 : index
    %get3A_57 = vector.load %arg11[%get3A_55, %get3A_56] : memref<16x128xf32, #tpu.memory_space<vmem>>, vector<16x128xf32>
    %dot_general3A_58 = arith.constant dense<0.000000e+00> : vector<4096x128xf32>
    %dot_general3A_59 = tpu.matmul %sqrt3A, %get3A_57, %dot_general3A_58 {dimension_numbers = #tpu.dot_dimension_numbers<[1], [0], [0], [1], [0, 0, 1, 1], [], []>, transpose_lhs_hint = false} : vector<4096x16xf32>, vector<16x128xf32>, vector<4096x128xf32> -> vector<4096x128xf32>
    %add3A_60 = arith.addf %add3A_54, %dot_general3A_59 : vector<4096x128xf32>
    %max3A = arith.constant 0.000000e+00 : f32
    %max3A_61 = vector.broadcast %max3A : f32 to vector<4096x128xf32>
    %max3A_62 = arith.maximumf %add3A_60, %max3A_61 : vector<4096x128xf32>
    %convert_element_type3A_63 = arith.truncf %max3A_62 : vector<4096x128xf32> to vector<4096x128xbf16>
    %get3A_64 = arith.constant 0 : index
    %get3A_65 = arith.constant 0 : index
    %get3A_66 = vector.load %arg12[%get3A_64, %get3A_65] : memref<128x128xbf16, #tpu.memory_space<vmem>>, vector<128x128xbf16>
    %dot_general3A_67 = arith.constant dense<0.000000e+00> : vector<4096x128xf32>
    %dot_general3A_68 = tpu.matmul %convert_element_type3A_63, %get3A_66, %dot_general3A_67 {dimension_numbers = #tpu.dot_dimension_numbers<[1], [0], [0], [1], [0, 0, 1, 1], [], []>, transpose_lhs_hint = false} : vector<4096x128xbf16>, vector<128x128xbf16>, vector<4096x128xf32> -> vector<4096x128xf32>
    %get3A_69 = arith.constant 0 : index
    %get3A_70 = arith.constant 0 : index
    %get3A_71 = vector.load %arg13[%get3A_69, %get3A_70] : memref<1x128xf32, #tpu.memory_space<vmem>>, vector<1x128xf32>
    %add3A_72 = vector.broadcast %get3A_71 : vector<1x128xf32> to vector<4096x128xf32>
    %add3A_73 = arith.addf %dot_general3A_68, %add3A_72 : vector<4096x128xf32>
    %max3A_74 = arith.constant 0.000000e+00 : f32
    %max3A_75 = vector.broadcast %max3A_74 : f32 to vector<4096x128xf32>
    %max3A_76 = arith.maximumf %add3A_73, %max3A_75 : vector<4096x128xf32>
    %convert_element_type3A_77 = arith.truncf %max3A_76 : vector<4096x128xf32> to vector<4096x128xbf16>
    %get3A_78 = arith.constant 0 : index
    %get3A_79 = arith.constant 0 : index
    %get3A_80 = vector.load %arg14[%get3A_78, %get3A_79] : memref<128x128xbf16, #tpu.memory_space<vmem>>, vector<128x128xbf16>
    %dot_general3A_81 = arith.constant dense<0.000000e+00> : vector<4096x128xf32>
    %dot_general3A_82 = tpu.matmul %convert_element_type3A_77, %get3A_80, %dot_general3A_81 {dimension_numbers = #tpu.dot_dimension_numbers<[1], [0], [0], [1], [0, 0, 1, 1], [], []>, transpose_lhs_hint = false} : vector<4096x128xbf16>, vector<128x128xbf16>, vector<4096x128xf32> -> vector<4096x128xf32>
    %get3A_83 = arith.constant 0 : index
    %get3A_84 = arith.constant 0 : index
    %get3A_85 = vector.load %arg15[%get3A_83, %get3A_84] : memref<1x128xf32, #tpu.memory_space<vmem>>, vector<1x128xf32>
    %add3A_86 = vector.broadcast %get3A_85 : vector<1x128xf32> to vector<4096x128xf32>
    %add3A_87 = arith.addf %dot_general3A_82, %add3A_86 : vector<4096x128xf32>
    %reshape3A = vector.shape_cast %add3A_87 : vector<4096x128xf32> to vector<128x32x128xf32>
    %reduce_sum3A = arith.constant dense<0.000000e+00> : vector<128x128xf32>
    %reduce_sum3A_88 = vector.multi_reduction <add>, %reshape3A, %reduce_sum3A [1] : vector<128x32x128xf32> to vector<128x128xf32>
    %div3A = arith.constant 3.200000e+01 : f32
    %div3A_89 = vector.broadcast %div3A : f32 to vector<128x128xf32>
    %div3A_90 = arith.divf %reduce_sum3A_88, %div3A_89 : vector<128x128xf32>
    %get3A_91 = arith.constant 0 : index
    %get3A_92 = arith.constant 0 : index
    %get3A_93 = vector.load %arg5[%get3A_91, %get3A_92] : memref<128x128xf32, #tpu.memory_space<vmem>>, vector<128x128xf32>
    %add3A_94 = arith.addf %get3A_93, %div3A_90 : vector<128x128xf32>
    %get3A_95 = arith.constant 0 : index
    %get3A_96 = arith.constant 0 : index
    %get3A_97 = vector.load %arg16[%get3A_95, %get3A_96] : memref<1x128xf32, #tpu.memory_space<vmem>>, vector<1x128xf32>
    %get3A_98 = arith.constant 0 : index
    %get3A_99 = arith.constant 0 : index
    %get3A_100 = vector.load %arg17[%get3A_98, %get3A_99] : memref<1x128xf32, #tpu.memory_space<vmem>>, vector<1x128xf32>
    %reduce_sum3A_101 = arith.constant dense<0.000000e+00> : vector<128xf32>
    %reduce_sum3A_102 = vector.multi_reduction <add>, %add3A_94, %reduce_sum3A_101 [1] : vector<128x128xf32> to vector<128xf32>
    %broadcast_in_dim3A = vector.shape_cast %reduce_sum3A_102 : vector<128xf32> to vector<128x1xf32>
    %div3A_103 = arith.constant 1.280000e+02 : f32
    %div3A_104 = vector.broadcast %div3A_103 : f32 to vector<128x1xf32>
    %div3A_105 = arith.divf %broadcast_in_dim3A, %div3A_104 : vector<128x1xf32>
    %sub3A = vector.broadcast %div3A_105 : vector<128x1xf32> to vector<128x128xf32>
    %sub3A_106 = arith.subf %add3A_94, %sub3A : vector<128x128xf32>
    %integer_pow3A = arith.mulf %sub3A_106, %sub3A_106 : vector<128x128xf32>
    %reduce_sum3A_107 = arith.constant dense<0.000000e+00> : vector<128xf32>
    %reduce_sum3A_108 = vector.multi_reduction <add>, %integer_pow3A, %reduce_sum3A_107 [1] : vector<128x128xf32> to vector<128xf32>
    %broadcast_in_dim3A_109 = vector.shape_cast %reduce_sum3A_108 : vector<128xf32> to vector<128x1xf32>
    %div3A_110 = arith.constant 1.280000e+02 : f32
    %div3A_111 = vector.broadcast %div3A_110 : f32 to vector<128x1xf32>
    %div3A_112 = arith.divf %broadcast_in_dim3A_109, %div3A_111 : vector<128x1xf32>
    %sub3A_113 = vector.broadcast %div3A_105 : vector<128x1xf32> to vector<128x128xf32>
    %sub3A_114 = arith.subf %add3A_94, %sub3A_113 : vector<128x128xf32>
    %add3A_115 = arith.constant 9.99999974E-6 : f32
    %add3A_116 = vector.broadcast %add3A_115 : f32 to vector<128x1xf32>
    %add3A_117 = arith.addf %div3A_112, %add3A_116 : vector<128x1xf32>
    %sqrt3A_118 = math.sqrt %add3A_117 : vector<128x1xf32>
    %div3A_119 = vector.broadcast %sqrt3A_118 : vector<128x1xf32> to vector<128x128xf32>
    %div3A_120 = arith.divf %sub3A_114, %div3A_119 : vector<128x128xf32>
    %mul3A_121 = vector.broadcast %get3A_97 : vector<1x128xf32> to vector<128x128xf32>
    %mul3A_122 = arith.mulf %div3A_120, %mul3A_121 : vector<128x128xf32>
    %add3A_123 = vector.broadcast %get3A_100 : vector<1x128xf32> to vector<128x128xf32>
    %add3A_124 = arith.addf %mul3A_122, %add3A_123 : vector<128x128xf32>
    %get3A_125 = arith.constant 0 : index
    %get3A_126 = arith.constant 0 : index
    %get3A_127 = vector.load %arg18[%get3A_125, %get3A_126] : memref<128x512xf32, #tpu.memory_space<vmem>>, vector<128x512xf32>
    %dot_general3A_128 = arith.constant dense<0.000000e+00> : vector<128x512xf32>
    %dot_general3A_129 = tpu.matmul %add3A_124, %get3A_127, %dot_general3A_128 {dimension_numbers = #tpu.dot_dimension_numbers<[1], [0], [0], [1], [0, 0, 1, 1], [], []>, transpose_lhs_hint = false} : vector<128x128xf32>, vector<128x512xf32>, vector<128x512xf32> -> vector<128x512xf32>
    %get3A_130 = arith.constant 0 : index
    %get3A_131 = arith.constant 0 : index
    %get3A_132 = vector.load %arg19[%get3A_130, %get3A_131] : memref<1x512xf32, #tpu.memory_space<vmem>>, vector<1x512xf32>
    %add3A_133 = vector.broadcast %get3A_132 : vector<1x512xf32> to vector<128x512xf32>
    %add3A_134 = arith.addf %dot_general3A_129, %add3A_133 : vector<128x512xf32>
    %max3A_135 = arith.constant 0.000000e+00 : f32
    %max3A_136 = vector.broadcast %max3A_135 : f32 to vector<128x512xf32>
    %max3A_137 = arith.maximumf %add3A_134, %max3A_136 : vector<128x512xf32>
    %get3A_138 = arith.constant 0 : index
    %get3A_139 = arith.constant 0 : index
    %get3A_140 = vector.load %arg20[%get3A_138, %get3A_139] : memref<512x128xf32, #tpu.memory_space<vmem>>, vector<512x128xf32>
    %dot_general3A_141 = arith.constant dense<0.000000e+00> : vector<128x128xf32>
    %dot_general3A_142 = tpu.matmul %max3A_137, %get3A_140, %dot_general3A_141 {dimension_numbers = #tpu.dot_dimension_numbers<[1], [0], [0], [1], [0, 0, 1, 1], [], []>, transpose_lhs_hint = false} : vector<128x512xf32>, vector<512x128xf32>, vector<128x128xf32> -> vector<128x128xf32>
    %get3A_143 = arith.constant 0 : index
    %get3A_144 = arith.constant 0 : index
    %get3A_145 = vector.load %arg21[%get3A_143, %get3A_144] : memref<1x128xf32, #tpu.memory_space<vmem>>, vector<1x128xf32>
    %add3A_146 = vector.broadcast %get3A_145 : vector<1x128xf32> to vector<128x128xf32>
    %add3A_147 = arith.addf %dot_general3A_142, %add3A_146 : vector<128x128xf32>
    %add3A_148 = arith.addf %add3A_124, %add3A_147 : vector<128x128xf32>
    %get3A_149 = arith.constant 0 : index
    %get3A_150 = arith.constant 0 : index
    %get3A_151 = vector.load %arg22[%get3A_149, %get3A_150] : memref<1x128xf32, #tpu.memory_space<vmem>>, vector<1x128xf32>
    %get3A_152 = arith.constant 0 : index
    %get3A_153 = arith.constant 0 : index
    %get3A_154 = vector.load %arg23[%get3A_152, %get3A_153] : memref<1x128xf32, #tpu.memory_space<vmem>>, vector<1x128xf32>
    %reduce_sum3A_155 = arith.constant dense<0.000000e+00> : vector<128xf32>
    %reduce_sum3A_156 = vector.multi_reduction <add>, %add3A_148, %reduce_sum3A_155 [1] : vector<128x128xf32> to vector<128xf32>
    %broadcast_in_dim3A_157 = vector.shape_cast %reduce_sum3A_156 : vector<128xf32> to vector<128x1xf32>
    %div3A_158 = arith.constant 1.280000e+02 : f32
    %div3A_159 = vector.broadcast %div3A_158 : f32 to vector<128x1xf32>
    %div3A_160 = arith.divf %broadcast_in_dim3A_157, %div3A_159 : vector<128x1xf32>
    %sub3A_161 = vector.broadcast %div3A_160 : vector<128x1xf32> to vector<128x128xf32>
    %sub3A_162 = arith.subf %add3A_148, %sub3A_161 : vector<128x128xf32>
    %integer_pow3A_163 = arith.mulf %sub3A_162, %sub3A_162 : vector<128x128xf32>
    %reduce_sum3A_164 = arith.constant dense<0.000000e+00> : vector<128xf32>
    %reduce_sum3A_165 = vector.multi_reduction <add>, %integer_pow3A_163, %reduce_sum3A_164 [1] : vector<128x128xf32> to vector<128xf32>
    %broadcast_in_dim3A_166 = vector.shape_cast %reduce_sum3A_165 : vector<128xf32> to vector<128x1xf32>
    %div3A_167 = arith.constant 1.280000e+02 : f32
    %div3A_168 = vector.broadcast %div3A_167 : f32 to vector<128x1xf32>
    %div3A_169 = arith.divf %broadcast_in_dim3A_166, %div3A_168 : vector<128x1xf32>
    %sub3A_170 = vector.broadcast %div3A_160 : vector<128x1xf32> to vector<128x128xf32>
    %sub3A_171 = arith.subf %add3A_148, %sub3A_170 : vector<128x128xf32>
    %add3A_172 = arith.constant 9.99999974E-6 : f32
    %add3A_173 = vector.broadcast %add3A_172 : f32 to vector<128x1xf32>
    %add3A_174 = arith.addf %div3A_169, %add3A_173 : vector<128x1xf32>
    %sqrt3A_175 = math.sqrt %add3A_174 : vector<128x1xf32>
    %div3A_176 = vector.broadcast %sqrt3A_175 : vector<128x1xf32> to vector<128x128xf32>
    %div3A_177 = arith.divf %sub3A_171, %div3A_176 : vector<128x128xf32>
    %mul3A_178 = vector.broadcast %get3A_151 : vector<1x128xf32> to vector<128x128xf32>
    %mul3A_179 = arith.mulf %div3A_177, %mul3A_178 : vector<128x128xf32>
    %add3A_180 = vector.broadcast %get3A_154 : vector<1x128xf32> to vector<128x128xf32>
    %add3A_181 = arith.addf %mul3A_179, %add3A_180 : vector<128x128xf32>
    %swap3A = arith.constant 0 : index
    %swap3A_182 = arith.constant 0 : index
    %swap3A_183 = vector.load %arg24[%swap3A, %swap3A_182] : memref<128x128xf32, #tpu.memory_space<vmem>>, vector<128x128xf32>
    tpu.vector_store %arg24[%swap3A, %swap3A_182], %add3A_181 {strides = array<i32>} : memref<128x128xf32, #tpu.memory_space<vmem>>, vector<128x128xf32>,
    return
  }
  func.func @transform_0(%arg0: i32) -> (i32, i32) {
    %add3A = arith.constant 8 : i32
    %add3A_0 = arith.addi %arg0, %add3A : i32
    %c0_i32 = arith.constant 0 : i32
    %c0_i32_1 = arith.constant 0 : i32
    return %add3A_0, %c0_i32 : i32, i32
  }
  func.func @transform_1(%arg0: i32) -> (i32, i32) {
    %c0_i32 = arith.constant 0 : i32
    %c0_i32_0 = arith.constant 0 : i32
    return %arg0, %c0_i32 : i32, i32
  }
  func.func @transform_2(%arg0: i32) -> (i32, i32) {
    %add3A = arith.constant 8 : i32
    %add3A_0 = arith.addi %arg0, %add3A : i32
    %c0_i32 = arith.constant 0 : i32
    %c0_i32_1 = arith.constant 0 : i32
    return %add3A_0, %c0_i32 : i32, i32
  }
  func.func @transform_3(%arg0: i32) -> (i32, i32) {
    %add3A = arith.constant 8 : i32
    %add3A_0 = arith.addi %arg0, %add3A : i32
    %c0_i32 = arith.constant 0 : i32
    %c0_i32_1 = arith.constant 0 : i32
    return %add3A_0, %c0_i32 : i32, i32
  }
  func.func @transform_4(%arg0: i32) -> (i32, i32) {
    %add3A = arith.constant 8 : i32
    %add3A_0 = arith.addi %arg0, %add3A : i32
    %c0_i32 = arith.constant 0 : i32
    %c0_i32_1 = arith.constant 0 : i32
    return %add3A_0, %c0_i32 : i32, i32
  }
  func.func @transform_5(%arg0: i32) -> (i32, i32) {
    %c0_i32 = arith.constant 0 : i32
    %c0_i32_0 = arith.constant 0 : i32
    %c0_i32_1 = arith.constant 0 : i32
    return %c0_i32, %c0_i32_0 : i32, i32
  }
  func.func @transform_6(%arg0: i32) -> (i32, i32) {
    %c0_i32 = arith.constant 0 : i32
    %c0_i32_0 = arith.constant 0 : i32
    %c0_i32_1 = arith.constant 0 : i32
    return %c0_i32, %c0_i32_0 : i32, i32
  }
  func.func @transform_7(%arg0: i32) -> (i32, i32) {
    %c0_i32 = arith.constant 0 : i32
    %c0_i32_0 = arith.constant 0 : i32
    %c0_i32_1 = arith.constant 0 : i32
    return %c0_i32, %c0_i32_0 : i32, i32
  }
  func.func @transform_8(%arg0: i32) -> (i32, i32) {
    %c0_i32 = arith.constant 0 : i32
    %c0_i32_0 = arith.constant 0 : i32
    %c0_i32_1 = arith.constant 0 : i32
    return %c0_i32, %c0_i32_0 : i32, i32
  }
  func.func @transform_9(%arg0: i32) -> (i32, i32) {
    %c0_i32 = arith.constant 0 : i32
    %c0_i32_0 = arith.constant 0 : i32
    %c0_i32_1 = arith.constant 0 : i32
    return %c0_i32, %c0_i32_0 : i32, i32
  }
  func.func @transform_10(%arg0: i32) -> (i32, i32) {
    %c0_i32 = arith.constant 0 : i32
    %c0_i32_0 = arith.constant 0 : i32
    %c0_i32_1 = arith.constant 0 : i32
    return %c0_i32, %c0_i32_0 : i32, i32
  }
  func.func @transform_11(%arg0: i32) -> (i32, i32) {
    %c0_i32 = arith.constant 0 : i32
    %c0_i32_0 = arith.constant 0 : i32
    %c0_i32_1 = arith.constant 0 : i32
    return %c0_i32, %c0_i32_0 : i32, i32
  }
  func.func @transform_12(%arg0: i32) -> (i32, i32) {
    %c0_i32 = arith.constant 0 : i32
    %c0_i32_0 = arith.constant 0 : i32
    %c0_i32_1 = arith.constant 0 : i32
    return %c0_i32, %c0_i32_0 : i32, i32
  }
  func.func @transform_13(%arg0: i32) -> (i32, i32) {
    %c0_i32 = arith.constant 0 : i32
    %c0_i32_0 = arith.constant 0 : i32
    %c0_i32_1 = arith.constant 0 : i32
    return %c0_i32, %c0_i32_0 : i32, i32
  }
  func.func @transform_14(%arg0: i32) -> (i32, i32) {
    %c0_i32 = arith.constant 0 : i32
    %c0_i32_0 = arith.constant 0 : i32
    %c0_i32_1 = arith.constant 0 : i32
    return %c0_i32, %c0_i32_0 : i32, i32
  }
  func.func @transform_15(%arg0: i32) -> (i32, i32) {
    %c0_i32 = arith.constant 0 : i32
    %c0_i32_0 = arith.constant 0 : i32
    %c0_i32_1 = arith.constant 0 : i32
    return %c0_i32, %c0_i32_0 : i32, i32
  }
  func.func @transform_16(%arg0: i32) -> (i32, i32) {
    %c0_i32 = arith.constant 0 : i32
    %c0_i32_0 = arith.constant 0 : i32
    %c0_i32_1 = arith.constant 0 : i32
    return %c0_i32, %c0_i32_0 : i32, i32
  }
  func.func @transform_17(%arg0: i32) -> (i32, i32) {
    %c0_i32 = arith.constant 0 : i32
    %c0_i32_0 = arith.constant 0 : i32
    %c0_i32_1 = arith.constant 0 : i32
    return %c0_i32, %c0_i32_0 : i32, i32
  }
  func.func @transform_18(%arg0: i32) -> (i32, i32) {
    %c0_i32 = arith.constant 0 : i32
    %c0_i32_0 = arith.constant 0 : i32
    %c0_i32_1 = arith.constant 0 : i32
    return %c0_i32, %c0_i32_0 : i32, i32
  }
  func.func @transform_19(%arg0: i32) -> (i32, i32) {
    %c0_i32 = arith.constant 0 : i32
    %c0_i32_0 = arith.constant 0 : i32
    %c0_i32_1 = arith.constant 0 : i32
    return %c0_i32, %c0_i32_0 : i32, i32
  }
  func.func @transform_20(%arg0: i32) -> (i32, i32) {
    %c0_i32 = arith.constant 0 : i32
    %c0_i32_0 = arith.constant 0 : i32
    %c0_i32_1 = arith.constant 0 : i32
    return %c0_i32, %c0_i32_0 : i32, i32
  }
  func.func @transform_21(%arg0: i32) -> (i32, i32) {
    %c0_i32 = arith.constant 0 : i32
    %c0_i32_0 = arith.constant 0 : i32
    %c0_i32_1 = arith.constant 0 : i32
    return %c0_i32, %c0_i32_0 : i32, i32
  }
  func.func @transform_22(%arg0: i32) -> (i32, i32) {
    %c0_i32 = arith.constant 0 : i32
    %c0_i32_0 = arith.constant 0 : i32
    %c0_i32_1 = arith.constant 0 : i32
    return %c0_i32, %c0_i32_0 : i32, i32
  }
  func.func @transform_23(%arg0: i32) -> (i32, i32) {
    %c0_i32 = arith.constant 0 : i32
    %c0_i32_0 = arith.constant 0 : i32
    return %arg0, %c0_i32 : i32, i32
  }
}

</mosaic_0001>

<sc_bundles>
// kernel: kernel.10.cloned.1.call-start
scs
__scs_entry_jumppad:
0x0: {  	(pc) =	sbr.rel $0x88, $3  }
0x1: {  	(tag) =	ssettag $0x0;
	lr =	simm.s32 $0x1  }
0x2: {  	[smem:$0x3F8D] =	sst lr;
	_ =	strace $0xD0000000  }
0x3: {  	_ = 	snop  }
0x4: {  	_ = 	snop  }
0x5: {  	_ = 	snop  }
0x6: {  	_ = 	snop  }
0x7: {  	_ = 	snop  }
__scs_overlays_trampoline_lowered:
0x8: {  	[smem:$0x3F9C] =	sst s0  }
0x9: {  	[smem:$0x3F9D] =	sst s1  }
0xa: {  	[smem:$0x3F9E] =	sst s2  }
0xb: {  	[smem:$0x3F9F] =	sst s3  }
0xc: {  	[smem:$0x3FA0] =	sst s4  }
0xd: {  	[smem:$0x3FA1] =	sst s5  }
0xe: {  	[smem:$0x3FA2] =	sst s6  }
0xf: {  	[smem:$0x3FA3] =	sst s7  }
0x10: {  	[smem:$0x3FA4] =	sst s8  }
0x11: {  	[smem:$0x3FA5] =	sst s9;
	s0 =	simm.s32 @!p0 $0x0  }
0x12: {  	s1 =	sld [smem:$0x3F8B];
	s0 =	simm.s32 @p0 $0x1  }
0x13: {  	[smem:$0x3FA6] =	sst s0;
	s0 =	simm.s32 @!p1 $0x0  }
0x14: {  	s2 =	sld [smem:$0x3F8A];
	s0 =	simm.s32 @p1 $0x1  }
0x15: {  	[smem:$0x3FA7] =	sst s0;
	s0 =	simm.s32 @!p2 $0x0  }
0x16: {  	s3 =	sld [smem:$0x3FDB];
	s0 =	simm.s32 @p2 $0x1  }
0x17: {  	s4 =	simm.s32 $0x1BF5;
	[smem:$0x3FA9] =	sst s0  }
0x18: {  	s0 =	sld [smem:$0x3F8C];
	_ =	swait.ge [sflag:s4], $0x0  }
0x19: {  	s7 =	sld [smem:$0x3F8D]  }
0x1a: {  	s8 =	sadd.s32 $0xFFFFE003, lr  }
0x1b: {  	s9 =	sadd.s32 $0xFFFFFEF7, lr;
	s5 =	simm.s32 $0xFFFFFFFF;
	p2 =	slt.u32 s8, $0xFFFFF086  }
0x1c: {  	p1 =	slt.u32 s9, $0xF7A;
	s5 =	simm.s32 @!p2 $0x0  }
0x1d: {  	s5 =	simm.s32 @p1 $0x1;
	p0 =	seq.s32 s7, s2  }
0x1e: {  	s7 =	smul.u32 @!p0 $0xF7A, s2;
	p2 =	seq.s32 @!p0 s5, $0x0  }
0x1f: {  	s9 =	smul.u32 $0xF7A, s1;
	s8 =	simm.s32 @!p0 $0x1BF5;
	p2 =	por !p2, p0  }
0x20: {  	[sflag:s8] =	ssyncset.s32 @!p0 $0xFFFFF086;
	s6 =	sadd.s32 @!p0 s3, s7;
	s7 =	simm.s32 @!p0 $0x108  }
0x21: {  	s3 =	sadd.s32 s3, s9;
	s6 =	sadd.s32 @!p0 $0x88, s6;
	s7 =	simm.s32 @p2 $0x1082  }
0x22: {  	[simem:s7], [sflag:s8] =	dma.local @!p0 [hbm:s6], $0xF7A  }
0x23: {  	s9 =	sor.u32 $0xD0000000, s2;
	s6 =	simm.s32 $0x108;
	_ =	swait.ge @!p0 [sflag:s8], $0x0  }
0x24: {  	s3 =	sadd.s32 $0x88, s3;
	s6 =	simm.s32 @!p1 $0x1082;
	[sflag:s4] =	ssyncset.s32 $0xFFFFF086  }
0x25: {  	[simem:s6], [sflag:s4] =	dma.local [hbm:s3], $0xF7A  }
0x26: {  	[smem:$0x3F8D] =	sst s1;
	(tag) =	ssettag s2;
	_ =	strace s9  }
0x27: {  	s1 =	sld [smem:$0x3F9D]  }
0x28: {  	s2 =	sld [smem:$0x3F9E]  }
0x29: {  	s4 =	sld [smem:$0x3FA0]  }
0x2a: {  	p0 =	seq.s32 s5, $0x0;
	s5 =	sld [smem:$0x3FA1]  }
0x2b: {  	s6 =	sld [smem:$0x3FA2]  }
0x2c: {  	s7 =	sld [smem:$0x3FA3]  }
0x2d: {  	s3 =	simm.s32 $0x108;
	s8 =	sld [smem:$0x3FA4]  }
0x2e: {  	s3 =	simm.s32 @!p0 $0x1082;
	s9 =	sld [smem:$0x3FA5]  }
0x2f: {  	lr =	sadd.s32 s0, s3;
	s0 =	sld [smem:$0x3F9C]  }
0x30: {  	s3 =	sld [smem:$0x3F9F]  }
0x31: {  	[smem:$0x3FA8] =	sst s10  }
0x32: {  	s10 =	sld [smem:$0x3FA6];
	_ =	sdelay $0x3  }
0x33: {  	p0 =	seq.s32 s10, $0x1;
	s10 =	sld [smem:$0x3FA8];
	_ =	sdelay $0x3  }
0x34: {  	[smem:$0x3FA8] =	sst s10  }
0x35: {  	s10 =	sld [smem:$0x3FA7];
	_ =	sdelay $0x3  }
0x36: {  	p1 =	seq.s32 s10, $0x1;
	s10 =	sld [smem:$0x3FA8];
	_ =	sdelay $0x3  }
0x37: {  	[smem:$0x3FA8] =	sst s10  }
0x38: {  	s10 =	sld [smem:$0x3FA9]  }
0x39: {  	_ = 	snop;
	(pc) =	sbr.ind lr, $3  }
0x3a: {  	_ = 	snop  }
0x3b: {  	_ = 	snop  }
0x3c: {  	p2 =	seq.s32 s10, $0x1;
	s10 =	sld [smem:$0x3FA8]  }
0x3d: {  	_ =	shalt  }
0x3e: {  	_ =	shalt  }
0x3f: {  	_ =	shalt  }
0x40: {  	_ =	shalt  }
0x41: {  	_ =	shalt  }
0x42: {  	_ =	shalt  }
0x43: {  	_ =	shalt  }
0x44: {  	_ =	shalt  }
0x45: {  	_ =	shalt  }
0x46: {  	_ =	shalt  }
0x47: {  	_ =	shalt  }
0x48: {  	_ =	shalt  }
0x49: {  	_ =	shalt  }
0x4a: {  	_ =	shalt  }
0x4b: {  	_ =	shalt  }
0x4c: {  	_ =	shalt  }
0x4d: {  	_ =	shalt  }
0x4e: {  	_ =	shalt  }
0x4f: {  	_ =	shalt  }
0x50: {  	_ =	shalt  }
0x51: {  	_ =	shalt  }
0x52: {  	_ =	shalt  }
0x53: {  	_ =	shalt  }
0x54: {  	_ =	shalt  }
0x55: {  	_ =	shalt  }
0x56: {  	_ =	shalt  }
0x57: {  	_ =	shalt  }
0x58: {  	_ =	shalt  }
0x59: {  	_ =	shalt  }
0x5a: {  	_ =	shalt  }
0x5b: {  	_ =	shalt  }
0x5c: {  	_ =	shalt  }
0x5d: {  	_ =	shalt  }
0x5e: {  	_ =	shalt  }
0x5f: {  	_ =	shalt  }
0x60: {  	_ =	shalt  }
0x61: {  	_ =	shalt  }
0x62: {  	_ =	shalt  }
0x63: {  	_ =	shalt  }
0x64: {  	_ =	shalt  }
0x65: {  	_ =	shalt  }
0x66: {  	_ =	shalt  }
0x67: {  	_ =	shalt  }
0x68: {  	_ =	shalt  }
0x69: {  	_ =	shalt  }
0x6a: {  	_ =	shalt  }
0x6b: {  	_ =	shalt  }
0x6c: {  	_ =	shalt  }
0x6d: {  	_ =	shalt  }
0x6e: {  	_ =	shalt  }
0x6f: {  	_ =	shalt  }
0x70: {  	_ =	shalt  }
0x71: {  	_ =	shalt  }
0x72: {  	_ =	shalt  }
0x73: {  	_ =	shalt  }
0x74: {  	_ =	shalt  }
0x75: {  	_ =	shalt  }
0x76: {  	_ =	shalt  }
0x77: {  	_ =	shalt  }
0x78: {  	_ =	shalt  }
0x79: {  	_ =	shalt  }
0x7a: {  	_ =	shalt  }
0x7b: {  	_ =	shalt  }
0x7c: {  	_ =	shalt  }
0x7d: {  	_ =	shalt  }
0x7e: {  	_ =	shalt  }
0x7f: {  	_ =	shalt  }
0x80: {  	_ =	shalt  }
0x81: {  	_ =	shalt  }
0x82: {  	_ =	shalt  }
0x83: {  	_ =	shalt  }
0x84: {  	_ =	shalt  }
0x85: {  	_ =	shalt  }
0x86: {  	_ =	shalt  }
0x87: {  	_ =	shalt  }
.Lfunc_end0:
.L_simem_size_0:
called_computation.1_lowered:
.L_overlay_start_0:
0x88: {  	s2 =	sld [smem:$0x3FD9]  }
0x89: {  	s3 =	sld [smem:$0x3FFE];
	_ =	sdelay $0x1  }
0x8a: {  	s1 =	srdreg.scid  }
0x8b: {  	s0 =	sand.u32 $0x1, s1  }
0x8c: {  	s14 =	sshll.u32 s0, $0xA;
	s2 =	sadd.s32 s3, s2  }
0x8d: {  	s2 =	sadd.s32 s2, s14  }
0x8e: {  	[smem:$0x3FB4] =	sst s2  }
0x8f: {  	_ = 	snop  }
0x90: {  	s2 =	sld [smem:$0x3FD0];
	_ =	sdelay $0x2  }
0x91: {  	s15 =	simm.s32 $0xB;
	s4 =	simm.s32 $0x10  }
0x92: {  	[smem:s4], [sflag:s15] =	dma.local [hbm:s2], $0x1  }
0x93: {  	_ =	swait.eq [sflag:s15], $0x1  }
0x94: {  	[sflag:s15] =	ssyncset.done $0x0  }
0x95: {  	[sflag:s15] =	ssyncadd.s32 $0xFFFFFFFF  }
0x96: {  	s16 =	sld [smem:$0x10];
	(tm) =	ssettm $0x1  }
0x97: {  	s17 =	sld [smem:$0x3FFB];
	_ =	sdelay $0x3  }
0x98: {  	_ =	strace s17  }
0x99: {  	s3 =	sld [smem:$0x3FFC];
	_ =	sdelay $0x3  }
0x9a: {  	_ =	strace s3  }
0x9b: {  	s3 =	sld [smem:$0x3FFD];
	_ =	sdelay $0x3  }
0x9c: {  	_ =	strace s3  }
0x9d: {  	_ =	strace $0x8FFFFFFF  }
0x9e: {  	s18 =	sld [smem:$0x3FDB];
	_ =	sdelay $0x1  }
0x9f: {  	s19 =	simm.s32 $_scs_section_size  }
0xa0: {  	s5 =	simm.s32 $_size__tile_overlayer_lowered;
	s6 =	simm.s32 $_tile_overlayer_lowered  }
0xa1: {  	s22 =	simm.s32 $0x1BFF;
	s21 =	sshll.u32 s6, $0x1;
	s3 =	sadd.s32 s19, s18  }
0xa2: {  	s7 =	simm.s32 $0x0;
	s20 =	sshll.u32 s5, $0x1;
	s5 =	sadd.s32 s21, s3  }
0xa3: {  	[timem:s7], [sflag:s22] =	dma.local [hbm:s5], s20  }
0xa4: {  	_ =	swait.ge [sflag:s22], s20  }
0xa5: {  	s4 =	ssub.s32 $0x0, s20;
	[sflag:s22] =	ssyncset.done $0x0  }
0xa6: {  	[sflag:s22] =	ssyncadd.s32 s4;
	_ =	sdelay $0x1  }
0xa7: {  	s23 =	simm.s32 $0x1B8B  }
0xa8: {  	_ =	swait.ge [sflag:s23], $0x1  }
0xa9: {  	[sflag:s23] =	ssyncset.done $0x0  }
0xaa: {  	s25 =	simm.s32 $0x1B8E;
	s24 =	sld [smem:$0x3FFE];
	[sflag:s23] =	ssyncadd.s32 $0xFFFFFFFF  }
0xab: {  	s26 =	simm.s32 $execute0_lowered;
	[smem:$0x3FD2] =	sst s25  }
0xac: {  	s5 =	sshll.u32 s26, $0x1;
	_ =	strace $0x80000046;
	[dreg:$0x1] =	wrdreg $0xFFFFFFFF  }
0xad: {  	s28 =	simm.s32 $_size_execute0_lowered;
	s3 =	sadd.s32 s3, s5;
	[dreg:$0x0] =	wrdreg $0x0  }
0xae: {  	s5 =	sshll.u32 s28, $0x1;
	[dreg:$0x2] =	wrdreg s3  }
0xaf: {  	[dreg:$0x3] =	wrdreg s5  }
0xb0: {  	[dreg:$0x4] =	wrdreg $0xC0  }
0xb1: {  	_ =	task [dreg:s7], $0x5FFFF  }
0xb2: {  	[dreg:$0x1] =	wrdreg $0xFFFFFFFF  }
0xb3: {  	[dreg:$0x0] =	wrdreg $0x60  }
0xb4: {  	[dreg:$0x2] =	wrdreg s16  }
0xb5: {  	[dreg:$0x3] =	wrdreg s24  }
0xb6: {  	[dreg:$0x4] =	wrdreg $0xA  }
0xb7: {  	_ =	task.clear_ibuf [dreg:s7], $0x5FFFF;
	_ =	strace $0x90000046  }
0xb8: {  	s29 =	simm.s32 $0xA;
	_ =	strace $0x80000048  }
0xb9: {  	_ =	swait.ge [sflag:s29], $0x1  }
0xba: {  	[sflag:s29] =	ssyncadd.s32 $0xFFFFFFFF  }
0xbb: {  	_ =	strace $0x90000048  }
0xbc: {  	_ =	sfence  }
0xbd: {  	s30 =	sld [smem:$0x0];
	_ =	sdelay $0x2  }
0xbe: {  	s31 =	sshll.u32 s1, $0xD;
	s1 =	sshrl.u32 s1, $0x2  }
0xbf: {  	s3 =	sand.u32 $0x4000, s31;
	s1 =	sadd.s32 s1, s30  }
0xc0: {  	s0 =	sor.u32 s3, s0;
	s1 =	sshll.u32 s1, $0x11  }
0xc1: {  	s0 =	sor.u32 s1, s0  }
0xc2: {  	s0 =	sadd.s32 $0x8F2B, s0  }
0xc3: {  	[sflag:s0] =	ssyncadd.remote.s32 $0x1  }
0xc4: {  	_ =	sfence.sel $0xFFFF  }
0xc5: {  	[dreg:$0x0] =	wrdreg $0xFFFFFFFF;
	(pc) =	sbr.abs _section_cstart, $3  }
0xc6: {  	[dreg:$0x1] =	wrdreg $0xFFFFFFFF  }
0xc7: {  	_ =	task.clear_ibuf [dreg:s7], $0x2FFFF;
	_ =	strace $0x9FFFFFFF  }
0xc8: {  	(tm) =	ssettm $0x7FFFFFFF  }
0xc9: {  	_ =	shalt  }
tec
execute0_lowered:
.L_overlay_start_1:
0x0: {  	(tag) =	ssettag $0x1  }
0x1: {  	s1 =	srdreg.scid  }
0x2: {  	s0 =	stileid.u32;
	s24 =	sand.u32 $0x1, s1  }
0x3: {  	s2 =	rddreg [dreg:$0x0];
	s30 =	sshll.u32 s0, $0xB;
	s3 =	sshll.u32 s24, $0xA  }
0x4: {  	s10 =	rddreg [dreg:$0x1];
	s11 =	sor.u32 s3, s30  }
0x5: {  	s1 =	rddreg [dreg:$0x2];
	s3 =	simm.s32 $0x0;
	s4 =	sshrl.u32 s11, $0x3  }
0x6: {  	[smem:$0x7FF] =	sst s3;
	s4 =	sadd.s32 s4, s10  }
0x7: {  	_ =	strace $0x80000047;
	s5 =	sadd.s32 $0x3800, s4;
	s4 =	simm.s32 $0x3  }
0x8: {  	[tilespmem:s3], [sflag:$0x3] =	stream.linear.gather [hbm4b:s5+s3], $0x400, $0x38;
	[tilespmem:$0x8400] =	vst v63  }
0x9: {  	_ =	swait.ge [sflag:s4], $0x400  }
0xa: {  	[sflag:s4] =	ssyncset.done $0x0  }
0xb: {  	s6 =	simm.s32 $0x80;
	s7 =	simm.s32 $0x400;
	[sflag:s4] =	ssyncadd.s32 $0xFFFFFC00  }
0xc: {  	[tilespmem:s7], [sflag:$0x1] =	stream.indirect.gather [hbm4b:s2+s6], $0x80, s3, s6, $0xb8;
	[tilespmem:$0x8400] =	vst v63  }
0xd: {  	s8 =	simm.s32 $0x4400;
	s9 =	simm.s32 $0x1  }
0xe: {  	[tilespmem:s8], [sflag:$0x2] =	stream.indirect.gather [hbm4b:s2+s6], $0x80, s6, s6, $0xb8;
	[tilespmem:$0x8400] =	vst v63  }
0xf: {  	s11 =	sshll.u32 s11, $0x4;
	_ =	swait.ge [sflag:s9], $0x4000  }
0x10: {  	s25 =	sadd.s32 s11, s10;
	[sflag:s9] =	ssyncset.done $0x0  }
0x11: {  	s10 =	sadd.s32 $0x4800, s25;
	[sflag:s9] =	ssyncadd.s32 $0xFFFFC000  }
0x12: {  	[hbm4b:s10+s3] =	stream.linear.scatter [tilespmem:s7], [sflag:$0x3], $0x4000, $0x38;
	[tilespmem:$0x8400] =	vst v63  }
0x13: {  	_ =	swait.ge [sflag:s4], $0x4000  }
0x14: {  	[sflag:s4] =	ssyncset.done $0x0  }
0x15: {  	s12 =	simm.s32 $0x2;
	s11 =	simm.s32 $0x100;
	[sflag:s4] =	ssyncadd.s32 $0xFFFFC000  }
0x16: {  	[tilespmem:s7], [sflag:$0x1] =	stream.indirect.gather [hbm4b:s2+s6], $0x80, s11, s6, $0xb8;
	[tilespmem:$0x8400] =	vst v63  }
0x17: {  	_ =	swait.ge [sflag:s12], $0x4000  }
0x18: {  	[sflag:s12] =	ssyncset.done $0x0  }
0x19: {  	s13 =	sadd.s32 $0x5000, s25;
	[sflag:s12] =	ssyncadd.s32 $0xFFFFC000  }
0x1a: {  	[hbm4b:s13+s3] =	stream.linear.scatter [tilespmem:s8], [sflag:$0x3], $0x4000, $0x38;
	[tilespmem:$0x8400] =	vst v63  }
0x1b: {  	_ =	swait.ge [sflag:s4], $0x4000  }
0x1c: {  	[sflag:s4] =	ssyncset.done $0x0  }
0x1d: {  	s14 =	simm.s32 $0x180;
	[sflag:s4] =	ssyncadd.s32 $0xFFFFC000  }
0x1e: {  	[tilespmem:s8], [sflag:$0x2] =	stream.indirect.gather [hbm4b:s2+s6], $0x80, s14, s6, $0xb8;
	[tilespmem:$0x8400] =	vst v63  }
0x1f: {  	_ =	swait.ge [sflag:s9], $0x4000  }
0x20: {  	[sflag:s9] =	ssyncset.done $0x0  }
0x21: {  	s15 =	sadd.s32 $0x5800, s25;
	[sflag:s9] =	ssyncadd.s32 $0xFFFFC000  }
0x22: {  	[hbm4b:s15+s3] =	stream.linear.scatter [tilespmem:s7], [sflag:$0x3], $0x4000, $0x38;
	[tilespmem:$0x8400] =	vst v63  }
0x23: {  	_ =	swait.ge [sflag:s4], $0x4000  }
0x24: {  	[sflag:s4] =	ssyncset.done $0x0  }
0x25: {  	s16 =	simm.s32 $0x200;
	[sflag:s4] =	ssyncadd.s32 $0xFFFFC000  }
0x26: {  	[tilespmem:s7], [sflag:$0x1] =	stream.indirect.gather [hbm4b:s2+s6], $0x80, s16, s6, $0xb8;
	[tilespmem:$0x8400] =	vst v63  }
0x27: {  	_ =	swait.ge [sflag:s12], $0x4000  }
0x28: {  	[sflag:s12] =	ssyncset.done $0x0  }
0x29: {  	s17 =	sadd.s32 $0x6000, s25;
	[sflag:s12] =	ssyncadd.s32 $0xFFFFC000  }
0x2a: {  	[hbm4b:s17+s3] =	stream.linear.scatter [tilespmem:s8], [sflag:$0x3], $0x4000, $0x38;
	[tilespmem:$0x8400] =	vst v63  }
0x2b: {  	_ =	swait.ge [sflag:s4], $0x4000  }
0x2c: {  	[sflag:s4] =	ssyncset.done $0x0  }
0x2d: {  	s18 =	simm.s32 $0x280;
	[sflag:s4] =	ssyncadd.s32 $0xFFFFC000  }
0x2e: {  	[tilespmem:s8], [sflag:$0x2] =	stream.indirect.gather [hbm4b:s2+s6], $0x80, s18, s6, $0xb8;
	[tilespmem:$0x8400] =	vst v63  }
0x2f: {  	_ =	swait.ge [sflag:s9], $0x4000  }
0x30: {  	[sflag:s9] =	ssyncset.done $0x0  }
0x31: {  	s19 =	sadd.s32 $0x6800, s25;
	[sflag:s9] =	ssyncadd.s32 $0xFFFFC000  }
0x32: {  	[hbm4b:s19+s3] =	stream.linear.scatter [tilespmem:s7], [sflag:$0x3], $0x4000, $0x38;
	[tilespmem:$0x8400] =	vst v63  }
0x33: {  	_ =	swait.ge [sflag:s4], $0x4000  }
0x34: {  	[sflag:s4] =	ssyncset.done $0x0  }
0x35: {  	s20 =	simm.s32 $0x300;
	[sflag:s4] =	ssyncadd.s32 $0xFFFFC000  }
0x36: {  	[tilespmem:s7], [sflag:$0x1] =	stream.indirect.gather [hbm4b:s2+s6], $0x80, s20, s6, $0xb8;
	[tilespmem:$0x8400] =	vst v63  }
0x37: {  	_ =	swait.ge [sflag:s12], $0x4000  }
0x38: {  	[sflag:s12] =	ssyncset.done $0x0  }
0x39: {  	s21 =	sadd.s32 $0x7000, s25;
	[sflag:s12] =	ssyncadd.s32 $0xFFFFC000  }
0x3a: {  	[hbm4b:s21+s3] =	stream.linear.scatter [tilespmem:s8], [sflag:$0x3], $0x4000, $0x38;
	[tilespmem:$0x8400] =	vst v63  }
0x3b: {  	_ =	swait.ge [sflag:s4], $0x4000  }
0x3c: {  	[sflag:s4] =	ssyncset.done $0x0  }
0x3d: {  	s22 =	simm.s32 $0x380;
	[sflag:s4] =	ssyncadd.s32 $0xFFFFC000  }
0x3e: {  	[tilespmem:s8], [sflag:$0x2] =	stream.indirect.gather [hbm4b:s2+s6], $0x80, s22, s6, $0xb8;
	[tilespmem:$0x8400] =	vst v63  }
0x3f: {  	_ =	swait.ge [sflag:s9], $0x4000  }
0x40: {  	[sflag:s9] =	ssyncset.done $0x0  }
0x41: {  	s24 =	ssub.s32 $0x2, s24;
	s23 =	sadd.s32 $0x7800, s25;
	[sflag:s9] =	ssyncadd.s32 $0xFFFFC000  }
0x42: {  	[hbm4b:s23+s3] =	stream.linear.scatter [tilespmem:s7], [sflag:$0x3], $0x4000, $0x38;
	[tilespmem:$0x8400] =	vst v63  }
0x43: {  	s26 =	sshrl.u32 s24, $0x1;
	_ =	swait.ge [sflag:s4], $0x4000  }
0x44: {  	s26 =	ssub.s32 s24, s26;
	[sflag:s4] =	ssyncset.done $0x0  }
0x45: {  	s31 =	smax.u32 s26, $0x1;
	[sflag:s4] =	ssyncadd.s32 $0xFFFFC000  }
0x46: {  	p0 =	sne.s32 s31, $0x1;
	_ =	swait.ge [sflag:s12], $0x4000  }
.Ltmp0:
0x47: {  	[sflag:s12] =	ssyncset.done $0x0;
	(pc) =	sbr.rel @!p0 .LBB2_2-.Ltmp0, $4  }
0x48: {  	s24 =	sadd.s32 $0x8000, s25;
	[sflag:s12] =	ssyncadd.s32 $0xFFFFC000  }
0x49: {  	[hbm4b:s24+s3] =	stream.linear.scatter [tilespmem:s8], [sflag:$0x3], $0x4000, $0x38;
	[tilespmem:$0x8400] =	vst v63  }
0x4a: {  	_ =	swait.ge [sflag:s4], $0x4000  }
0x4b: {  	s25 =	sadd.s32 $0xFFFFFFFF, s31;
	[sflag:s4] =	ssyncset.done $0x0  }
.LBB2_1:
0x4c: {  	p0 =	sne.s32 s25, $0x1;
	s25 =	sadd.s32 $0xFFFFFFFF, s25;
	[sflag:s4] =	ssyncadd.s32 $0xFFFFC000  }
0x4d: {  	[tilespmem:s3], [sflag:$0x3] =	stream.linear.gather [hbm4b:s5+s3], $0x400, $0x38;
	[tilespmem:$0x8400] =	vst v63  }
0x4e: {  	_ =	swait.ge [sflag:s4], $0x400  }
0x4f: {  	[sflag:s4] =	ssyncset.done $0x0  }
0x50: {  	[sflag:s4] =	ssyncadd.s32 $0xFFFFFC00  }
0x51: {  	[tilespmem:s7], [sflag:$0x1] =	stream.indirect.gather [hbm4b:s2+s6], $0x80, s3, s6, $0xb8;
	[tilespmem:$0x8400] =	vst v63  }
0x52: {  	_ = 	snop  }
0x53: {  	[tilespmem:s8], [sflag:$0x2] =	stream.indirect.gather [hbm4b:s2+s6], $0x80, s6, s6, $0xb8;
	[tilespmem:$0x8400] =	vst v63  }
0x54: {  	_ =	swait.ge [sflag:s9], $0x4000  }
0x55: {  	[sflag:s9] =	ssyncset.done $0x0  }
0x56: {  	[sflag:s9] =	ssyncadd.s32 $0xFFFFC000  }
0x57: {  	[hbm4b:s10+s3] =	stream.linear.scatter [tilespmem:s7], [sflag:$0x3], $0x4000, $0x38;
	[tilespmem:$0x8400] =	vst v63  }
0x58: {  	_ =	swait.ge [sflag:s4], $0x4000  }
0x59: {  	[sflag:s4] =	ssyncset.done $0x0  }
0x5a: {  	[sflag:s4] =	ssyncadd.s32 $0xFFFFC000  }
0x5b: {  	[tilespmem:s7], [sflag:$0x1] =	stream.indirect.gather [hbm4b:s2+s6], $0x80, s11, s6, $0xb8;
	[tilespmem:$0x8400] =	vst v63  }
0x5c: {  	_ =	swait.ge [sflag:s12], $0x4000  }
0x5d: {  	[sflag:s12] =	ssyncset.done $0x0  }
0x5e: {  	[sflag:s12] =	ssyncadd.s32 $0xFFFFC000  }
0x5f: {  	[hbm4b:s13+s3] =	stream.linear.scatter [tilespmem:s8], [sflag:$0x3], $0x4000, $0x38;
	[tilespmem:$0x8400] =	vst v63  }
0x60: {  	_ =	swait.ge [sflag:s4], $0x4000  }
0x61: {  	[sflag:s4] =	ssyncset.done $0x0  }
0x62: {  	[sflag:s4] =	ssyncadd.s32 $0xFFFFC000  }
0x63: {  	[tilespmem:s8], [sflag:$0x2] =	stream.indirect.gather [hbm4b:s2+s6], $0x80, s14, s6, $0xb8;
	[tilespmem:$0x8400] =	vst v63  }
0x64: {  	_ =	swait.ge [sflag:s9], $0x4000  }
0x65: {  	[sflag:s9] =	ssyncset.done $0x0  }
0x66: {  	[sflag:s9] =	ssyncadd.s32 $0xFFFFC000  }
0x67: {  	[hbm4b:s15+s3] =	stream.linear.scatter [tilespmem:s7], [sflag:$0x3], $0x4000, $0x38;
	[tilespmem:$0x8400] =	vst v63  }
0x68: {  	_ =	swait.ge [sflag:s4], $0x4000  }
0x69: {  	[sflag:s4] =	ssyncset.done $0x0  }
0x6a: {  	[sflag:s4] =	ssyncadd.s32 $0xFFFFC000  }
0x6b: {  	[tilespmem:s7], [sflag:$0x1] =	stream.indirect.gather [hbm4b:s2+s6], $0x80, s16, s6, $0xb8;
	[tilespmem:$0x8400] =	vst v63  }
0x6c: {  	_ =	swait.ge [sflag:s12], $0x4000  }
0x6d: {  	[sflag:s12] =	ssyncset.done $0x0  }
0x6e: {  	[sflag:s12] =	ssyncadd.s32 $0xFFFFC000  }
0x6f: {  	[hbm4b:s17+s3] =	stream.linear.scatter [tilespmem:s8], [sflag:$0x3], $0x4000, $0x38;
	[tilespmem:$0x8400] =	vst v63  }
0x70: {  	_ =	swait.ge [sflag:s4], $0x4000  }
0x71: {  	[sflag:s4] =	ssyncset.done $0x0  }
0x72: {  	[sflag:s4] =	ssyncadd.s32 $0xFFFFC000  }
0x73: {  	[tilespmem:s8], [sflag:$0x2] =	stream.indirect.gather [hbm4b:s2+s6], $0x80, s18, s6, $0xb8;
	[tilespmem:$0x8400] =	vst v63  }
0x74: {  	_ =	swait.ge [sflag:s9], $0x4000  }
0x75: {  	[sflag:s9] =	ssyncset.done $0x0  }
0x76: {  	[sflag:s9] =	ssyncadd.s32 $0xFFFFC000  }
0x77: {  	[hbm4b:s19+s3] =	stream.linear.scatter [tilespmem:s7], [sflag:$0x3], $0x4000, $0x38;
	[tilespmem:$0x8400] =	vst v63  }
0x78: {  	_ =	swait.ge [sflag:s4], $0x4000  }
0x79: {  	[sflag:s4] =	ssyncset.done $0x0  }
0x7a: {  	[sflag:s4] =	ssyncadd.s32 $0xFFFFC000  }
0x7b: {  	[tilespmem:s7], [sflag:$0x1] =	stream.indirect.gather [hbm4b:s2+s6], $0x80, s20, s6, $0xb8;
	[tilespmem:$0x8400] =	vst v63  }
0x7c: {  	_ =	swait.ge [sflag:s12], $0x4000  }
0x7d: {  	[sflag:s12] =	ssyncset.done $0x0  }
0x7e: {  	[sflag:s12] =	ssyncadd.s32 $0xFFFFC000  }
0x7f: {  	[hbm4b:s21+s3] =	stream.linear.scatter [tilespmem:s8], [sflag:$0x3], $0x4000, $0x38;
	[tilespmem:$0x8400] =	vst v63  }
0x80: {  	_ =	swait.ge [sflag:s4], $0x4000  }
0x81: {  	[sflag:s4] =	ssyncset.done $0x0  }
0x82: {  	[sflag:s4] =	ssyncadd.s32 $0xFFFFC000  }
0x83: {  	[tilespmem:s8], [sflag:$0x2] =	stream.indirect.gather [hbm4b:s2+s6], $0x80, s22, s6, $0xb8;
	[tilespmem:$0x8400] =	vst v63  }
0x84: {  	_ =	swait.ge [sflag:s9], $0x4000  }
0x85: {  	[sflag:s9] =	ssyncset.done $0x0  }
0x86: {  	[sflag:s9] =	ssyncadd.s32 $0xFFFFC000  }
0x87: {  	[hbm4b:s23+s3] =	stream.linear.scatter [tilespmem:s7], [sflag:$0x3], $0x4000, $0x38;
	[tilespmem:$0x8400] =	vst v63  }
0x88: {  	_ =	swait.ge [sflag:s4], $0x4000  }
0x89: {  	[sflag:s4] =	ssyncset.done $0x0  }
0x8a: {  	[sflag:s4] =	ssyncadd.s32 $0xFFFFC000  }
0x8b: {  	_ =	swait.ge [sflag:s12], $0x4000  }
.Ltmp1:
0x8c: {  	[sflag:s12] =	ssyncset.done $0x0;
	(pc) =	sbr.rel @p0 .LBB2_1-.Ltmp1, $4  }
0x8d: {  	[sflag:s12] =	ssyncadd.s32 $0xFFFFC000  }
0x8e: {  	[hbm4b:s24+s3] =	stream.linear.scatter [tilespmem:s8], [sflag:$0x3], $0x4000, $0x38;
	[tilespmem:$0x8400] =	vst v63  }
0x8f: {  	_ =	swait.ge [sflag:s4], $0x4000  }
0x90: {  	[sflag:s4] =	ssyncset.done $0x0  }
.LBB2_2:
0x91: {  	[sflag:s4] =	ssyncadd.s32 $0xFFFFC000  }
0x92: {  	_ =	sfence.sel $0x180000  }
0x93: {  	[bflag:$0x0] =	sbarrier.arrive $0xFFFF  }
0x94: {  	p0 =	sne.s32 s0, $0x0;
	_ =	strace $0x90000047  }
0x95: {  	s0 =	sadd.s32 @!p0 $0x100000, s1;
	[bflag:$0x2] =	sbarrier.arrive $0xFFFF  }
0x96: {  	[sflag:s0] =	ssyncadd.tile.s32 @!p0 $0x1;
	_ =	shalt  }
.Lfunc_end2:
_tile_overlayer_lowered:
.L_overlay_start_2:
0x97: {  	(tag) =	ssettag $0x2  }
0x98: {  	s0 =	rddreg [dreg:$0x0];
	s2 =	stileid.u32  }
0x99: {  	s1 =	rddreg [dreg:$0x1];
	p0 =	sne.s32 s2, $0x0  }
0x9a: {  	s3 =	rddreg [dreg:$0x2];
	[bflag:$0x3] =	sbarrier.arrive $0xFFFF;
	s2 =	simm.s32 @!p0 $0x1C03  }
0x9b: {  	[timem:s3], [sflag:s2] =	dma.local @!p0 [hbm:s0], s1  }
0x9c: {  	s0 =	simm.s32 @!p0 $0x3  }
0x9d: {  	_ =	swait.ge @!p0 [sflag:s0], s1  }
0x9e: {  	s1 =	ssub.s32 @!p0 $0x0, s1;
	[sflag:s0] =	ssyncset.done @!p0 $0x0  }
0x9f: {  	[sflag:s0] =	ssyncadd.s32 @!p0 s1  }
0xa0: {  	[bflag:$0x3] =	sbarrier.arrive $0xFFFF  }
0xa1: {  	_ =	shalt  }

// kernel: kernel.7.cloned.1.call-start
scs
__scs_entry_jumppad:
0x0: {  	(pc) =	sbr.rel $0x88, $3  }
0x1: {  	(tag) =	ssettag $0x0;
	lr =	simm.s32 $0x1  }
0x2: {  	[smem:$0x3F8D] =	sst lr;
	_ =	strace $0xD0000000  }
0x3: {  	_ = 	snop  }
0x4: {  	_ = 	snop  }
0x5: {  	_ = 	snop  }
0x6: {  	_ = 	snop  }
0x7: {  	_ = 	snop  }
__scs_overlays_trampoline_lowered:
0x8: {  	[smem:$0x3F9C] =	sst s0  }
0x9: {  	[smem:$0x3F9D] =	sst s1  }
0xa: {  	[smem:$0x3F9E] =	sst s2  }
0xb: {  	[smem:$0x3F9F] =	sst s3  }
0xc: {  	[smem:$0x3FA0] =	sst s4  }
0xd: {  	[smem:$0x3FA1] =	sst s5  }
0xe: {  	[smem:$0x3FA2] =	sst s6  }
0xf: {  	[smem:$0x3FA3] =	sst s7  }
0x10: {  	[smem:$0x3FA4] =	sst s8  }
0x11: {  	[smem:$0x3FA5] =	sst s9;
	s0 =	simm.s32 @!p0 $0x0  }
0x12: {  	s1 =	sld [smem:$0x3F8B];
	s0 =	simm.s32 @p0 $0x1  }
0x13: {  	[smem:$0x3FA6] =	sst s0;
	s0 =	simm.s32 @!p1 $0x0  }
0x14: {  	s2 =	sld [smem:$0x3F8A];
	s0 =	simm.s32 @p1 $0x1  }
0x15: {  	[smem:$0x3FA7] =	sst s0;
	s0 =	simm.s32 @!p2 $0x0  }
0x16: {  	s3 =	sld [smem:$0x3FDB];
	s0 =	simm.s32 @p2 $0x1  }
0x17: {  	s4 =	simm.s32 $0x1BF5;
	[smem:$0x3FA9] =	sst s0  }
0x18: {  	s0 =	sld [smem:$0x3F8C];
	_ =	swait.ge [sflag:s4], $0x0  }
0x19: {  	s7 =	sld [smem:$0x3F8D]  }
0x1a: {  	s8 =	sadd.s32 $0xFFFFE003, lr  }
0x1b: {  	s9 =	sadd.s32 $0xFFFFFEF7, lr;
	s5 =	simm.s32 $0xFFFFFFFF;
	p2 =	slt.u32 s8, $0xFFFFF086  }
0x1c: {  	p1 =	slt.u32 s9, $0xF7A;
	s5 =	simm.s32 @!p2 $0x0  }
0x1d: {  	s5 =	simm.s32 @p1 $0x1;
	p0 =	seq.s32 s7, s2  }
0x1e: {  	s7 =	smul.u32 @!p0 $0xF7A, s2;
	p2 =	seq.s32 @!p0 s5, $0x0  }
0x1f: {  	s9 =	smul.u32 $0xF7A, s1;
	s8 =	simm.s32 @!p0 $0x1BF5;
	p2 =	por !p2, p0  }
0x20: {  	[sflag:s8] =	ssyncset.s32 @!p0 $0xFFFFF086;
	s6 =	sadd.s32 @!p0 s3, s7;
	s7 =	simm.s32 @!p0 $0x108  }
0x21: {  	s3 =	sadd.s32 s3, s9;
	s6 =	sadd.s32 @!p0 $0x88, s6;
	s7 =	simm.s32 @p2 $0x1082  }
0x22: {  	[simem:s7], [sflag:s8] =	dma.local @!p0 [hbm:s6], $0xF7A  }
0x23: {  	s9 =	sor.u32 $0xD0000000, s2;
	s6 =	simm.s32 $0x108;
	_ =	swait.ge @!p0 [sflag:s8], $0x0  }
0x24: {  	s3 =	sadd.s32 $0x88, s3;
	s6 =	simm.s32 @!p1 $0x1082;
	[sflag:s4] =	ssyncset.s32 $0xFFFFF086  }
0x25: {  	[simem:s6], [sflag:s4] =	dma.local [hbm:s3], $0xF7A  }
0x26: {  	[smem:$0x3F8D] =	sst s1;
	(tag) =	ssettag s2;
	_ =	strace s9  }
0x27: {  	s1 =	sld [smem:$0x3F9D]  }
0x28: {  	s2 =	sld [smem:$0x3F9E]  }
0x29: {  	s4 =	sld [smem:$0x3FA0]  }
0x2a: {  	p0 =	seq.s32 s5, $0x0;
	s5 =	sld [smem:$0x3FA1]  }
0x2b: {  	s6 =	sld [smem:$0x3FA2]  }
0x2c: {  	s7 =	sld [smem:$0x3FA3]  }
0x2d: {  	s3 =	simm.s32 $0x108;
	s8 =	sld [smem:$0x3FA4]  }
0x2e: {  	s3 =	simm.s32 @!p0 $0x1082;
	s9 =	sld [smem:$0x3FA5]  }
0x2f: {  	lr =	sadd.s32 s0, s3;
	s0 =	sld [smem:$0x3F9C]  }
0x30: {  	s3 =	sld [smem:$0x3F9F]  }
0x31: {  	[smem:$0x3FA8] =	sst s10  }
0x32: {  	s10 =	sld [smem:$0x3FA6];
	_ =	sdelay $0x3  }
0x33: {  	p0 =	seq.s32 s10, $0x1;
	s10 =	sld [smem:$0x3FA8];
	_ =	sdelay $0x3  }
0x34: {  	[smem:$0x3FA8] =	sst s10  }
0x35: {  	s10 =	sld [smem:$0x3FA7];
	_ =	sdelay $0x3  }
0x36: {  	p1 =	seq.s32 s10, $0x1;
	s10 =	sld [smem:$0x3FA8];
	_ =	sdelay $0x3  }
0x37: {  	[smem:$0x3FA8] =	sst s10  }
0x38: {  	s10 =	sld [smem:$0x3FA9]  }
0x39: {  	_ = 	snop;
	(pc) =	sbr.ind lr, $3  }
0x3a: {  	_ = 	snop  }
0x3b: {  	_ = 	snop  }
0x3c: {  	p2 =	seq.s32 s10, $0x1;
	s10 =	sld [smem:$0x3FA8]  }
0x3d: {  	_ =	shalt  }
0x3e: {  	_ =	shalt  }
0x3f: {  	_ =	shalt  }
0x40: {  	_ =	shalt  }
0x41: {  	_ =	shalt  }
0x42: {  	_ =	shalt  }
0x43: {  	_ =	shalt  }
0x44: {  	_ =	shalt  }
0x45: {  	_ =	shalt  }
0x46: {  	_ =	shalt  }
0x47: {  	_ =	shalt  }
0x48: {  	_ =	shalt  }
0x49: {  	_ =	shalt  }
0x4a: {  	_ =	shalt  }
0x4b: {  	_ =	shalt  }
0x4c: {  	_ =	shalt  }
0x4d: {  	_ =	shalt  }
0x4e: {  	_ =	shalt  }
0x4f: {  	_ =	shalt  }
0x50: {  	_ =	shalt  }
0x51: {  	_ =	shalt  }
0x52: {  	_ =	shalt  }
0x53: {  	_ =	shalt  }
0x54: {  	_ =	shalt  }
0x55: {  	_ =	shalt  }
0x56: {  	_ =	shalt  }
0x57: {  	_ =	shalt  }
0x58: {  	_ =	shalt  }
0x59: {  	_ =	shalt  }
0x5a: {  	_ =	shalt  }
0x5b: {  	_ =	shalt  }
0x5c: {  	_ =	shalt  }
0x5d: {  	_ =	shalt  }
0x5e: {  	_ =	shalt  }
0x5f: {  	_ =	shalt  }
0x60: {  	_ =	shalt  }
0x61: {  	_ =	shalt  }
0x62: {  	_ =	shalt  }
0x63: {  	_ =	shalt  }
0x64: {  	_ =	shalt  }
0x65: {  	_ =	shalt  }
0x66: {  	_ =	shalt  }
0x67: {  	_ =	shalt  }
0x68: {  	_ =	shalt  }
0x69: {  	_ =	shalt  }
0x6a: {  	_ =	shalt  }
0x6b: {  	_ =	shalt  }
0x6c: {  	_ =	shalt  }
0x6d: {  	_ =	shalt  }
0x6e: {  	_ =	shalt  }
0x6f: {  	_ =	shalt  }
0x70: {  	_ =	shalt  }
0x71: {  	_ =	shalt  }
0x72: {  	_ =	shalt  }
0x73: {  	_ =	shalt  }
0x74: {  	_ =	shalt  }
0x75: {  	_ =	shalt  }
0x76: {  	_ =	shalt  }
0x77: {  	_ =	shalt  }
0x78: {  	_ =	shalt  }
0x79: {  	_ =	shalt  }
0x7a: {  	_ =	shalt  }
0x7b: {  	_ =	shalt  }
0x7c: {  	_ =	shalt  }
0x7d: {  	_ =	shalt  }
0x7e: {  	_ =	shalt  }
0x7f: {  	_ =	shalt  }
0x80: {  	_ =	shalt  }
0x81: {  	_ =	shalt  }
0x82: {  	_ =	shalt  }
0x83: {  	_ =	shalt  }
0x84: {  	_ =	shalt  }
0x85: {  	_ =	shalt  }
0x86: {  	_ =	shalt  }
0x87: {  	_ =	shalt  }
.Lfunc_end0:
.L_simem_size_0:
called_computation_lowered:
.L_overlay_start_0:
0x88: {  	s2 =	sld [smem:$0x3FD9]  }
0x89: {  	s3 =	sld [smem:$0x3FFE];
	_ =	sdelay $0x1  }
0x8a: {  	s1 =	srdreg.scid  }
0x8b: {  	s0 =	sand.u32 $0x1, s1  }
0x8c: {  	s15 =	sshll.u32 s0, $0xA;
	s2 =	sadd.s32 s3, s2  }
0x8d: {  	s2 =	sadd.s32 s2, s15  }
0x8e: {  	[smem:$0x3FB4] =	sst s2  }
0x8f: {  	_ = 	snop  }
0x90: {  	s2 =	sld [smem:$0x3FD0];
	_ =	sdelay $0x2  }
0x91: {  	s16 =	simm.s32 $0xB;
	s4 =	simm.s32 $0x10  }
0x92: {  	[smem:s4], [sflag:s16] =	dma.local [hbm:s2], $0x1  }
0x93: {  	_ =	swait.eq [sflag:s16], $0x1  }
0x94: {  	[sflag:s16] =	ssyncset.done $0x0  }
0x95: {  	s17 =	sld [smem:$0x10];
	[sflag:s16] =	ssyncadd.s32 $0xFFFFFFFF  }
0x96: {  	s18 =	sld [smem:$0x11];
	(tm) =	ssettm $0x1  }
0x97: {  	s19 =	sld [smem:$0x3FFB];
	_ =	sdelay $0x3  }
0x98: {  	_ =	strace s19  }
0x99: {  	s2 =	sld [smem:$0x3FFC];
	_ =	sdelay $0x3  }
0x9a: {  	_ =	strace s2  }
0x9b: {  	s2 =	sld [smem:$0x3FFD];
	_ =	sdelay $0x3  }
0x9c: {  	_ =	strace s2  }
0x9d: {  	_ =	strace $0x8FFFFFFF  }
0x9e: {  	s20 =	sld [smem:$0x3FDB];
	_ =	sdelay $0x1  }
0x9f: {  	s5 =	simm.s32 $_scs_section_size  }
0xa0: {  	s6 =	simm.s32 $_size__tile_overlayer_lowered;
	s7 =	simm.s32 $_tile_overlayer_lowered  }
0xa1: {  	s8 =	simm.s32 $0x1BFF;
	s21 =	sshll.u32 s7, $0x1;
	s5 =	sadd.s32 s5, s20  }
0xa2: {  	s22 =	simm.s32 $0x0;
	s6 =	sshll.u32 s6, $0x1;
	s7 =	sadd.s32 s21, s5  }
0xa3: {  	[timem:s22], [sflag:s8] =	dma.local [hbm:s7], s6  }
0xa4: {  	_ =	swait.ge [sflag:s8], s6  }
0xa5: {  	s6 =	ssub.s32 $0x0, s6;
	[sflag:s8] =	ssyncset.done $0x0  }
0xa6: {  	[sflag:s8] =	ssyncadd.s32 s6;
	_ =	sdelay $0x1  }
0xa7: {  	s23 =	simm.s32 $0x1B8B  }
0xa8: {  	_ =	swait.ge [sflag:s23], $0x1  }
0xa9: {  	[sflag:s23] =	ssyncset.done $0x0  }
0xaa: {  	[sflag:s23] =	ssyncadd.s32 $0xFFFFFFFF  }
0xab: {  	s6 =	sld [smem:$0x0]  }
0xac: {  	s7 =	sand.u32 $0xFFFFFFFE, s1  }
0xad: {  	p0 =	sne.s32 s1, s7  }
0xae: {  	s7 =	sshll.u32 @p0 s7, $0xE  }
0xaf: {  	s7 =	sadd.s32 @p0 $0x11B8D, s7;
	s8 =	sshll.u32 @p0 s6, $0x11  }
0xb0: {  	s7 =	sor.u32 @p0 s8, s7  }
0xb1: {  	[sflag:s7] =	ssyncadd.remote.s32 @p0 $0x1;
	_ =	sdelay $0x1  }
0xb2: {  	s7 =	simm.s32 @p0 $0x1B8D  }
0xb3: {  	_ =	swait.eq @p0 [sflag:s7], $0x1  }
0xb4: {  	[sflag:s7] =	ssyncadd.s32 @p0 $0xFFFFFFFF  }
0xb5: {  	s8 =	sshll.u32 @!p0 s1, $0xE  }
0xb6: {  	s8 =	sor.u32 @!p0 $0x4000, s8;
	s7 =	simm.s32 @!p0 $0x1B8D  }
0xb7: {  	s6 =	sshll.u32 @!p0 s6, $0x11;
	s8 =	sadd.s32 @!p0 $0x11B8D, s8;
	_ =	swait.eq @!p0 [sflag:s7], $0x1  }
0xb8: {  	s6 =	sor.u32 @!p0 s6, s8;
	[sflag:s7] =	ssyncadd.s32 @!p0 $0xFFFFFFFF  }
0xb9: {  	s25 =	simm.s32 $0x1B8E;
	s24 =	sld [smem:$0x3FFE];
	[sflag:s6] =	ssyncadd.remote.s32 @!p0 $0x1  }
0xba: {  	s26 =	simm.s32 $execute0_lowered;
	[smem:$0x3FD2] =	sst s25  }
0xbb: {  	s7 =	sshll.u32 s26, $0x1;
	_ =	strace $0x80000049;
	[dreg:$0x1] =	wrdreg $0xFFFFFFFF  }
0xbc: {  	s28 =	simm.s32 $_size_execute0_lowered;
	s5 =	sadd.s32 s5, s7;
	[dreg:$0x0] =	wrdreg $0x0  }
0xbd: {  	s7 =	sshll.u32 s28, $0x1;
	[dreg:$0x2] =	wrdreg s5  }
0xbe: {  	[dreg:$0x3] =	wrdreg s7  }
0xbf: {  	[dreg:$0x4] =	wrdreg $0xC0  }
0xc0: {  	_ =	task [dreg:s22], $0x5FFFF  }
0xc1: {  	[dreg:$0x1] =	wrdreg $0xFFFFFFFF  }
0xc2: {  	[dreg:$0x0] =	wrdreg $0x60  }
0xc3: {  	[dreg:$0x2] =	wrdreg s17  }
0xc4: {  	[dreg:$0x3] =	wrdreg s24  }
0xc5: {  	[dreg:$0x4] =	wrdreg s18  }
0xc6: {  	[dreg:$0x5] =	wrdreg $0x9  }
0xc7: {  	_ =	task.clear_ibuf [dreg:s22], $0x6FFFF;
	_ =	strace $0x90000049  }
0xc8: {  	s29 =	simm.s32 $0x9;
	_ =	strace $0x8000004B  }
0xc9: {  	_ =	swait.ge [sflag:s29], $0x1  }
0xca: {  	[sflag:s29] =	ssyncadd.s32 $0xFFFFFFFF  }
0xcb: {  	_ =	strace $0x9000004B  }
0xcc: {  	_ =	sfence  }
0xcd: {  	s30 =	sld [smem:$0x0];
	_ =	sdelay $0x2  }
0xce: {  	s31 =	sshll.u32 s1, $0xD;
	s1 =	sshrl.u32 s1, $0x2  }
0xcf: {  	s4 =	sand.u32 $0x4000, s31;
	s1 =	sadd.s32 s1, s30  }
0xd0: {  	s0 =	sor.u32 s4, s0;
	s1 =	sshll.u32 s1, $0x11  }
0xd1: {  	s0 =	sor.u32 s1, s0  }
0xd2: {  	s0 =	sadd.s32 $0x8F2B, s0  }
0xd3: {  	[sflag:s0] =	ssyncadd.remote.s32 $0x1  }
0xd4: {  	_ =	sfence.sel $0xFFFF  }
0xd5: {  	[dreg:$0x0] =	wrdreg $0xFFFFFFFF;
	(pc) =	sbr.abs _section_cstart, $3  }
0xd6: {  	[dreg:$0x1] =	wrdreg $0xFFFFFFFF  }
0xd7: {  	_ =	task.clear_ibuf [dreg:s22], $0x2FFFF;
	_ =	strace $0x9FFFFFFF  }
0xd8: {  	(tm) =	ssettm $0x7FFFFFFF  }
0xd9: {  	_ =	shalt  }
tec
execute0_lowered:
.L_overlay_start_1:
0x0: {  	(tag) =	ssettag $0x1  }
0x1: {  	s2 =	srdreg.scid  }
0x2: {  	s1 =	rddreg [dreg:$0x0];
	s0 =	stileid.u32;
	s24 =	sand.u32 $0x1, s2  }
0x3: {  	s4 =	rddreg [dreg:$0x1];
	s31 =	sshll.u32 s0, $0xB;
	s3 =	sshll.u32 s24, $0xA  }
0x4: {  	s10 =	rddreg [dreg:$0x2];
	s11 =	sor.u32 s3, s31  }
0x5: {  	s2 =	rddreg [dreg:$0x3];
	s3 =	simm.s32 $0x0;
	s5 =	sshrl.u32 s11, $0x3  }
0x6: {  	[smem:$0x7FF] =	sst s3;
	s4 =	sadd.s32 s5, s4  }
0x7: {  	_ =	strace $0x8000004A;
	s5 =	sadd.s32 $0x84800, s4;
	s4 =	simm.s32 $0x3  }
0x8: {  	[tilespmem:s3], [sflag:$0x3] =	stream.linear.gather [hbm4b:s5+s3], $0x400, $0x38;
	[tilespmem:$0x8400] =	vst v63  }
0x9: {  	_ =	swait.ge [sflag:s4], $0x400  }
0xa: {  	[sflag:s4] =	ssyncset.done $0x0  }
0xb: {  	s6 =	simm.s32 $0x80;
	s7 =	simm.s32 $0x400;
	[sflag:s4] =	ssyncadd.s32 $0xFFFFFC00  }
0xc: {  	[tilespmem:s7], [sflag:$0x1] =	stream.indirect.gather [hbm4b:s1+s6], $0x80, s3, s6, $0xb8;
	[tilespmem:$0x8400] =	vst v63  }
0xd: {  	s8 =	simm.s32 $0x4400;
	s9 =	simm.s32 $0x1  }
0xe: {  	[tilespmem:s8], [sflag:$0x2] =	stream.indirect.gather [hbm4b:s1+s6], $0x80, s6, s6, $0xb8;
	[tilespmem:$0x8400] =	vst v63  }
0xf: {  	_ =	swait.ge [sflag:s9], $0x4000  }
0x10: {  	s11 =	sshll.u32 s11, $0x4;
	[sflag:s9] =	ssyncset.done $0x0  }
0x11: {  	s10 =	sadd.s32 s10, s11;
	[sflag:s9] =	ssyncadd.s32 $0xFFFFC000  }
0x12: {  	[hbm4b:s10+s3] =	stream.linear.scatter [tilespmem:s7], [sflag:$0x3], $0x4000, $0x38;
	[tilespmem:$0x8400] =	vst v63  }
0x13: {  	_ =	swait.ge [sflag:s4], $0x4000  }
0x14: {  	[sflag:s4] =	ssyncset.done $0x0  }
0x15: {  	s12 =	simm.s32 $0x2;
	s11 =	simm.s32 $0x100;
	[sflag:s4] =	ssyncadd.s32 $0xFFFFC000  }
0x16: {  	[tilespmem:s7], [sflag:$0x1] =	stream.indirect.gather [hbm4b:s1+s6], $0x80, s11, s6, $0xb8;
	[tilespmem:$0x8400] =	vst v63  }
0x17: {  	_ =	swait.ge [sflag:s12], $0x4000  }
0x18: {  	[sflag:s12] =	ssyncset.done $0x0  }
0x19: {  	s13 =	sadd.s32 $0x800, s10;
	[sflag:s12] =	ssyncadd.s32 $0xFFFFC000  }
0x1a: {  	[hbm4b:s13+s3] =	stream.linear.scatter [tilespmem:s8], [sflag:$0x3], $0x4000, $0x38;
	[tilespmem:$0x8400] =	vst v63  }
0x1b: {  	_ =	swait.ge [sflag:s4], $0x4000  }
0x1c: {  	[sflag:s4] =	ssyncset.done $0x0  }
0x1d: {  	s14 =	simm.s32 $0x180;
	[sflag:s4] =	ssyncadd.s32 $0xFFFFC000  }
0x1e: {  	[tilespmem:s8], [sflag:$0x2] =	stream.indirect.gather [hbm4b:s1+s6], $0x80, s14, s6, $0xb8;
	[tilespmem:$0x8400] =	vst v63  }
0x1f: {  	_ =	swait.ge [sflag:s9], $0x4000  }
0x20: {  	[sflag:s9] =	ssyncset.done $0x0  }
0x21: {  	s15 =	sadd.s32 $0x1000, s10;
	[sflag:s9] =	ssyncadd.s32 $0xFFFFC000  }
0x22: {  	[hbm4b:s15+s3] =	stream.linear.scatter [tilespmem:s7], [sflag:$0x3], $0x4000, $0x38;
	[tilespmem:$0x8400] =	vst v63  }
0x23: {  	_ =	swait.ge [sflag:s4], $0x4000  }
0x24: {  	[sflag:s4] =	ssyncset.done $0x0  }
0x25: {  	s16 =	simm.s32 $0x200;
	[sflag:s4] =	ssyncadd.s32 $0xFFFFC000  }
0x26: {  	[tilespmem:s7], [sflag:$0x1] =	stream.indirect.gather [hbm4b:s1+s6], $0x80, s16, s6, $0xb8;
	[tilespmem:$0x8400] =	vst v63  }
0x27: {  	_ =	swait.ge [sflag:s12], $0x4000  }
0x28: {  	[sflag:s12] =	ssyncset.done $0x0  }
0x29: {  	s17 =	sadd.s32 $0x1800, s10;
	[sflag:s12] =	ssyncadd.s32 $0xFFFFC000  }
0x2a: {  	[hbm4b:s17+s3] =	stream.linear.scatter [tilespmem:s8], [sflag:$0x3], $0x4000, $0x38;
	[tilespmem:$0x8400] =	vst v63  }
0x2b: {  	_ =	swait.ge [sflag:s4], $0x4000  }
0x2c: {  	[sflag:s4] =	ssyncset.done $0x0  }
0x2d: {  	s18 =	simm.s32 $0x280;
	[sflag:s4] =	ssyncadd.s32 $0xFFFFC000  }
0x2e: {  	[tilespmem:s8], [sflag:$0x2] =	stream.indirect.gather [hbm4b:s1+s6], $0x80, s18, s6, $0xb8;
	[tilespmem:$0x8400] =	vst v63  }
0x2f: {  	_ =	swait.ge [sflag:s9], $0x4000  }
0x30: {  	[sflag:s9] =	ssyncset.done $0x0  }
0x31: {  	s19 =	sadd.s32 $0x2000, s10;
	[sflag:s9] =	ssyncadd.s32 $0xFFFFC000  }
0x32: {  	[hbm4b:s19+s3] =	stream.linear.scatter [tilespmem:s7], [sflag:$0x3], $0x4000, $0x38;
	[tilespmem:$0x8400] =	vst v63  }
0x33: {  	_ =	swait.ge [sflag:s4], $0x4000  }
0x34: {  	[sflag:s4] =	ssyncset.done $0x0  }
0x35: {  	s20 =	simm.s32 $0x300;
	[sflag:s4] =	ssyncadd.s32 $0xFFFFC000  }
0x36: {  	[tilespmem:s7], [sflag:$0x1] =	stream.indirect.gather [hbm4b:s1+s6], $0x80, s20, s6, $0xb8;
	[tilespmem:$0x8400] =	vst v63  }
0x37: {  	_ =	swait.ge [sflag:s12], $0x4000  }
0x38: {  	[sflag:s12] =	ssyncset.done $0x0  }
0x39: {  	s21 =	sadd.s32 $0x2800, s10;
	[sflag:s12] =	ssyncadd.s32 $0xFFFFC000  }
0x3a: {  	[hbm4b:s21+s3] =	stream.linear.scatter [tilespmem:s8], [sflag:$0x3], $0x4000, $0x38;
	[tilespmem:$0x8400] =	vst v63  }
0x3b: {  	_ =	swait.ge [sflag:s4], $0x4000  }
0x3c: {  	[sflag:s4] =	ssyncset.done $0x0  }
0x3d: {  	s22 =	simm.s32 $0x380;
	[sflag:s4] =	ssyncadd.s32 $0xFFFFC000  }
0x3e: {  	[tilespmem:s8], [sflag:$0x2] =	stream.indirect.gather [hbm4b:s1+s6], $0x80, s22, s6, $0xb8;
	[tilespmem:$0x8400] =	vst v63  }
0x3f: {  	_ =	swait.ge [sflag:s9], $0x4000  }
0x40: {  	[sflag:s9] =	ssyncset.done $0x0  }
0x41: {  	s24 =	ssub.s32 $0x2, s24;
	s23 =	sadd.s32 $0x3000, s10;
	[sflag:s9] =	ssyncadd.s32 $0xFFFFC000  }
0x42: {  	[hbm4b:s23+s3] =	stream.linear.scatter [tilespmem:s7], [sflag:$0x3], $0x4000, $0x38;
	[tilespmem:$0x8400] =	vst v63  }
0x43: {  	s25 =	sshrl.u32 s24, $0x1;
	_ =	swait.ge [sflag:s4], $0x4000  }
0x44: {  	s25 =	ssub.s32 s24, s25;
	[sflag:s4] =	ssyncset.done $0x0  }
0x45: {  	s25 =	smax.u32 s25, $0x1;
	[sflag:s4] =	ssyncadd.s32 $0xFFFFC000  }
0x46: {  	p0 =	sne.s32 s25, $0x1;
	_ =	swait.ge [sflag:s12], $0x4000  }
.Ltmp0:
0x47: {  	[sflag:s12] =	ssyncset.done $0x0;
	(pc) =	sbr.rel @!p0 .LBB2_2-.Ltmp0, $4  }
0x48: {  	s24 =	sadd.s32 $0x3800, s10;
	[sflag:s12] =	ssyncadd.s32 $0xFFFFC000  }
0x49: {  	[hbm4b:s24+s3] =	stream.linear.scatter [tilespmem:s8], [sflag:$0x3], $0x4000, $0x38;
	[tilespmem:$0x8400] =	vst v63  }
0x4a: {  	_ =	swait.ge [sflag:s4], $0x4000  }
0x4b: {  	s25 =	sadd.s32 $0xFFFFFFFF, s25;
	[sflag:s4] =	ssyncset.done $0x0  }
.LBB2_1:
0x4c: {  	p0 =	sne.s32 s25, $0x1;
	s25 =	sadd.s32 $0xFFFFFFFF, s25;
	[sflag:s4] =	ssyncadd.s32 $0xFFFFC000  }
0x4d: {  	[tilespmem:s3], [sflag:$0x3] =	stream.linear.gather [hbm4b:s5+s3], $0x400, $0x38;
	[tilespmem:$0x8400] =	vst v63  }
0x4e: {  	_ =	swait.ge [sflag:s4], $0x400  }
0x4f: {  	[sflag:s4] =	ssyncset.done $0x0  }
0x50: {  	[sflag:s4] =	ssyncadd.s32 $0xFFFFFC00  }
0x51: {  	[tilespmem:s7], [sflag:$0x1] =	stream.indirect.gather [hbm4b:s1+s6], $0x80, s3, s6, $0xb8;
	[tilespmem:$0x8400] =	vst v63  }
0x52: {  	_ = 	snop  }
0x53: {  	[tilespmem:s8], [sflag:$0x2] =	stream.indirect.gather [hbm4b:s1+s6], $0x80, s6, s6, $0xb8;
	[tilespmem:$0x8400] =	vst v63  }
0x54: {  	_ =	swait.ge [sflag:s9], $0x4000  }
0x55: {  	[sflag:s9] =	ssyncset.done $0x0  }
0x56: {  	[sflag:s9] =	ssyncadd.s32 $0xFFFFC000  }
0x57: {  	[hbm4b:s10+s3] =	stream.linear.scatter [tilespmem:s7], [sflag:$0x3], $0x4000, $0x38;
	[tilespmem:$0x8400] =	vst v63  }
0x58: {  	_ =	swait.ge [sflag:s4], $0x4000  }
0x59: {  	[sflag:s4] =	ssyncset.done $0x0  }
0x5a: {  	[sflag:s4] =	ssyncadd.s32 $0xFFFFC000  }
0x5b: {  	[tilespmem:s7], [sflag:$0x1] =	stream.indirect.gather [hbm4b:s1+s6], $0x80, s11, s6, $0xb8;
	[tilespmem:$0x8400] =	vst v63  }
0x5c: {  	_ =	swait.ge [sflag:s12], $0x4000  }
0x5d: {  	[sflag:s12] =	ssyncset.done $0x0  }
0x5e: {  	[sflag:s12] =	ssyncadd.s32 $0xFFFFC000  }
0x5f: {  	[hbm4b:s13+s3] =	stream.linear.scatter [tilespmem:s8], [sflag:$0x3], $0x4000, $0x38;
	[tilespmem:$0x8400] =	vst v63  }
0x60: {  	_ =	swait.ge [sflag:s4], $0x4000  }
0x61: {  	[sflag:s4] =	ssyncset.done $0x0  }
0x62: {  	[sflag:s4] =	ssyncadd.s32 $0xFFFFC000  }
0x63: {  	[tilespmem:s8], [sflag:$0x2] =	stream.indirect.gather [hbm4b:s1+s6], $0x80, s14, s6, $0xb8;
	[tilespmem:$0x8400] =	vst v63  }
0x64: {  	_ =	swait.ge [sflag:s9], $0x4000  }
0x65: {  	[sflag:s9] =	ssyncset.done $0x0  }
0x66: {  	[sflag:s9] =	ssyncadd.s32 $0xFFFFC000  }
0x67: {  	[hbm4b:s15+s3] =	stream.linear.scatter [tilespmem:s7], [sflag:$0x3], $0x4000, $0x38;
	[tilespmem:$0x8400] =	vst v63  }
0x68: {  	_ =	swait.ge [sflag:s4], $0x4000  }
0x69: {  	[sflag:s4] =	ssyncset.done $0x0  }
0x6a: {  	[sflag:s4] =	ssyncadd.s32 $0xFFFFC000  }
0x6b: {  	[tilespmem:s7], [sflag:$0x1] =	stream.indirect.gather [hbm4b:s1+s6], $0x80, s16, s6, $0xb8;
	[tilespmem:$0x8400] =	vst v63  }
0x6c: {  	_ =	swait.ge [sflag:s12], $0x4000  }
0x6d: {  	[sflag:s12] =	ssyncset.done $0x0  }
0x6e: {  	[sflag:s12] =	ssyncadd.s32 $0xFFFFC000  }
0x6f: {  	[hbm4b:s17+s3] =	stream.linear.scatter [tilespmem:s8], [sflag:$0x3], $0x4000, $0x38;
	[tilespmem:$0x8400] =	vst v63  }
0x70: {  	_ =	swait.ge [sflag:s4], $0x4000  }
0x71: {  	[sflag:s4] =	ssyncset.done $0x0  }
0x72: {  	[sflag:s4] =	ssyncadd.s32 $0xFFFFC000  }
0x73: {  	[tilespmem:s8], [sflag:$0x2] =	stream.indirect.gather [hbm4b:s1+s6], $0x80, s18, s6, $0xb8;
	[tilespmem:$0x8400] =	vst v63  }
0x74: {  	_ =	swait.ge [sflag:s9], $0x4000  }
0x75: {  	[sflag:s9] =	ssyncset.done $0x0  }
0x76: {  	[sflag:s9] =	ssyncadd.s32 $0xFFFFC000  }
0x77: {  	[hbm4b:s19+s3] =	stream.linear.scatter [tilespmem:s7], [sflag:$0x3], $0x4000, $0x38;
	[tilespmem:$0x8400] =	vst v63  }
0x78: {  	_ =	swait.ge [sflag:s4], $0x4000  }
0x79: {  	[sflag:s4] =	ssyncset.done $0x0  }
0x7a: {  	[sflag:s4] =	ssyncadd.s32 $0xFFFFC000  }
0x7b: {  	[tilespmem:s7], [sflag:$0x1] =	stream.indirect.gather [hbm4b:s1+s6], $0x80, s20, s6, $0xb8;
	[tilespmem:$0x8400] =	vst v63  }
0x7c: {  	_ =	swait.ge [sflag:s12], $0x4000  }
0x7d: {  	[sflag:s12] =	ssyncset.done $0x0  }
0x7e: {  	[sflag:s12] =	ssyncadd.s32 $0xFFFFC000  }
0x7f: {  	[hbm4b:s21+s3] =	stream.linear.scatter [tilespmem:s8], [sflag:$0x3], $0x4000, $0x38;
	[tilespmem:$0x8400] =	vst v63  }
0x80: {  	_ =	swait.ge [sflag:s4], $0x4000  }
0x81: {  	[sflag:s4] =	ssyncset.done $0x0  }
0x82: {  	[sflag:s4] =	ssyncadd.s32 $0xFFFFC000  }
0x83: {  	[tilespmem:s8], [sflag:$0x2] =	stream.indirect.gather [hbm4b:s1+s6], $0x80, s22, s6, $0xb8;
	[tilespmem:$0x8400] =	vst v63  }
0x84: {  	_ =	swait.ge [sflag:s9], $0x4000  }
0x85: {  	[sflag:s9] =	ssyncset.done $0x0  }
0x86: {  	[sflag:s9] =	ssyncadd.s32 $0xFFFFC000  }
0x87: {  	[hbm4b:s23+s3] =	stream.linear.scatter [tilespmem:s7], [sflag:$0x3], $0x4000, $0x38;
	[tilespmem:$0x8400] =	vst v63  }
0x88: {  	_ =	swait.ge [sflag:s4], $0x4000  }
0x89: {  	[sflag:s4] =	ssyncset.done $0x0  }
0x8a: {  	[sflag:s4] =	ssyncadd.s32 $0xFFFFC000  }
0x8b: {  	_ =	swait.ge [sflag:s12], $0x4000  }
.Ltmp1:
0x8c: {  	[sflag:s12] =	ssyncset.done $0x0;
	(pc) =	sbr.rel @p0 .LBB2_1-.Ltmp1, $4  }
0x8d: {  	[sflag:s12] =	ssyncadd.s32 $0xFFFFC000  }
0x8e: {  	[hbm4b:s24+s3] =	stream.linear.scatter [tilespmem:s8], [sflag:$0x3], $0x4000, $0x38;
	[tilespmem:$0x8400] =	vst v63  }
0x8f: {  	_ =	swait.ge [sflag:s4], $0x4000  }
0x90: {  	[sflag:s4] =	ssyncset.done $0x0  }
.LBB2_2:
0x91: {  	[sflag:s4] =	ssyncadd.s32 $0xFFFFC000  }
0x92: {  	_ =	sfence.sel $0x180000  }
0x93: {  	[bflag:$0x0] =	sbarrier.arrive $0xFFFF  }
0x94: {  	p0 =	sne.s32 s0, $0x0;
	_ =	strace $0x9000004A  }
0x95: {  	s0 =	sadd.s32 @!p0 $0x100000, s2;
	[bflag:$0x2] =	sbarrier.arrive $0xFFFF  }
0x96: {  	[sflag:s0] =	ssyncadd.tile.s32 @!p0 $0x1;
	_ =	shalt  }
.Lfunc_end2:
_tile_overlayer_lowered:
.L_overlay_start_2:
0x97: {  	(tag) =	ssettag $0x2  }
0x98: {  	s0 =	rddreg [dreg:$0x0];
	s2 =	stileid.u32  }
0x99: {  	s1 =	rddreg [dreg:$0x1];
	p0 =	sne.s32 s2, $0x0  }
0x9a: {  	s3 =	rddreg [dreg:$0x2];
	[bflag:$0x3] =	sbarrier.arrive $0xFFFF;
	s2 =	simm.s32 @!p0 $0x1C03  }
0x9b: {  	[timem:s3], [sflag:s2] =	dma.local @!p0 [hbm:s0], s1  }
0x9c: {  	s0 =	simm.s32 @!p0 $0x3  }
0x9d: {  	_ =	swait.ge @!p0 [sflag:s0], s1  }
0x9e: {  	s1 =	ssub.s32 @!p0 $0x0, s1;
	[sflag:s0] =	ssyncset.done @!p0 $0x0  }
0x9f: {  	[sflag:s0] =	ssyncadd.s32 @!p0 s1  }
0xa0: {  	[bflag:$0x3] =	sbarrier.arrive $0xFFFF  }
0xa1: {  	_ =	shalt  }

</sc_bundles>
